<compile_context>
chip_gen: v7x
topology: tpu7x:2x2x1
jax: 0.10.2.dev20260603
libtpu: 0.0.44.dev20260713+nightly
codegen_flags: <defaults>
</compile_context>

<pallas_src>
import jax
import jax.numpy as jnp
from jax import lax
from jax.experimental import pallas as pl
from jax.experimental.pallas import tpu as pltpu
from jax.experimental.pallas import tpu_sc as plsc

N = 10000
N_PAD = 10240
D = 128
HD = D // 2
ROW_BLOCK = 1024

NT = 16
CHUNKS = 160
CW = 128
EPT = CHUNKS * CW
EPAD = NT * EPT
STRIPE = N_PAD // NT
NBUF = 2


def _spmm_body(xh_hbm, idx_hbm, w_hbm, out_hbm, idx_v, w_v, rows0, rows1,
               acc_s, gsems, ssems):
    rows = (rows0, rows1)
    c = lax.axis_index("c")
    s = lax.axis_index("s")
    pltpu.sync_copy(idx_hbm.at[s], idx_v)
    pltpu.sync_copy(w_hbm.at[s], w_v)

    base = c * N

    def offs(r, _):
        for k in range(CW // 16):
            sl = pl.ds(k * 16, 16)
            idx_v[r, sl] = idx_v[r, sl] + base
        return 0
    lax.fori_loop(0, CHUNKS, offs, 0)

    def zrow(e, _):
        for k in range(HD // 16):
            rows0[e, pl.ds(k * 16, 16)] = jnp.zeros((16,), jnp.float32)
        return 0
    lax.fori_loop(0, CW, zrow, 0)

    def zacc(t, _):
        pltpu.sync_copy(rows0, acc_s.at[pl.ds(s * STRIPE + t * CW, CW)])
        return 0
    lax.fori_loop(0, STRIPE // CW, zacc, 0)
    plsc.subcore_barrier()

    def scale(b, j):
        def grp(g, _):
            wvec = w_v[j, pl.ds(g * 16, 16)]
            for l in range(16):
                w = wvec[l]
                e = g * 16 + l
                for k in range(HD // 16):
                    sl = pl.ds(k * 16, 16)
                    rows[b][e, sl] = rows[b][e, sl] * w
            return 0
        lax.fori_loop(0, CW // 16, grp, 0)

    for b in range(NBUF):
        pltpu.async_copy(xh_hbm.at[idx_v.at[b]], rows[b], gsems.at[b])

    T = CHUNKS // NBUF

    def super_chunk(t, _):
        scats = []
        for b in range(NBUF):
            j = t * NBUF + b
            pltpu.make_async_copy(xh_hbm.at[idx_v.at[j]], rows[b],
                                  gsems.at[b]).wait()
            scale(b, j)
            scats.append(pltpu.async_copy(
                rows[b], acc_s.at[idx_v.at[CHUNKS + j]], ssems.at[b],
                add=True))
        for b in range(NBUF):
            scats[b].wait()

            @pl.when(t < T - 1)
            def _():
                jn = (t + 1) * NBUF + b
                pltpu.async_copy(xh_hbm.at[idx_v.at[jn]], rows[b],
                                 gsems.at[b])
        return 0
    lax.fori_loop(0, T, super_chunk, 0)
    plsc.subcore_barrier()

    pltpu.sync_copy(acc_s.at[pl.ds(s * STRIPE, STRIPE)],
                    out_hbm.at[c, pl.ds(s * STRIPE, STRIPE)])


@jax.jit
def _spmm(xh, idxpack, wp):
    mesh = plsc.VectorSubcoreMesh(core_axis_name="c", subcore_axis_name="s")
    return pl.kernel(
        _spmm_body,
        out_type=jax.ShapeDtypeStruct((2, N_PAD, HD), jnp.float32),
        mesh=mesh,
        compiler_params=pltpu.CompilerParams(use_tc_tiling_on_sc=False),
        scratch_types=[
            pltpu.VMEM((2 * CHUNKS, CW), jnp.int32),
            pltpu.VMEM((CHUNKS, CW), jnp.float32),
            pltpu.VMEM((CW, HD), jnp.float32),
            pltpu.VMEM((CW, HD), jnp.float32),
            pltpu.VMEM_SHARED((N_PAD, HD), jnp.float32),
            pltpu.SemaphoreType.DMA((NBUF,)),
            pltpu.SemaphoreType.DMA((NBUF,)),
        ],
    )(xh, idxpack, wp)


def _gru_ln_body(ns_ref, agg0_ref, agg1_ref, wx_ref, bx_ref, wh_ref, bh_ref,
                 g_ref, b_ref, out_ref):
    agg = jnp.concatenate([agg0_ref[...], agg1_ref[...]], axis=1)
    res = jnp.maximum(agg, 0.0)
    gx = jax.lax.dot_general(
        res, wx_ref[...], (((1,), (1,)), ((), ())),
        preferred_element_type=jnp.float32) + bx_ref[...]

    def step(_, hx):
        gh = jax.lax.dot_general(
            hx, wh_ref[...], (((1,), (1,)), ((), ())),
            preferred_element_type=jnp.float32) + bh_ref[...]
        i_r, i_i, i_n = gx[:, :D], gx[:, D:2 * D], gx[:, 2 * D:]
        h_r, h_i, h_n = gh[:, :D], gh[:, D:2 * D], gh[:, 2 * D:]
        rg = jax.nn.sigmoid(i_r + h_r)
        ig = jax.nn.sigmoid(i_i + h_i)
        ng = jnp.tanh(i_n + rg * h_n)
        return ng + ig * (hx - ng)

    hx = jax.lax.fori_loop(0, ns_ref[0], step, jnp.zeros_like(res))
    mean = jnp.mean(hx, axis=-1, keepdims=True)
    var = jnp.mean((hx - mean) ** 2, axis=-1, keepdims=True)
    out_ref[...] = (hx - mean) * jax.lax.rsqrt(var + 1e-5) * g_ref[...] + b_ref[...]


@jax.jit
def _gru_ln(agg0, agg1, W_x2h, b_x2h, W_h2h, b_h2h, ln_gamma, ln_beta, ns):
    n = agg0.shape[0]
    grid = (n // ROW_BLOCK,)
    full = lambda i: (0, 0)
    return pl.pallas_call(
        _gru_ln_body,
        grid=grid,
        in_specs=[
            pl.BlockSpec(memory_space=pltpu.SMEM),
            pl.BlockSpec((ROW_BLOCK, HD), lambda i: (i, 0)),
            pl.BlockSpec((ROW_BLOCK, HD), lambda i: (i, 0)),
            pl.BlockSpec((3 * D, D), full),
            pl.BlockSpec((1, 3 * D), full),
            pl.BlockSpec((3 * D, D), full),
            pl.BlockSpec((1, 3 * D), full),
            pl.BlockSpec((1, D), full),
            pl.BlockSpec((1, D), full),
        ],
        out_specs=pl.BlockSpec((ROW_BLOCK, D), lambda i: (i, 0)),
        out_shape=jax.ShapeDtypeStruct((n, D), jnp.float32),
    )(ns, agg0, agg1, W_x2h, b_x2h.reshape(1, -1), W_h2h,
      b_h2h.reshape(1, -1), ln_gamma.reshape(1, -1), ln_beta.reshape(1, -1))


def kernel(x, edge_index, edge_weight, W_x2h, b_x2h, W_h2h, b_h2h,
           ln_gamma, ln_beta, num_steps):
    e = edge_index.shape[1]
    pad = EPAD - e
    srcp = jnp.pad(edge_index[0], (0, pad)).reshape(NT, CHUNKS, CW)
    dstp = jnp.pad(edge_index[1], (0, pad)).reshape(NT, CHUNKS, CW)
    wp = jnp.pad(edge_weight, (0, pad)).reshape(NT, CHUNKS, CW)
    idxpack = jnp.concatenate([srcp, dstp], axis=1)
    xh = jnp.concatenate([x[:, :HD], x[:, HD:]], axis=0)
    parts = _spmm(xh, idxpack, wp)
    ns = jnp.asarray(num_steps, jnp.int32).reshape(1)
    out = _gru_ln(parts[0], parts[1], W_x2h, b_x2h, W_h2h, b_h2h,
                  ln_gamma, ln_beta, ns)
    return out[: x.shape[0]]

# --- scband reference (transcript-rebuilt; emitter-appended) ---
"""Pipeline reference for scband-core-diffusion-89601607729639 (READ-ONLY COPY).

The authoritative reference and input builder live on the scoring server;
editing this copy changes nothing except your own understanding.
"""

import jax, jax.numpy as jnp
import numpy as np
import math

N = 10000
E = 320000
D = 128
K = 3


def setup_inputs(seed: int = 0) -> dict:
    key = jax.random.key(seed)
    ks = jax.random.split(key, 8)
    x = jax.random.normal(ks[0], (N, D), dtype=jnp.float32)
    edge_index = jax.random.randint(ks[1], (2, E), 0, N, dtype=jnp.int32)
    edge_weight = jax.random.uniform(ks[2], (E,), dtype=jnp.float32)
    std = 1.0 / math.sqrt(D)
    W_x2h = jax.random.uniform(ks[3], (3 * D, D), minval=-std, maxval=std, dtype=jnp.float32)
    b_x2h = jax.random.uniform(ks[4], (3 * D,), minval=-std, maxval=std, dtype=jnp.float32)
    W_h2h = jax.random.uniform(ks[5], (3 * D, D), minval=-std, maxval=std, dtype=jnp.float32)
    b_h2h = jax.random.uniform(ks[6], (3 * D,), minval=-std, maxval=std, dtype=jnp.float32)
    ln_gamma = jnp.ones((D,), dtype=jnp.float32)
    ln_beta = jnp.zeros((D,), dtype=jnp.float32)
    return {
        "x": x,
        "edge_index": edge_index,
        "edge_weight": edge_weight,
        "W_x2h": W_x2h,
        "b_x2h": b_x2h,
        "W_h2h": W_h2h,
        "b_h2h": b_h2h,
        "ln_gamma": ln_gamma,
        "ln_beta": ln_beta,
        "num_steps": K,
    }


def reference(x, edge_index, edge_weight, W_x2h, b_x2h, W_h2h, b_h2h, ln_gamma, ln_beta, num_steps):
    # CoreDiffusion.forward with rnn_type='GRU'.
    # adj_list is represented as num_steps applications of the same sparse
    # adjacency given in COO form (edge_index, edge_weight).
    n = x.shape[0]
    src = edge_index[0]
    dst = edge_index[1]
    out_dim = W_h2h.shape[1]
    hx = jnp.zeros((n, out_dim), dtype=x.dtype)

    def body(_, hx):
        # res = relu(torch.sparse.mm(adj, x)); row i accumulates over incoming edges
        msg = x[src] * edge_weight[:, None]
        agg = jax.ops.segment_sum(msg, dst, num_segments=n)
        res = jax.nn.relu(agg)
        # GRUCell
        gate_x = res @ W_x2h.T + b_x2h
        gate_h = hx @ W_h2h.T + b_h2h
        i_r, i_i, i_n = jnp.split(gate_x, 3, axis=1)
        h_r, h_i, h_n = jnp.split(gate_h, 3, axis=1)
        resetgate = jax.nn.sigmoid(i_r + h_r)
        inputgate = jax.nn.sigmoid(i_i + h_i)
        newgate = jnp.tanh(i_n + resetgate * h_n)
        return newgate + inputgate * (hx - newgate)

    hx = jax.lax.fori_loop(0, num_steps, body, hx)
    # LayerNorm (eps=1e-5, default torch affine params)
    mean = jnp.mean(hx, axis=-1, keepdims=True)
    var = jnp.var(hx, axis=-1, keepdims=True)
    hx = (hx - mean) / jnp.sqrt(var + 1e-5) * ln_gamma + ln_beta
    return hx

if __name__ == "__main__":
    import jax
    _d = setup_inputs()
    print(jax.jit(kernel)(*tuple(_d.values())))

</pallas_src>

<mosaic_0001>
#map = affine_map<(d0, d1) -> (0, 0)>
#map1 = affine_map<(d0, d1) -> (0, 0, 0)>
module attributes {stable_mosaic.version = 14 : i64} {
  func.func @_spmm_body(%arg0: i32, %arg1: i32, %arg2: memref<20000x64xf32, #tpu.memory_space<hbm>>, %arg3: memref<16x320x128xi32, #tpu.memory_space<hbm>>, %arg4: memref<16x160x128xf32, #tpu.memory_space<hbm>>, %arg5: memref<2x10240x64xf32, #tpu.memory_space<hbm>>, %arg6: memref<320x128xi32, #tpu.memory_space<vmem>>, %arg7: memref<160x128xf32, #tpu.memory_space<vmem>>, %arg8: memref<128x64xf32, #tpu.memory_space<vmem>>, %arg9: memref<128x64xf32, #tpu.memory_space<vmem>>, %arg10: memref<10240x64xf32, #tpu.memory_space<vmem_shared>>, %arg11: memref<2x!tpu.dma_semaphore, #tpu.memory_space<semaphore_mem>>, %arg12: memref<2x!tpu.dma_semaphore, #tpu.memory_space<semaphore_mem>>) attributes {dimension_semantics = [#tpu.dimension_semantics<core_parallel>, #tpu.dimension_semantics<subcore_parallel>], iteration_bounds = array<i64: 2, 16>, scalar_prefetch = 0 : i64, scratch_operands = 7 : i64, tpu.core_type = #tpu.core_type<sc_vector_subcore>, window_params = [{transform_indices = #map}, {transform_indices = #map1}, {transform_indices = #map1}, {transform_indices = #map1}]} {
    "tpu.region"() ({
      %run_scoped3A = tpu.sem_alloc : memref<!tpu.dma_semaphore, #tpu.memory_space<semaphore_mem>>
      %dma_start3A_52 = arith.constant 0 : i32
      %dma_start3A_53 = arith.constant 0 : i32
      %dma_start3A_54 = tpu.memref_slice %arg3[%arg1, %dma_start3A_52, %dma_start3A_53] : memref<16x320x128xi32, #tpu.memory_space<hbm>> -> memref<1x320x128xi32, #tpu.memory_space<hbm>>
      %dma_start3A_55 = tpu.memref_squeeze %dma_start3A_54 : memref<1x320x128xi32, #tpu.memory_space<hbm>> -> memref<320x128xi32, #tpu.memory_space<hbm>>
      %dma_start3A_56 = arith.constant 0 : i32
      %dma_start3A_57 = arith.constant 0 : i32
      %dma_start3A_58 = tpu.memref_slice %arg3[%arg1, %dma_start3A_56, %dma_start3A_57] : memref<16x320x128xi32, #tpu.memory_space<hbm>> -> memref<1x320x128xi32, #tpu.memory_space<hbm>>
      %dma_start3A_59 = tpu.memref_squeeze %dma_start3A_58 : memref<1x320x128xi32, #tpu.memory_space<hbm>> -> memref<320x128xi32, #tpu.memory_space<hbm>>
      tpu.enqueue_dma source(%dma_start3A_59 : memref<320x128xi32, #tpu.memory_space<hbm>>) target(%arg6 : memref<320x128xi32, #tpu.memory_space<vmem>>) target_semaphore(%run_scoped3A : memref<!tpu.dma_semaphore, #tpu.memory_space<semaphore_mem>>)
      %dma_wait3A = arith.constant 0 : i32
      %dma_wait3A_60 = arith.constant 0 : i32
      %dma_wait3A_61 = tpu.memref_slice %arg3[%arg1, %dma_wait3A, %dma_wait3A_60] : memref<16x320x128xi32, #tpu.memory_space<hbm>> -> memref<1x320x128xi32, #tpu.memory_space<hbm>>
      %dma_wait3A_62 = tpu.memref_squeeze %dma_wait3A_61 : memref<1x320x128xi32, #tpu.memory_space<hbm>> -> memref<320x128xi32, #tpu.memory_space<hbm>>
      %dma_wait3A_63 = arith.constant 0 : i32
      %dma_wait3A_64 = arith.constant 0 : i32
      %dma_wait3A_65 = tpu.memref_slice %arg3[%arg1, %dma_wait3A_63, %dma_wait3A_64] : memref<16x320x128xi32, #tpu.memory_space<hbm>> -> memref<1x320x128xi32, #tpu.memory_space<hbm>>
      %dma_wait3A_66 = tpu.memref_squeeze %dma_wait3A_65 : memref<1x320x128xi32, #tpu.memory_space<hbm>> -> memref<320x128xi32, #tpu.memory_space<hbm>>
      tpu.wait_dma2 semaphore(%run_scoped3A : memref<!tpu.dma_semaphore, #tpu.memory_space<semaphore_mem>>) src(%dma_wait3A_66 : memref<320x128xi32, #tpu.memory_space<hbm>>) dst(%arg6 : memref<320x128xi32, #tpu.memory_space<vmem>>)
      tpu.yield
    }) : () -> ()
    "tpu.region"() ({
      %run_scoped3A = tpu.sem_alloc : memref<!tpu.dma_semaphore, #tpu.memory_space<semaphore_mem>>
      %dma_start3A_52 = arith.constant 0 : i32
      %dma_start3A_53 = arith.constant 0 : i32
      %dma_start3A_54 = tpu.memref_slice %arg4[%arg1, %dma_start3A_52, %dma_start3A_53] : memref<16x160x128xf32, #tpu.memory_space<hbm>> -> memref<1x160x128xf32, #tpu.memory_space<hbm>>
      %dma_start3A_55 = tpu.memref_squeeze %dma_start3A_54 : memref<1x160x128xf32, #tpu.memory_space<hbm>> -> memref<160x128xf32, #tpu.memory_space<hbm>>
      %dma_start3A_56 = arith.constant 0 : i32
      %dma_start3A_57 = arith.constant 0 : i32
      %dma_start3A_58 = tpu.memref_slice %arg4[%arg1, %dma_start3A_56, %dma_start3A_57] : memref<16x160x128xf32, #tpu.memory_space<hbm>> -> memref<1x160x128xf32, #tpu.memory_space<hbm>>
      %dma_start3A_59 = tpu.memref_squeeze %dma_start3A_58 : memref<1x160x128xf32, #tpu.memory_space<hbm>> -> memref<160x128xf32, #tpu.memory_space<hbm>>
      tpu.enqueue_dma source(%dma_start3A_59 : memref<160x128xf32, #tpu.memory_space<hbm>>) target(%arg7 : memref<160x128xf32, #tpu.memory_space<vmem>>) target_semaphore(%run_scoped3A : memref<!tpu.dma_semaphore, #tpu.memory_space<semaphore_mem>>)
      %dma_wait3A = arith.constant 0 : i32
      %dma_wait3A_60 = arith.constant 0 : i32
      %dma_wait3A_61 = tpu.memref_slice %arg4[%arg1, %dma_wait3A, %dma_wait3A_60] : memref<16x160x128xf32, #tpu.memory_space<hbm>> -> memref<1x160x128xf32, #tpu.memory_space<hbm>>
      %dma_wait3A_62 = tpu.memref_squeeze %dma_wait3A_61 : memref<1x160x128xf32, #tpu.memory_space<hbm>> -> memref<160x128xf32, #tpu.memory_space<hbm>>
      %dma_wait3A_63 = arith.constant 0 : i32
      %dma_wait3A_64 = arith.constant 0 : i32
      %dma_wait3A_65 = tpu.memref_slice %arg4[%arg1, %dma_wait3A_63, %dma_wait3A_64] : memref<16x160x128xf32, #tpu.memory_space<hbm>> -> memref<1x160x128xf32, #tpu.memory_space<hbm>>
      %dma_wait3A_66 = tpu.memref_squeeze %dma_wait3A_65 : memref<1x160x128xf32, #tpu.memory_space<hbm>> -> memref<160x128xf32, #tpu.memory_space<hbm>>
      tpu.wait_dma2 semaphore(%run_scoped3A : memref<!tpu.dma_semaphore, #tpu.memory_space<semaphore_mem>>) src(%dma_wait3A_66 : memref<160x128xf32, #tpu.memory_space<hbm>>) dst(%arg7 : memref<160x128xf32, #tpu.memory_space<vmem>>)
      tpu.yield
    }) : () -> ()
    %mul3A = arith.constant 10000 : i32
    %mul3A_0 = arith.muli %arg0, %mul3A : i32
    %scan3A = arith.constant 0 : i32
    %scan3A_1 = arith.constant 0 : i32
    %scan3A_2 = arith.constant 160 : i32
    %scan3A_3 = arith.addi %scan3A_1, %scan3A_2 : i32
    %scan3A_4 = arith.constant 1 : i32
    %scan3A_5 = scf.for %scan3A_52 = %scan3A_1 to %scan3A_3 step %scan3A_4 iter_args(%scan3A_53 = %scan3A) -> (i32)  : i32 {
      %get3A = arith.index_cast %scan3A_52 : i32 to index
      %get3A_54 = arith.constant 0 : index
      %get3A_55 = tpu.vector_load %arg6[%get3A, %get3A_54] {strides = array<i32>} : memref<320x128xi32, #tpu.memory_space<vmem>>, vector<1x16xi32>,
      %get3A_56 = vector.shape_cast %get3A_55 : vector<1x16xi32> to vector<16xi32>
      %add3A = vector.broadcast %mul3A_0 : i32 to vector<16xi32>
      %add3A_57 = arith.addi %get3A_56, %add3A : vector<16xi32>
      %swap3A = arith.index_cast %scan3A_52 : i32 to index
      %swap3A_58 = arith.constant 0 : index
      %swap3A_59 = tpu.vector_load %arg6[%swap3A, %swap3A_58] {strides = array<i32>} : memref<320x128xi32, #tpu.memory_space<vmem>>, vector<1x16xi32>,
      %swap3A_60 = vector.shape_cast %swap3A_59 : vector<1x16xi32> to vector<16xi32>
      %swap3A_61 = vector.shape_cast %add3A_57 : vector<16xi32> to vector<1x16xi32>
      tpu.vector_store %arg6[%swap3A, %swap3A_58], %swap3A_61 {strides = array<i32>} : memref<320x128xi32, #tpu.memory_space<vmem>>, vector<1x16xi32>,
      %get3A_62 = arith.index_cast %scan3A_52 : i32 to index
      %get3A_63 = arith.constant 16 : index
      %get3A_64 = tpu.vector_load %arg6[%get3A_62, %get3A_63] {strides = array<i32>} : memref<320x128xi32, #tpu.memory_space<vmem>>, vector<1x16xi32>,
      %get3A_65 = vector.shape_cast %get3A_64 : vector<1x16xi32> to vector<16xi32>
      %add3A_66 = vector.broadcast %mul3A_0 : i32 to vector<16xi32>
      %add3A_67 = arith.addi %get3A_65, %add3A_66 : vector<16xi32>
      %swap3A_68 = arith.index_cast %scan3A_52 : i32 to index
      %swap3A_69 = arith.constant 16 : index
      %swap3A_70 = tpu.vector_load %arg6[%swap3A_68, %swap3A_69] {strides = array<i32>} : memref<320x128xi32, #tpu.memory_space<vmem>>, vector<1x16xi32>,
      %swap3A_71 = vector.shape_cast %swap3A_70 : vector<1x16xi32> to vector<16xi32>
      %swap3A_72 = vector.shape_cast %add3A_67 : vector<16xi32> to vector<1x16xi32>
      tpu.vector_store %arg6[%swap3A_68, %swap3A_69], %swap3A_72 {strides = array<i32>} : memref<320x128xi32, #tpu.memory_space<vmem>>, vector<1x16xi32>,
      %get3A_73 = arith.index_cast %scan3A_52 : i32 to index
      %get3A_74 = arith.constant 32 : index
      %get3A_75 = tpu.vector_load %arg6[%get3A_73, %get3A_74] {strides = array<i32>} : memref<320x128xi32, #tpu.memory_space<vmem>>, vector<1x16xi32>,
      %get3A_76 = vector.shape_cast %get3A_75 : vector<1x16xi32> to vector<16xi32>
      %add3A_77 = vector.broadcast %mul3A_0 : i32 to vector<16xi32>
      %add3A_78 = arith.addi %get3A_76, %add3A_77 : vector<16xi32>
      %swap3A_79 = arith.index_cast %scan3A_52 : i32 to index
      %swap3A_80 = arith.constant 32 : index
      %swap3A_81 = tpu.vector_load %arg6[%swap3A_79, %swap3A_80] {strides = array<i32>} : memref<320x128xi32, #tpu.memory_space<vmem>>, vector<1x16xi32>,
      %swap3A_82 = vector.shape_cast %swap3A_81 : vector<1x16xi32> to vector<16xi32>
      %swap3A_83 = vector.shape_cast %add3A_78 : vector<16xi32> to vector<1x16xi32>
      tpu.vector_store %arg6[%swap3A_79, %swap3A_80], %swap3A_83 {strides = array<i32>} : memref<320x128xi32, #tpu.memory_space<vmem>>, vector<1x16xi32>,
      %get3A_84 = arith.index_cast %scan3A_52 : i32 to index
      %get3A_85 = arith.constant 48 : index
      %get3A_86 = tpu.vector_load %arg6[%get3A_84, %get3A_85] {strides = array<i32>} : memref<320x128xi32, #tpu.memory_space<vmem>>, vector<1x16xi32>,
      %get3A_87 = vector.shape_cast %get3A_86 : vector<1x16xi32> to vector<16xi32>
      %add3A_88 = vector.broadcast %mul3A_0 : i32 to vector<16xi32>
      %add3A_89 = arith.addi %get3A_87, %add3A_88 : vector<16xi32>
      %swap3A_90 = arith.index_cast %scan3A_52 : i32 to index
      %swap3A_91 = arith.constant 48 : index
      %swap3A_92 = tpu.vector_load %arg6[%swap3A_90, %swap3A_91] {strides = array<i32>} : memref<320x128xi32, #tpu.memory_space<vmem>>, vector<1x16xi32>,
      %swap3A_93 = vector.shape_cast %swap3A_92 : vector<1x16xi32> to vector<16xi32>
      %swap3A_94 = vector.shape_cast %add3A_89 : vector<16xi32> to vector<1x16xi32>
      tpu.vector_store %arg6[%swap3A_90, %swap3A_91], %swap3A_94 {strides = array<i32>} : memref<320x128xi32, #tpu.memory_space<vmem>>, vector<1x16xi32>,
      %get3A_95 = arith.index_cast %scan3A_52 : i32 to index
      %get3A_96 = arith.constant 64 : index
      %get3A_97 = tpu.vector_load %arg6[%get3A_95, %get3A_96] {strides = array<i32>} : memref<320x128xi32, #tpu.memory_space<vmem>>, vector<1x16xi32>,
      %get3A_98 = vector.shape_cast %get3A_97 : vector<1x16xi32> to vector<16xi32>
      %add3A_99 = vector.broadcast %mul3A_0 : i32 to vector<16xi32>
      %add3A_100 = arith.addi %get3A_98, %add3A_99 : vector<16xi32>
      %swap3A_101 = arith.index_cast %scan3A_52 : i32 to index
      %swap3A_102 = arith.constant 64 : index
      %swap3A_103 = tpu.vector_load %arg6[%swap3A_101, %swap3A_102] {strides = array<i32>} : memref<320x128xi32, #tpu.memory_space<vmem>>, vector<1x16xi32>,
      %swap3A_104 = vector.shape_cast %swap3A_103 : vector<1x16xi32> to vector<16xi32>
      %swap3A_105 = vector.shape_cast %add3A_100 : vector<16xi32> to vector<1x16xi32>
      tpu.vector_store %arg6[%swap3A_101, %swap3A_102], %swap3A_105 {strides = array<i32>} : memref<320x128xi32, #tpu.memory_space<vmem>>, vector<1x16xi32>,
      %get3A_106 = arith.index_cast %scan3A_52 : i32 to index
      %get3A_107 = arith.constant 80 : index
      %get3A_108 = tpu.vector_load %arg6[%get3A_106, %get3A_107] {strides = array<i32>} : memref<320x128xi32, #tpu.memory_space<vmem>>, vector<1x16xi32>,
      %get3A_109 = vector.shape_cast %get3A_108 : vector<1x16xi32> to vector<16xi32>
      %add3A_110 = vector.broadcast %mul3A_0 : i32 to vector<16xi32>
      %add3A_111 = arith.addi %get3A_109, %add3A_110 : vector<16xi32>
      %swap3A_112 = arith.index_cast %scan3A_52 : i32 to index
      %swap3A_113 = arith.constant 80 : index
      %swap3A_114 = tpu.vector_load %arg6[%swap3A_112, %swap3A_113] {strides = array<i32>} : memref<320x128xi32, #tpu.memory_space<vmem>>, vector<1x16xi32>,
      %swap3A_115 = vector.shape_cast %swap3A_114 : vector<1x16xi32> to vector<16xi32>
      %swap3A_116 = vector.shape_cast %add3A_111 : vector<16xi32> to vector<1x16xi32>
      tpu.vector_store %arg6[%swap3A_112, %swap3A_113], %swap3A_116 {strides = array<i32>} : memref<320x128xi32, #tpu.memory_space<vmem>>, vector<1x16xi32>,
      %get3A_117 = arith.index_cast %scan3A_52 : i32 to index
      %get3A_118 = arith.constant 96 : index
      %get3A_119 = tpu.vector_load %arg6[%get3A_117, %get3A_118] {strides = array<i32>} : memref<320x128xi32, #tpu.memory_space<vmem>>, vector<1x16xi32>,
      %get3A_120 = vector.shape_cast %get3A_119 : vector<1x16xi32> to vector<16xi32>
      %add3A_121 = vector.broadcast %mul3A_0 : i32 to vector<16xi32>
      %add3A_122 = arith.addi %get3A_120, %add3A_121 : vector<16xi32>
      %swap3A_123 = arith.index_cast %scan3A_52 : i32 to index
      %swap3A_124 = arith.constant 96 : index
      %swap3A_125 = tpu.vector_load %arg6[%swap3A_123, %swap3A_124] {strides = array<i32>} : memref<320x128xi32, #tpu.memory_space<vmem>>, vector<1x16xi32>,
      %swap3A_126 = vector.shape_cast %swap3A_125 : vector<1x16xi32> to vector<16xi32>
      %swap3A_127 = vector.shape_cast %add3A_122 : vector<16xi32> to vector<1x16xi32>
      tpu.vector_store %arg6[%swap3A_123, %swap3A_124], %swap3A_127 {strides = array<i32>} : memref<320x128xi32, #tpu.memory_space<vmem>>, vector<1x16xi32>,
      %get3A_128 = arith.index_cast %scan3A_52 : i32 to index
      %get3A_129 = arith.constant 112 : index
      %get3A_130 = tpu.vector_load %arg6[%get3A_128, %get3A_129] {strides = array<i32>} : memref<320x128xi32, #tpu.memory_space<vmem>>, vector<1x16xi32>,
      %get3A_131 = vector.shape_cast %get3A_130 : vector<1x16xi32> to vector<16xi32>
      %add3A_132 = vector.broadcast %mul3A_0 : i32 to vector<16xi32>
      %add3A_133 = arith.addi %get3A_131, %add3A_132 : vector<16xi32>
      %swap3A_134 = arith.index_cast %scan3A_52 : i32 to index
      %swap3A_135 = arith.constant 112 : index
      %swap3A_136 = tpu.vector_load %arg6[%swap3A_134, %swap3A_135] {strides = array<i32>} : memref<320x128xi32, #tpu.memory_space<vmem>>, vector<1x16xi32>,
      %swap3A_137 = vector.shape_cast %swap3A_136 : vector<1x16xi32> to vector<16xi32>
      %swap3A_138 = vector.shape_cast %add3A_133 : vector<16xi32> to vector<1x16xi32>
      tpu.vector_store %arg6[%swap3A_134, %swap3A_135], %swap3A_138 {strides = array<i32>} : memref<320x128xi32, #tpu.memory_space<vmem>>, vector<1x16xi32>,
      %scan3A_139 = arith.constant 0 : i32
      scf.yield %scan3A_139 : i32
    }
    %scan3A_6 = arith.constant 160 : i32
    %scan3A_7 = arith.constant 0 : i32
    %scan3A_8 = arith.constant 0 : i32
    %scan3A_9 = arith.constant 128 : i32
    %scan3A_10 = arith.addi %scan3A_8, %scan3A_9 : i32
    %scan3A_11 = arith.constant 1 : i32
    %scan3A_12 = scf.for %scan3A_52 = %scan3A_8 to %scan3A_10 step %scan3A_11 iter_args(%scan3A_53 = %scan3A_7) -> (i32)  : i32 {
      %broadcast_in_dim3A = arith.constant 0.000000e+00 : f32
      %broadcast_in_dim3A_54 = vector.broadcast %broadcast_in_dim3A : f32 to vector<16xf32>
      %swap3A = arith.index_cast %scan3A_52 : i32 to index
      %swap3A_55 = arith.constant 0 : index
      %swap3A_56 = tpu.vector_load %arg8[%swap3A, %swap3A_55] {strides = array<i32>} : memref<128x64xf32, #tpu.memory_space<vmem>>, vector<1x16xf32>,
      %swap3A_57 = vector.shape_cast %swap3A_56 : vector<1x16xf32> to vector<16xf32>
      %swap3A_58 = vector.shape_cast %broadcast_in_dim3A_54 : vector<16xf32> to vector<1x16xf32>
      tpu.vector_store %arg8[%swap3A, %swap3A_55], %swap3A_58 {strides = array<i32>} : memref<128x64xf32, #tpu.memory_space<vmem>>, vector<1x16xf32>,
      %broadcast_in_dim3A_59 = arith.constant 0.000000e+00 : f32
      %broadcast_in_dim3A_60 = vector.broadcast %broadcast_in_dim3A_59 : f32 to vector<16xf32>
      %swap3A_61 = arith.index_cast %scan3A_52 : i32 to index
      %swap3A_62 = arith.constant 16 : index
      %swap3A_63 = tpu.vector_load %arg8[%swap3A_61, %swap3A_62] {strides = array<i32>} : memref<128x64xf32, #tpu.memory_space<vmem>>, vector<1x16xf32>,
      %swap3A_64 = vector.shape_cast %swap3A_63 : vector<1x16xf32> to vector<16xf32>
      %swap3A_65 = vector.shape_cast %broadcast_in_dim3A_60 : vector<16xf32> to vector<1x16xf32>
      tpu.vector_store %arg8[%swap3A_61, %swap3A_62], %swap3A_65 {strides = array<i32>} : memref<128x64xf32, #tpu.memory_space<vmem>>, vector<1x16xf32>,
      %broadcast_in_dim3A_66 = arith.constant 0.000000e+00 : f32
      %broadcast_in_dim3A_67 = vector.broadcast %broadcast_in_dim3A_66 : f32 to vector<16xf32>
      %swap3A_68 = arith.index_cast %scan3A_52 : i32 to index
      %swap3A_69 = arith.constant 32 : index
      %swap3A_70 = tpu.vector_load %arg8[%swap3A_68, %swap3A_69] {strides = array<i32>} : memref<128x64xf32, #tpu.memory_space<vmem>>, vector<1x16xf32>,
      %swap3A_71 = vector.shape_cast %swap3A_70 : vector<1x16xf32> to vector<16xf32>
      %swap3A_72 = vector.shape_cast %broadcast_in_dim3A_67 : vector<16xf32> to vector<1x16xf32>
      tpu.vector_store %arg8[%swap3A_68, %swap3A_69], %swap3A_72 {strides = array<i32>} : memref<128x64xf32, #tpu.memory_space<vmem>>, vector<1x16xf32>,
      %broadcast_in_dim3A_73 = arith.constant 0.000000e+00 : f32
      %broadcast_in_dim3A_74 = vector.broadcast %broadcast_in_dim3A_73 : f32 to vector<16xf32>
      %swap3A_75 = arith.index_cast %scan3A_52 : i32 to index
      %swap3A_76 = arith.constant 48 : index
      %swap3A_77 = tpu.vector_load %arg8[%swap3A_75, %swap3A_76] {strides = array<i32>} : memref<128x64xf32, #tpu.memory_space<vmem>>, vector<1x16xf32>,
      %swap3A_78 = vector.shape_cast %swap3A_77 : vector<1x16xf32> to vector<16xf32>
      %swap3A_79 = vector.shape_cast %broadcast_in_dim3A_74 : vector<16xf32> to vector<1x16xf32>
      tpu.vector_store %arg8[%swap3A_75, %swap3A_76], %swap3A_79 {strides = array<i32>} : memref<128x64xf32, #tpu.memory_space<vmem>>, vector<1x16xf32>,
      %scan3A_80 = arith.constant 0 : i32
      scf.yield %scan3A_80 : i32
    }
    %scan3A_13 = arith.constant 128 : i32
    %scan3A_14 = arith.constant 0 : i32
    %scan3A_15 = arith.constant 0 : i32
    %scan3A_16 = arith.constant 5 : i32
    %scan3A_17 = arith.addi %scan3A_15, %scan3A_16 : i32
    %scan3A_18 = arith.constant 1 : i32
    %scan3A_19 = scf.for %scan3A_52 = %scan3A_15 to %scan3A_17 step %scan3A_18 iter_args(%scan3A_53 = %scan3A_14) -> (i32)  : i32 {
      %mul3A_54 = arith.constant 640 : i32
      %mul3A_55 = arith.muli %arg1, %mul3A_54 : i32
      %mul3A_56 = arith.constant 128 : i32
      %mul3A_57 = arith.muli %scan3A_52, %mul3A_56 : i32
      %add3A = arith.addi %mul3A_55, %mul3A_57 : i32
      "tpu.region"() ({
        %run_scoped3A = tpu.sem_alloc : memref<!tpu.dma_semaphore, #tpu.memory_space<semaphore_mem>>
        %dma_start3A_59 = arith.constant 0 : i32
        %dma_start3A_60 = tpu.memref_slice %arg10[%add3A, %dma_start3A_59] : memref<10240x64xf32, #tpu.memory_space<vmem_shared>> -> memref<128x64xf32, #tpu.memory_space<vmem_shared>>
        %dma_start3A_61 = arith.constant 0 : i32
        %dma_start3A_62 = tpu.memref_slice %arg10[%add3A, %dma_start3A_61] : memref<10240x64xf32, #tpu.memory_space<vmem_shared>> -> memref<128x64xf32, #tpu.memory_space<vmem_shared>>
        tpu.enqueue_dma source(%arg8 : memref<128x64xf32, #tpu.memory_space<vmem>>) target(%dma_start3A_62 : memref<128x64xf32, #tpu.memory_space<vmem_shared>>) target_semaphore(%run_scoped3A : memref<!tpu.dma_semaphore, #tpu.memory_space<semaphore_mem>>)
        %dma_wait3A = arith.constant 0 : i32
        %dma_wait3A_63 = tpu.memref_slice %arg10[%add3A, %dma_wait3A] : memref<10240x64xf32, #tpu.memory_space<vmem_shared>> -> memref<128x64xf32, #tpu.memory_space<vmem_shared>>
        %dma_wait3A_64 = arith.constant 0 : i32
        %dma_wait3A_65 = tpu.memref_slice %arg10[%add3A, %dma_wait3A_64] : memref<10240x64xf32, #tpu.memory_space<vmem_shared>> -> memref<128x64xf32, #tpu.memory_space<vmem_shared>>
        tpu.wait_dma2 semaphore(%run_scoped3A : memref<!tpu.dma_semaphore, #tpu.memory_space<semaphore_mem>>) src(%arg8 : memref<128x64xf32, #tpu.memory_space<vmem>>) dst(%dma_wait3A_65 : memref<128x64xf32, #tpu.memory_space<vmem_shared>>)
        tpu.yield
      }) : () -> ()
      %scan3A_58 = arith.constant 0 : i32
      scf.yield %scan3A_58 : i32
    }
    %scan3A_20 = arith.constant 5 : i32
    %barrier3A = arith.constant 0 : index
    tpu.barrier barrier_id(%barrier3A)
    %dma_start3A = arith.constant 0 : i32
    %dma_start3A_21 = arith.constant 0 : i32
    %dma_start3A_22 = arith.constant 0 : i32
    %dma_start3A_23 = tpu.memref_slice %arg6[%dma_start3A, %dma_start3A_22] : memref<320x128xi32, #tpu.memory_space<vmem>> -> memref<1x128xi32, #tpu.memory_space<vmem>>
    %dma_start3A_24 = tpu.memref_squeeze %dma_start3A_23 : memref<1x128xi32, #tpu.memory_space<vmem>> -> memref<128xi32, #tpu.memory_space<vmem>>
    %dma_start3A_25 = arith.constant 0 : i32
    %dma_start3A_26 = arith.constant 0 : i32
    %dma_start3A_27 = tpu.memref_slice %arg2[%dma_start3A_25, %dma_start3A_26] : memref<20000x64xf32, #tpu.memory_space<hbm>> -> memref<20000x64xf32, #tpu.memory_space<hbm>>
    %dma_start3A_28 = tpu.memref_slice %arg11[%dma_start3A_21] : memref<2x!tpu.dma_semaphore, #tpu.memory_space<semaphore_mem>> -> memref<1x!tpu.dma_semaphore, #tpu.memory_space<semaphore_mem>>
    %dma_start3A_29 = tpu.memref_squeeze %dma_start3A_28 : memref<1x!tpu.dma_semaphore, #tpu.memory_space<semaphore_mem>> -> memref<!tpu.dma_semaphore, #tpu.memory_space<semaphore_mem>>
    tpu.enqueue_indirect_dma source(%dma_start3A_27 : memref<20000x64xf32, #tpu.memory_space<hbm>>) target(%arg8 : memref<128x64xf32, #tpu.memory_space<vmem>>) offsets(%dma_start3A_24 : memref<128xi32, #tpu.memory_space<vmem>>) semaphore(%dma_start3A_29 : memref<!tpu.dma_semaphore, #tpu.memory_space<semaphore_mem>>)
    %dma_start3A_30 = arith.constant 1 : i32
    %dma_start3A_31 = arith.constant 1 : i32
    %dma_start3A_32 = arith.constant 0 : i32
    %dma_start3A_33 = tpu.memref_slice %arg6[%dma_start3A_30, %dma_start3A_32] : memref<320x128xi32, #tpu.memory_space<vmem>> -> memref<1x128xi32, #tpu.memory_space<vmem>>
    %dma_start3A_34 = tpu.memref_squeeze %dma_start3A_33 : memref<1x128xi32, #tpu.memory_space<vmem>> -> memref<128xi32, #tpu.memory_space<vmem>>
    %dma_start3A_35 = arith.constant 0 : i32
    %dma_start3A_36 = arith.constant 0 : i32
    %dma_start3A_37 = tpu.memref_slice %arg2[%dma_start3A_35, %dma_start3A_36] : memref<20000x64xf32, #tpu.memory_space<hbm>> -> memref<20000x64xf32, #tpu.memory_space<hbm>>
    %dma_start3A_38 = tpu.memref_slice %arg11[%dma_start3A_31] : memref<2x!tpu.dma_semaphore, #tpu.memory_space<semaphore_mem>> -> memref<1x!tpu.dma_semaphore, #tpu.memory_space<semaphore_mem>>
    %dma_start3A_39 = tpu.memref_squeeze %dma_start3A_38 : memref<1x!tpu.dma_semaphore, #tpu.memory_space<semaphore_mem>> -> memref<!tpu.dma_semaphore, #tpu.memory_space<semaphore_mem>>
    tpu.enqueue_indirect_dma source(%dma_start3A_37 : memref<20000x64xf32, #tpu.memory_space<hbm>>) target(%arg9 : memref<128x64xf32, #tpu.memory_space<vmem>>) offsets(%dma_start3A_34 : memref<128xi32, #tpu.memory_space<vmem>>) semaphore(%dma_start3A_39 : memref<!tpu.dma_semaphore, #tpu.memory_space<semaphore_mem>>)
    %scan3A_40 = arith.constant 0 : i32
    %scan3A_41 = arith.constant 0 : i32
    %scan3A_42 = arith.constant 80 : i32
    %scan3A_43 = arith.addi %scan3A_41, %scan3A_42 : i32
    %scan3A_44 = arith.constant 1 : i32
    %scan3A_45 = scf.for %scan3A_52 = %scan3A_41 to %scan3A_43 step %scan3A_44 iter_args(%scan3A_53 = %scan3A_40) -> (i32)  : i32 {
      %mul3A_54 = arith.constant 2 : i32
      %mul3A_55 = arith.muli %scan3A_52, %mul3A_54 : i32
      %add3A = arith.constant 0 : i32
      %add3A_56 = arith.addi %mul3A_55, %add3A : i32
      %dma_wait3A = arith.constant 0 : i32
      %dma_wait3A_57 = arith.constant 0 : i32
      %dma_wait3A_58 = tpu.memref_slice %arg6[%add3A_56, %dma_wait3A_57] : memref<320x128xi32, #tpu.memory_space<vmem>> -> memref<1x128xi32, #tpu.memory_space<vmem>>
      %dma_wait3A_59 = tpu.memref_squeeze %dma_wait3A_58 : memref<1x128xi32, #tpu.memory_space<vmem>> -> memref<128xi32, #tpu.memory_space<vmem>>
      %dma_wait3A_60 = arith.constant 0 : i32
      %dma_wait3A_61 = arith.constant 0 : i32
      %dma_wait3A_62 = tpu.memref_slice %arg2[%dma_wait3A_60, %dma_wait3A_61] : memref<20000x64xf32, #tpu.memory_space<hbm>> -> memref<20000x64xf32, #tpu.memory_space<hbm>>
      %dma_wait3A_63 = tpu.memref_slice %arg11[%dma_wait3A] : memref<2x!tpu.dma_semaphore, #tpu.memory_space<semaphore_mem>> -> memref<1x!tpu.dma_semaphore, #tpu.memory_space<semaphore_mem>>
      %dma_wait3A_64 = tpu.memref_squeeze %dma_wait3A_63 : memref<1x!tpu.dma_semaphore, #tpu.memory_space<semaphore_mem>> -> memref<!tpu.dma_semaphore, #tpu.memory_space<semaphore_mem>>
      tpu.wait_indirect_dma semaphore(%dma_wait3A_64 : memref<!tpu.dma_semaphore, #tpu.memory_space<semaphore_mem>>) src(%dma_wait3A_62 : memref<20000x64xf32, #tpu.memory_space<hbm>>) dst(%arg8 : memref<128x64xf32, #tpu.memory_space<vmem>>)
      %scan3A_65 = arith.constant 0 : i32
      %scan3A_66 = arith.constant 0 : i32
      %scan3A_67 = arith.constant 8 : i32
      %scan3A_68 = arith.addi %scan3A_66, %scan3A_67 : i32
      %scan3A_69 = arith.constant 1 : i32
      %scan3A_70 = scf.for %scan3A_140 = %scan3A_66 to %scan3A_68 step %scan3A_69 iter_args(%scan3A_141 = %scan3A_65) -> (i32)  : i32 {
        %mul3A_142 = arith.constant 16 : i32
        %mul3A_143 = arith.muli %scan3A_140, %mul3A_142 : i32
        %get3A = arith.index_cast %add3A_56 : i32 to index
        %get3A_144 = arith.index_cast %mul3A_143 : i32 to index
        %get3A_145 = tpu.vector_load %arg7[%get3A, %get3A_144] {strides = array<i32>} : memref<160x128xf32, #tpu.memory_space<vmem>>, vector<1x16xf32>,
        %get3A_146 = vector.shape_cast %get3A_145 : vector<1x16xf32> to vector<16xf32>
        %slice3A = vector.extract_strided_slice %get3A_146 {offsets = [0], sizes = [1], strides = [1]} : vector<16xf32> to vector<1xf32>
        %squeeze3A = vector.extract %slice3A[0] : f32 from vector<1xf32>
        %mul3A_147 = arith.constant 16 : i32
        %mul3A_148 = arith.muli %scan3A_140, %mul3A_147 : i32
        %add3A_149 = arith.constant 0 : i32
        %add3A_150 = arith.addi %mul3A_148, %add3A_149 : i32
        %get3A_151 = arith.index_cast %add3A_150 : i32 to index
        %get3A_152 = arith.constant 0 : index
        %get3A_153 = tpu.vector_load %arg8[%get3A_151, %get3A_152] {strides = array<i32>} : memref<128x64xf32, #tpu.memory_space<vmem>>, vector<1x16xf32>,
        %get3A_154 = vector.shape_cast %get3A_153 : vector<1x16xf32> to vector<16xf32>
        %mul3A_155 = vector.broadcast %squeeze3A : f32 to vector<16xf32>
        %mul3A_156 = arith.mulf %get3A_154, %mul3A_155 : vector<16xf32>
        %swap3A = arith.index_cast %add3A_150 : i32 to index
        %swap3A_157 = arith.constant 0 : index
        %swap3A_158 = tpu.vector_load %arg8[%swap3A, %swap3A_157] {strides = array<i32>} : memref<128x64xf32, #tpu.memory_space<vmem>>, vector<1x16xf32>,
        %swap3A_159 = vector.shape_cast %swap3A_158 : vector<1x16xf32> to vector<16xf32>
        %swap3A_160 = vector.shape_cast %mul3A_156 : vector<16xf32> to vector<1x16xf32>
        tpu.vector_store %arg8[%swap3A, %swap3A_157], %swap3A_160 {strides = array<i32>} : memref<128x64xf32, #tpu.memory_space<vmem>>, vector<1x16xf32>,
        %get3A_161 = arith.index_cast %add3A_150 : i32 to index
        %get3A_162 = arith.constant 16 : index
        %get3A_163 = tpu.vector_load %arg8[%get3A_161, %get3A_162] {strides = array<i32>} : memref<128x64xf32, #tpu.memory_space<vmem>>, vector<1x16xf32>,
        %get3A_164 = vector.shape_cast %get3A_163 : vector<1x16xf32> to vector<16xf32>
        %mul3A_165 = vector.broadcast %squeeze3A : f32 to vector<16xf32>
        %mul3A_166 = arith.mulf %get3A_164, %mul3A_165 : vector<16xf32>
        %swap3A_167 = arith.index_cast %add3A_150 : i32 to index
        %swap3A_168 = arith.constant 16 : index
        %swap3A_169 = tpu.vector_load %arg8[%swap3A_167, %swap3A_168] {strides = array<i32>} : memref<128x64xf32, #tpu.memory_space<vmem>>, vector<1x16xf32>,
        %swap3A_170 = vector.shape_cast %swap3A_169 : vector<1x16xf32> to vector<16xf32>
        %swap3A_171 = vector.shape_cast %mul3A_166 : vector<16xf32> to vector<1x16xf32>
        tpu.vector_store %arg8[%swap3A_167, %swap3A_168], %swap3A_171 {strides = array<i32>} : memref<128x64xf32, #tpu.memory_space<vmem>>, vector<1x16xf32>,
        %get3A_172 = arith.index_cast %add3A_150 : i32 to index
        %get3A_173 = arith.constant 32 : index
        %get3A_174 = tpu.vector_load %arg8[%get3A_172, %get3A_173] {strides = array<i32>} : memref<128x64xf32, #tpu.memory_space<vmem>>, vector<1x16xf32>,
        %get3A_175 = vector.shape_cast %get3A_174 : vector<1x16xf32> to vector<16xf32>
        %mul3A_176 = vector.broadcast %squeeze3A : f32 to vector<16xf32>
        %mul3A_177 = arith.mulf %get3A_175, %mul3A_176 : vector<16xf32>
        %swap3A_178 = arith.index_cast %add3A_150 : i32 to index
        %swap3A_179 = arith.constant 32 : index
        %swap3A_180 = tpu.vector_load %arg8[%swap3A_178, %swap3A_179] {strides = array<i32>} : memref<128x64xf32, #tpu.memory_space<vmem>>, vector<1x16xf32>,
        %swap3A_181 = vector.shape_cast %swap3A_180 : vector<1x16xf32> to vector<16xf32>
        %swap3A_182 = vector.shape_cast %mul3A_177 : vector<16xf32> to vector<1x16xf32>
        tpu.vector_store %arg8[%swap3A_178, %swap3A_179], %swap3A_182 {strides = array<i32>} : memref<128x64xf32, #tpu.memory_space<vmem>>, vector<1x16xf32>,
        %get3A_183 = arith.index_cast %add3A_150 : i32 to index
        %get3A_184 = arith.constant 48 : index
        %get3A_185 = tpu.vector_load %arg8[%get3A_183, %get3A_184] {strides = array<i32>} : memref<128x64xf32, #tpu.memory_space<vmem>>, vector<1x16xf32>,
        %get3A_186 = vector.shape_cast %get3A_185 : vector<1x16xf32> to vector<16xf32>
        %mul3A_187 = vector.broadcast %squeeze3A : f32 to vector<16xf32>
        %mul3A_188 = arith.mulf %get3A_186, %mul3A_187 : vector<16xf32>
        %swap3A_189 = arith.index_cast %add3A_150 : i32 to index
        %swap3A_190 = arith.constant 48 : index
        %swap3A_191 = tpu.vector_load %arg8[%swap3A_189, %swap3A_190] {strides = array<i32>} : memref<128x64xf32, #tpu.memory_space<vmem>>, vector<1x16xf32>,
        %swap3A_192 = vector.shape_cast %swap3A_191 : vector<1x16xf32> to vector<16xf32>
        %swap3A_193 = vector.shape_cast %mul3A_188 : vector<16xf32> to vector<1x16xf32>
        tpu.vector_store %arg8[%swap3A_189, %swap3A_190], %swap3A_193 {strides = array<i32>} : memref<128x64xf32, #tpu.memory_space<vmem>>, vector<1x16xf32>,
        %slice3A_194 = vector.extract_strided_slice %get3A_146 {offsets = [1], sizes = [1], strides = [1]} : vector<16xf32> to vector<1xf32>
        %squeeze3A_195 = vector.extract %slice3A_194[0] : f32 from vector<1xf32>
        %mul3A_196 = arith.constant 16 : i32
        %mul3A_197 = arith.muli %scan3A_140, %mul3A_196 : i32
        %add3A_198 = arith.constant 1 : i32
        %add3A_199 = arith.addi %mul3A_197, %add3A_198 : i32
        %get3A_200 = arith.index_cast %add3A_199 : i32 to index
        %get3A_201 = arith.constant 0 : index
        %get3A_202 = tpu.vector_load %arg8[%get3A_200, %get3A_201] {strides = array<i32>} : memref<128x64xf32, #tpu.memory_space<vmem>>, vector<1x16xf32>,
        %get3A_203 = vector.shape_cast %get3A_202 : vector<1x16xf32> to vector<16xf32>
        %mul3A_204 = vector.broadcast %squeeze3A_195 : f32 to vector<16xf32>
        %mul3A_205 = arith.mulf %get3A_203, %mul3A_204 : vector<16xf32>
        %swap3A_206 = arith.index_cast %add3A_199 : i32 to index
        %swap3A_207 = arith.constant 0 : index
        %swap3A_208 = tpu.vector_load %arg8[%swap3A_206, %swap3A_207] {strides = array<i32>} : memref<128x64xf32, #tpu.memory_space<vmem>>, vector<1x16xf32>,
        %swap3A_209 = vector.shape_cast %swap3A_208 : vector<1x16xf32> to vector<16xf32>
        %swap3A_210 = vector.shape_cast %mul3A_205 : vector<16xf32> to vector<1x16xf32>
        tpu.vector_store %arg8[%swap3A_206, %swap3A_207], %swap3A_210 {strides = array<i32>} : memref<128x64xf32, #tpu.memory_space<vmem>>, vector<1x16xf32>,
        %get3A_211 = arith.index_cast %add3A_199 : i32 to index
        %get3A_212 = arith.constant 16 : index
        %get3A_213 = tpu.vector_load %arg8[%get3A_211, %get3A_212] {strides = array<i32>} : memref<128x64xf32, #tpu.memory_space<vmem>>, vector<1x16xf32>,
        %get3A_214 = vector.shape_cast %get3A_213 : vector<1x16xf32> to vector<16xf32>
        %mul3A_215 = vector.broadcast %squeeze3A_195 : f32 to vector<16xf32>
        %mul3A_216 = arith.mulf %get3A_214, %mul3A_215 : vector<16xf32>
        %swap3A_217 = arith.index_cast %add3A_199 : i32 to index
        %swap3A_218 = arith.constant 16 : index
        %swap3A_219 = tpu.vector_load %arg8[%swap3A_217, %swap3A_218] {strides = array<i32>} : memref<128x64xf32, #tpu.memory_space<vmem>>, vector<1x16xf32>,
        %swap3A_220 = vector.shape_cast %swap3A_219 : vector<1x16xf32> to vector<16xf32>
        %swap3A_221 = vector.shape_cast %mul3A_216 : vector<16xf32> to vector<1x16xf32>
        tpu.vector_store %arg8[%swap3A_217, %swap3A_218], %swap3A_221 {strides = array<i32>} : memref<128x64xf32, #tpu.memory_space<vmem>>, vector<1x16xf32>,
        %get3A_222 = arith.index_cast %add3A_199 : i32 to index
        %get3A_223 = arith.constant 32 : index
        %get3A_224 = tpu.vector_load %arg8[%get3A_222, %get3A_223] {strides = array<i32>} : memref<128x64xf32, #tpu.memory_space<vmem>>, vector<1x16xf32>,
        %get3A_225 = vector.shape_cast %get3A_224 : vector<1x16xf32> to vector<16xf32>
        %mul3A_226 = vector.broadcast %squeeze3A_195 : f32 to vector<16xf32>
        %mul3A_227 = arith.mulf %get3A_225, %mul3A_226 : vector<16xf32>
        %swap3A_228 = arith.index_cast %add3A_199 : i32 to index
        %swap3A_229 = arith.constant 32 : index
        %swap3A_230 = tpu.vector_load %arg8[%swap3A_228, %swap3A_229] {strides = array<i32>} : memref<128x64xf32, #tpu.memory_space<vmem>>, vector<1x16xf32>,
        %swap3A_231 = vector.shape_cast %swap3A_230 : vector<1x16xf32> to vector<16xf32>
        %swap3A_232 = vector.shape_cast %mul3A_227 : vector<16xf32> to vector<1x16xf32>
        tpu.vector_store %arg8[%swap3A_228, %swap3A_229], %swap3A_232 {strides = array<i32>} : memref<128x64xf32, #tpu.memory_space<vmem>>, vector<1x16xf32>,
        %get3A_233 = arith.index_cast %add3A_199 : i32 to index
        %get3A_234 = arith.constant 48 : index
        %get3A_235 = tpu.vector_load %arg8[%get3A_233, %get3A_234] {strides = array<i32>} : memref<128x64xf32, #tpu.memory_space<vmem>>, vector<1x16xf32>,
        %get3A_236 = vector.shape_cast %get3A_235 : vector<1x16xf32> to vector<16xf32>
        %mul3A_237 = vector.broadcast %squeeze3A_195 : f32 to vector<16xf32>
        %mul3A_238 = arith.mulf %get3A_236, %mul3A_237 : vector<16xf32>
        %swap3A_239 = arith.index_cast %add3A_199 : i32 to index
        %swap3A_240 = arith.constant 48 : index
        %swap3A_241 = tpu.vector_load %arg8[%swap3A_239, %swap3A_240] {strides = array<i32>} : memref<128x64xf32, #tpu.memory_space<vmem>>, vector<1x16xf32>,
        %swap3A_242 = vector.shape_cast %swap3A_241 : vector<1x16xf32> to vector<16xf32>
        %swap3A_243 = vector.shape_cast %mul3A_238 : vector<16xf32> to vector<1x16xf32>
        tpu.vector_store %arg8[%swap3A_239, %swap3A_240], %swap3A_243 {strides = array<i32>} : memref<128x64xf32, #tpu.memory_space<vmem>>, vector<1x16xf32>,
        %slice3A_244 = vector.extract_strided_slice %get3A_146 {offsets = [2], sizes = [1], strides = [1]} : vector<16xf32> to vector<1xf32>
        %squeeze3A_245 = vector.extract %slice3A_244[0] : f32 from vector<1xf32>
        %mul3A_246 = arith.constant 16 : i32
        %mul3A_247 = arith.muli %scan3A_140, %mul3A_246 : i32
        %add3A_248 = arith.constant 2 : i32
        %add3A_249 = arith.addi %mul3A_247, %add3A_248 : i32
        %get3A_250 = arith.index_cast %add3A_249 : i32 to index
        %get3A_251 = arith.constant 0 : index
        %get3A_252 = tpu.vector_load %arg8[%get3A_250, %get3A_251] {strides = array<i32>} : memref<128x64xf32, #tpu.memory_space<vmem>>, vector<1x16xf32>,
        %get3A_253 = vector.shape_cast %get3A_252 : vector<1x16xf32> to vector<16xf32>
        %mul3A_254 = vector.broadcast %squeeze3A_245 : f32 to vector<16xf32>
        %mul3A_255 = arith.mulf %get3A_253, %mul3A_254 : vector<16xf32>
        %swap3A_256 = arith.index_cast %add3A_249 : i32 to index
        %swap3A_257 = arith.constant 0 : index
        %swap3A_258 = tpu.vector_load %arg8[%swap3A_256, %swap3A_257] {strides = array<i32>} : memref<128x64xf32, #tpu.memory_space<vmem>>, vector<1x16xf32>,
        %swap3A_259 = vector.shape_cast %swap3A_258 : vector<1x16xf32> to vector<16xf32>
        %swap3A_260 = vector.shape_cast %mul3A_255 : vector<16xf32> to vector<1x16xf32>
        tpu.vector_store %arg8[%swap3A_256, %swap3A_257], %swap3A_260 {strides = array<i32>} : memref<128x64xf32, #tpu.memory_space<vmem>>, vector<1x16xf32>,
        %get3A_261 = arith.index_cast %add3A_249 : i32 to index
        %get3A_262 = arith.constant 16 : index
        %get3A_263 = tpu.vector_load %arg8[%get3A_261, %get3A_262] {strides = array<i32>} : memref<128x64xf32, #tpu.memory_space<vmem>>, vector<1x16xf32>,
        %get3A_264 = vector.shape_cast %get3A_263 : vector<1x16xf32> to vector<16xf32>
        %mul3A_265 = vector.broadcast %squeeze3A_245 : f32 to vector<16xf32>
        %mul3A_266 = arith.mulf %get3A_264, %mul3A_265 : vector<16xf32>
        %swap3A_267 = arith.index_cast %add3A_249 : i32 to index
        %swap3A_268 = arith.constant 16 : index
        %swap3A_269 = tpu.vector_load %arg8[%swap3A_267, %swap3A_268] {strides = array<i32>} : memref<128x64xf32, #tpu.memory_space<vmem>>, vector<1x16xf32>,
        %swap3A_270 = vector.shape_cast %swap3A_269 : vector<1x16xf32> to vector<16xf32>
        %swap3A_271 = vector.shape_cast %mul3A_266 : vector<16xf32> to vector<1x16xf32>
        tpu.vector_store %arg8[%swap3A_267, %swap3A_268], %swap3A_271 {strides = array<i32>} : memref<128x64xf32, #tpu.memory_space<vmem>>, vector<1x16xf32>,
        %get3A_272 = arith.index_cast %add3A_249 : i32 to index
        %get3A_273 = arith.constant 32 : index
        %get3A_274 = tpu.vector_load %arg8[%get3A_272, %get3A_273] {strides = array<i32>} : memref<128x64xf32, #tpu.memory_space<vmem>>, vector<1x16xf32>,
        %get3A_275 = vector.shape_cast %get3A_274 : vector<1x16xf32> to vector<16xf32>
        %mul3A_276 = vector.broadcast %squeeze3A_245 : f32 to vector<16xf32>
        %mul3A_277 = arith.mulf %get3A_275, %mul3A_276 : vector<16xf32>
        %swap3A_278 = arith.index_cast %add3A_249 : i32 to index
        %swap3A_279 = arith.constant 32 : index
        %swap3A_280 = tpu.vector_load %arg8[%swap3A_278, %swap3A_279] {strides = array<i32>} : memref<128x64xf32, #tpu.memory_space<vmem>>, vector<1x16xf32>,
        %swap3A_281 = vector.shape_cast %swap3A_280 : vector<1x16xf32> to vector<16xf32>
        %swap3A_282 = vector.shape_cast %mul3A_277 : vector<16xf32> to vector<1x16xf32>
        tpu.vector_store %arg8[%swap3A_278, %swap3A_279], %swap3A_282 {strides = array<i32>} : memref<128x64xf32, #tpu.memory_space<vmem>>, vector<1x16xf32>,
        %get3A_283 = arith.index_cast %add3A_249 : i32 to index
        %get3A_284 = arith.constant 48 : index
        %get3A_285 = tpu.vector_load %arg8[%get3A_283, %get3A_284] {strides = array<i32>} : memref<128x64xf32, #tpu.memory_space<vmem>>, vector<1x16xf32>,
        %get3A_286 = vector.shape_cast %get3A_285 : vector<1x16xf32> to vector<16xf32>
        %mul3A_287 = vector.broadcast %squeeze3A_245 : f32 to vector<16xf32>
        %mul3A_288 = arith.mulf %get3A_286, %mul3A_287 : vector<16xf32>
        %swap3A_289 = arith.index_cast %add3A_249 : i32 to index
        %swap3A_290 = arith.constant 48 : index
        %swap3A_291 = tpu.vector_load %arg8[%swap3A_289, %swap3A_290] {strides = array<i32>} : memref<128x64xf32, #tpu.memory_space<vmem>>, vector<1x16xf32>,
        %swap3A_292 = vector.shape_cast %swap3A_291 : vector<1x16xf32> to vector<16xf32>
        %swap3A_293 = vector.shape_cast %mul3A_288 : vector<16xf32> to vector<1x16xf32>
        tpu.vector_store %arg8[%swap3A_289, %swap3A_290], %swap3A_293 {strides = array<i32>} : memref<128x64xf32, #tpu.memory_space<vmem>>, vector<1x16xf32>,
        %slice3A_294 = vector.extract_strided_slice %get3A_146 {offsets = [3], sizes = [1], strides = [1]} : vector<16xf32> to vector<1xf32>
        %squeeze3A_295 = vector.extract %slice3A_294[0] : f32 from vector<1xf32>
        %mul3A_296 = arith.constant 16 : i32
        %mul3A_297 = arith.muli %scan3A_140, %mul3A_296 : i32
        %add3A_298 = arith.constant 3 : i32
        %add3A_299 = arith.addi %mul3A_297, %add3A_298 : i32
        %get3A_300 = arith.index_cast %add3A_299 : i32 to index
        %get3A_301 = arith.constant 0 : index
        %get3A_302 = tpu.vector_load %arg8[%get3A_300, %get3A_301] {strides = array<i32>} : memref<128x64xf32, #tpu.memory_space<vmem>>, vector<1x16xf32>,
        %get3A_303 = vector.shape_cast %get3A_302 : vector<1x16xf32> to vector<16xf32>
        %mul3A_304 = vector.broadcast %squeeze3A_295 : f32 to vector<16xf32>
        %mul3A_305 = arith.mulf %get3A_303, %mul3A_304 : vector<16xf32>
        %swap3A_306 = arith.index_cast %add3A_299 : i32 to index
        %swap3A_307 = arith.constant 0 : index
        %swap3A_308 = tpu.vector_load %arg8[%swap3A_306, %swap3A_307] {strides = array<i32>} : memref<128x64xf32, #tpu.memory_space<vmem>>, vector<1x16xf32>,
        %swap3A_309 = vector.shape_cast %swap3A_308 : vector<1x16xf32> to vector<16xf32>
        %swap3A_310 = vector.shape_cast %mul3A_305 : vector<16xf32> to vector<1x16xf32>
        tpu.vector_store %arg8[%swap3A_306, %swap3A_307], %swap3A_310 {strides = array<i32>} : memref<128x64xf32, #tpu.memory_space<vmem>>, vector<1x16xf32>,
        %get3A_311 = arith.index_cast %add3A_299 : i32 to index
        %get3A_312 = arith.constant 16 : index
        %get3A_313 = tpu.vector_load %arg8[%get3A_311, %get3A_312] {strides = array<i32>} : memref<128x64xf32, #tpu.memory_space<vmem>>, vector<1x16xf32>,
        %get3A_314 = vector.shape_cast %get3A_313 : vector<1x16xf32> to vector<16xf32>
        %mul3A_315 = vector.broadcast %squeeze3A_295 : f32 to vector<16xf32>
        %mul3A_316 = arith.mulf %get3A_314, %mul3A_315 : vector<16xf32>
        %swap3A_317 = arith.index_cast %add3A_299 : i32 to index
        %swap3A_318 = arith.constant 16 : index
        %swap3A_319 = tpu.vector_load %arg8[%swap3A_317, %swap3A_318] {strides = array<i32>} : memref<128x64xf32, #tpu.memory_space<vmem>>, vector<1x16xf32>,
        %swap3A_320 = vector.shape_cast %swap3A_319 : vector<1x16xf32> to vector<16xf32>
        %swap3A_321 = vector.shape_cast %mul3A_316 : vector<16xf32> to vector<1x16xf32>
        tpu.vector_store %arg8[%swap3A_317, %swap3A_318], %swap3A_321 {strides = array<i32>} : memref<128x64xf32, #tpu.memory_space<vmem>>, vector<1x16xf32>,
        %get3A_322 = arith.index_cast %add3A_299 : i32 to index
        %get3A_323 = arith.constant 32 : index
        %get3A_324 = tpu.vector_load %arg8[%get3A_322, %get3A_323] {strides = array<i32>} : memref<128x64xf32, #tpu.memory_space<vmem>>, vector<1x16xf32>,
        %get3A_325 = vector.shape_cast %get3A_324 : vector<1x16xf32> to vector<16xf32>
        %mul3A_326 = vector.broadcast %squeeze3A_295 : f32 to vector<16xf32>
        %mul3A_327 = arith.mulf %get3A_325, %mul3A_326 : vector<16xf32>
        %swap3A_328 = arith.index_cast %add3A_299 : i32 to index
        %swap3A_329 = arith.constant 32 : index
        %swap3A_330 = tpu.vector_load %arg8[%swap3A_328, %swap3A_329] {strides = array<i32>} : memref<128x64xf32, #tpu.memory_space<vmem>>, vector<1x16xf32>,
        %swap3A_331 = vector.shape_cast %swap3A_330 : vector<1x16xf32> to vector<16xf32>
        %swap3A_332 = vector.shape_cast %mul3A_327 : vector<16xf32> to vector<1x16xf32>
        tpu.vector_store %arg8[%swap3A_328, %swap3A_329], %swap3A_332 {strides = array<i32>} : memref<128x64xf32, #tpu.memory_space<vmem>>, vector<1x16xf32>,
        %get3A_333 = arith.index_cast %add3A_299 : i32 to index
        %get3A_334 = arith.constant 48 : index
        %get3A_335 = tpu.vector_load %arg8[%get3A_333, %get3A_334] {strides = array<i32>} : memref<128x64xf32, #tpu.memory_space<vmem>>, vector<1x16xf32>,
        %get3A_336 = vector.shape_cast %get3A_335 : vector<1x16xf32> to vector<16xf32>
        %mul3A_337 = vector.broadcast %squeeze3A_295 : f32 to vector<16xf32>
        %mul3A_338 = arith.mulf %get3A_336, %mul3A_337 : vector<16xf32>
        %swap3A_339 = arith.index_cast %add3A_299 : i32 to index
        %swap3A_340 = arith.constant 48 : index
        %swap3A_341 = tpu.vector_load %arg8[%swap3A_339, %swap3A_340] {strides = array<i32>} : memref<128x64xf32, #tpu.memory_space<vmem>>, vector<1x16xf32>,
        %swap3A_342 = vector.shape_cast %swap3A_341 : vector<1x16xf32> to vector<16xf32>
        %swap3A_343 = vector.shape_cast %mul3A_338 : vector<16xf32> to vector<1x16xf32>
        tpu.vector_store %arg8[%swap3A_339, %swap3A_340], %swap3A_343 {strides = array<i32>} : memref<128x64xf32, #tpu.memory_space<vmem>>, vector<1x16xf32>,
        %slice3A_344 = vector.extract_strided_slice %get3A_146 {offsets = [4], sizes = [1], strides = [1]} : vector<16xf32> to vector<1xf32>
        %squeeze3A_345 = vector.extract %slice3A_344[0] : f32 from vector<1xf32>
        %mul3A_346 = arith.constant 16 : i32
        %mul3A_347 = arith.muli %scan3A_140, %mul3A_346 : i32
        %add3A_348 = arith.constant 4 : i32
        %add3A_349 = arith.addi %mul3A_347, %add3A_348 : i32
        %get3A_350 = arith.index_cast %add3A_349 : i32 to index
        %get3A_351 = arith.constant 0 : index
        %get3A_352 = tpu.vector_load %arg8[%get3A_350, %get3A_351] {strides = array<i32>} : memref<128x64xf32, #tpu.memory_space<vmem>>, vector<1x16xf32>,
        %get3A_353 = vector.shape_cast %get3A_352 : vector<1x16xf32> to vector<16xf32>
        %mul3A_354 = vector.broadcast %squeeze3A_345 : f32 to vector<16xf32>
        %mul3A_355 = arith.mulf %get3A_353, %mul3A_354 : vector<16xf32>
        %swap3A_356 = arith.index_cast %add3A_349 : i32 to index
        %swap3A_357 = arith.constant 0 : index
        %swap3A_358 = tpu.vector_load %arg8[%swap3A_356, %swap3A_357] {strides = array<i32>} : memref<128x64xf32, #tpu.memory_space<vmem>>, vector<1x16xf32>,
        %swap3A_359 = vector.shape_cast %swap3A_358 : vector<1x16xf32> to vector<16xf32>
        %swap3A_360 = vector.shape_cast %mul3A_355 : vector<16xf32> to vector<1x16xf32>
        tpu.vector_store %arg8[%swap3A_356, %swap3A_357], %swap3A_360 {strides = array<i32>} : memref<128x64xf32, #tpu.memory_space<vmem>>, vector<1x16xf32>,
        %get3A_361 = arith.index_cast %add3A_349 : i32 to index
        %get3A_362 = arith.constant 16 : index
        %get3A_363 = tpu.vector_load %arg8[%get3A_361, %get3A_362] {strides = array<i32>} : memref<128x64xf32, #tpu.memory_space<vmem>>, vector<1x16xf32>,
        %get3A_364 = vector.shape_cast %get3A_363 : vector<1x16xf32> to vector<16xf32>
        %mul3A_365 = vector.broadcast %squeeze3A_345 : f32 to vector<16xf32>
        %mul3A_366 = arith.mulf %get3A_364, %mul3A_365 : vector<16xf32>
        %swap3A_367 = arith.index_cast %add3A_349 : i32 to index
        %swap3A_368 = arith.constant 16 : index
        %swap3A_369 = tpu.vector_load %arg8[%swap3A_367, %swap3A_368] {strides = array<i32>} : memref<128x64xf32, #tpu.memory_space<vmem>>, vector<1x16xf32>,
        %swap3A_370 = vector.shape_cast %swap3A_369 : vector<1x16xf32> to vector<16xf32>
        %swap3A_371 = vector.shape_cast %mul3A_366 : vector<16xf32> to vector<1x16xf32>
        tpu.vector_store %arg8[%swap3A_367, %swap3A_368], %swap3A_371 {strides = array<i32>} : memref<128x64xf32, #tpu.memory_space<vmem>>, vector<1x16xf32>,
        %get3A_372 = arith.index_cast %add3A_349 : i32 to index
        %get3A_373 = arith.constant 32 : index
        %get3A_374 = tpu.vector_load %arg8[%get3A_372, %get3A_373] {strides = array<i32>} : memref<128x64xf32, #tpu.memory_space<vmem>>, vector<1x16xf32>,
        %get3A_375 = vector.shape_cast %get3A_374 : vector<1x16xf32> to vector<16xf32>
        %mul3A_376 = vector.broadcast %squeeze3A_345 : f32 to vector<16xf32>
        %mul3A_377 = arith.mulf %get3A_375, %mul3A_376 : vector<16xf32>
        %swap3A_378 = arith.index_cast %add3A_349 : i32 to index
        %swap3A_379 = arith.constant 32 : index
        %swap3A_380 = tpu.vector_load %arg8[%swap3A_378, %swap3A_379] {strides = array<i32>} : memref<128x64xf32, #tpu.memory_space<vmem>>, vector<1x16xf32>,
        %swap3A_381 = vector.shape_cast %swap3A_380 : vector<1x16xf32> to vector<16xf32>
        %swap3A_382 = vector.shape_cast %mul3A_377 : vector<16xf32> to vector<1x16xf32>
        tpu.vector_store %arg8[%swap3A_378, %swap3A_379], %swap3A_382 {strides = array<i32>} : memref<128x64xf32, #tpu.memory_space<vmem>>, vector<1x16xf32>,
        %get3A_383 = arith.index_cast %add3A_349 : i32 to index
        %get3A_384 = arith.constant 48 : index
        %get3A_385 = tpu.vector_load %arg8[%get3A_383, %get3A_384] {strides = array<i32>} : memref<128x64xf32, #tpu.memory_space<vmem>>, vector<1x16xf32>,
        %get3A_386 = vector.shape_cast %get3A_385 : vector<1x16xf32> to vector<16xf32>
        %mul3A_387 = vector.broadcast %squeeze3A_345 : f32 to vector<16xf32>
        %mul3A_388 = arith.mulf %get3A_386, %mul3A_387 : vector<16xf32>
        %swap3A_389 = arith.index_cast %add3A_349 : i32 to index
        %swap3A_390 = arith.constant 48 : index
        %swap3A_391 = tpu.vector_load %arg8[%swap3A_389, %swap3A_390] {strides = array<i32>} : memref<128x64xf32, #tpu.memory_space<vmem>>, vector<1x16xf32>,
        %swap3A_392 = vector.shape_cast %swap3A_391 : vector<1x16xf32> to vector<16xf32>
        %swap3A_393 = vector.shape_cast %mul3A_388 : vector<16xf32> to vector<1x16xf32>
        tpu.vector_store %arg8[%swap3A_389, %swap3A_390], %swap3A_393 {strides = array<i32>} : memref<128x64xf32, #tpu.memory_space<vmem>>, vector<1x16xf32>,
        %slice3A_394 = vector.extract_strided_slice %get3A_146 {offsets = [5], sizes = [1], strides = [1]} : vector<16xf32> to vector<1xf32>
        %squeeze3A_395 = vector.extract %slice3A_394[0] : f32 from vector<1xf32>
        %mul3A_396 = arith.constant 16 : i32
        %mul3A_397 = arith.muli %scan3A_140, %mul3A_396 : i32
        %add3A_398 = arith.constant 5 : i32
        %add3A_399 = arith.addi %mul3A_397, %add3A_398 : i32
        %get3A_400 = arith.index_cast %add3A_399 : i32 to index
        %get3A_401 = arith.constant 0 : index
        %get3A_402 = tpu.vector_load %arg8[%get3A_400, %get3A_401] {strides = array<i32>} : memref<128x64xf32, #tpu.memory_space<vmem>>, vector<1x16xf32>,
        %get3A_403 = vector.shape_cast %get3A_402 : vector<1x16xf32> to vector<16xf32>
        %mul3A_404 = vector.broadcast %squeeze3A_395 : f32 to vector<16xf32>
        %mul3A_405 = arith.mulf %get3A_403, %mul3A_404 : vector<16xf32>
        %swap3A_406 = arith.index_cast %add3A_399 : i32 to index
        %swap3A_407 = arith.constant 0 : index
        %swap3A_408 = tpu.vector_load %arg8[%swap3A_406, %swap3A_407] {strides = array<i32>} : memref<128x64xf32, #tpu.memory_space<vmem>>, vector<1x16xf32>,
        %swap3A_409 = vector.shape_cast %swap3A_408 : vector<1x16xf32> to vector<16xf32>
        %swap3A_410 = vector.shape_cast %mul3A_405 : vector<16xf32> to vector<1x16xf32>
        tpu.vector_store %arg8[%swap3A_406, %swap3A_407], %swap3A_410 {strides = array<i32>} : memref<128x64xf32, #tpu.memory_space<vmem>>, vector<1x16xf32>,
        %get3A_411 = arith.index_cast %add3A_399 : i32 to index
        %get3A_412 = arith.constant 16 : index
        %get3A_413 = tpu.vector_load %arg8[%get3A_411, %get3A_412] {strides = array<i32>} : memref<128x64xf32, #tpu.memory_space<vmem>>, vector<1x16xf32>,
        %get3A_414 = vector.shape_cast %get3A_413 : vector<1x16xf32> to vector<16xf32>
        %mul3A_415 = vector.broadcast %squeeze3A_395 : f32 to vector<16xf32>
        %mul3A_416 = arith.mulf %get3A_414, %mul3A_415 : vector<16xf32>
        %swap3A_417 = arith.index_cast %add3A_399 : i32 to index
        %swap3A_418 = arith.constant 16 : index
        %swap3A_419 = tpu.vector_load %arg8[%swap3A_417, %swap3A_418] {strides = array<i32>} : memref<128x64xf32, #tpu.memory_space<vmem>>, vector<1x16xf32>,
        %swap3A_420 = vector.shape_cast %swap3A_419 : vector<1x16xf32> to vector<16xf32>
        %swap3A_421 = vector.shape_cast %mul3A_416 : vector<16xf32> to vector<1x16xf32>
        tpu.vector_store %arg8[%swap3A_417, %swap3A_418], %swap3A_421 {strides = array<i32>} : memref<128x64xf32, #tpu.memory_space<vmem>>, vector<1x16xf32>,
        %get3A_422 = arith.index_cast %add3A_399 : i32 to index
        %get3A_423 = arith.constant 32 : index
        %get3A_424 = tpu.vector_load %arg8[%get3A_422, %get3A_423] {strides = array<i32>} : memref<128x64xf32, #tpu.memory_space<vmem>>, vector<1x16xf32>,
        %get3A_425 = vector.shape_cast %get3A_424 : vector<1x16xf32> to vector<16xf32>
        %mul3A_426 = vector.broadcast %squeeze3A_395 : f32 to vector<16xf32>
        %mul3A_427 = arith.mulf %get3A_425, %mul3A_426 : vector<16xf32>
        %swap3A_428 = arith.index_cast %add3A_399 : i32 to index
        %swap3A_429 = arith.constant 32 : index
        %swap3A_430 = tpu.vector_load %arg8[%swap3A_428, %swap3A_429] {strides = array<i32>} : memref<128x64xf32, #tpu.memory_space<vmem>>, vector<1x16xf32>,
        %swap3A_431 = vector.shape_cast %swap3A_430 : vector<1x16xf32> to vector<16xf32>
        %swap3A_432 = vector.shape_cast %mul3A_427 : vector<16xf32> to vector<1x16xf32>
        tpu.vector_store %arg8[%swap3A_428, %swap3A_429], %swap3A_432 {strides = array<i32>} : memref<128x64xf32, #tpu.memory_space<vmem>>, vector<1x16xf32>,
        %get3A_433 = arith.index_cast %add3A_399 : i32 to index
        %get3A_434 = arith.constant 48 : index
        %get3A_435 = tpu.vector_load %arg8[%get3A_433, %get3A_434] {strides = array<i32>} : memref<128x64xf32, #tpu.memory_space<vmem>>, vector<1x16xf32>,
        %get3A_436 = vector.shape_cast %get3A_435 : vector<1x16xf32> to vector<16xf32>
        %mul3A_437 = vector.broadcast %squeeze3A_395 : f32 to vector<16xf32>
        %mul3A_438 = arith.mulf %get3A_436, %mul3A_437 : vector<16xf32>
        %swap3A_439 = arith.index_cast %add3A_399 : i32 to index
        %swap3A_440 = arith.constant 48 : index
        %swap3A_441 = tpu.vector_load %arg8[%swap3A_439, %swap3A_440] {strides = array<i32>} : memref<128x64xf32, #tpu.memory_space<vmem>>, vector<1x16xf32>,
        %swap3A_442 = vector.shape_cast %swap3A_441 : vector<1x16xf32> to vector<16xf32>
        %swap3A_443 = vector.shape_cast %mul3A_438 : vector<16xf32> to vector<1x16xf32>
        tpu.vector_store %arg8[%swap3A_439, %swap3A_440], %swap3A_443 {strides = array<i32>} : memref<128x64xf32, #tpu.memory_space<vmem>>, vector<1x16xf32>,
        %slice3A_444 = vector.extract_strided_slice %get3A_146 {offsets = [6], sizes = [1], strides = [1]} : vector<16xf32> to vector<1xf32>
        %squeeze3A_445 = vector.extract %slice3A_444[0] : f32 from vector<1xf32>
        %mul3A_446 = arith.constant 16 : i32
        %mul3A_447 = arith.muli %scan3A_140, %mul3A_446 : i32
        %add3A_448 = arith.constant 6 : i32
        %add3A_449 = arith.addi %mul3A_447, %add3A_448 : i32
        %get3A_450 = arith.index_cast %add3A_449 : i32 to index
        %get3A_451 = arith.constant 0 : index
        %get3A_452 = tpu.vector_load %arg8[%get3A_450, %get3A_451] {strides = array<i32>} : memref<128x64xf32, #tpu.memory_space<vmem>>, vector<1x16xf32>,
        %get3A_453 = vector.shape_cast %get3A_452 : vector<1x16xf32> to vector<16xf32>
        %mul3A_454 = vector.broadcast %squeeze3A_445 : f32 to vector<16xf32>
        %mul3A_455 = arith.mulf %get3A_453, %mul3A_454 : vector<16xf32>
        %swap3A_456 = arith.index_cast %add3A_449 : i32 to index
        %swap3A_457 = arith.constant 0 : index
        %swap3A_458 = tpu.vector_load %arg8[%swap3A_456, %swap3A_457] {strides = array<i32>} : memref<128x64xf32, #tpu.memory_space<vmem>>, vector<1x16xf32>,
        %swap3A_459 = vector.shape_cast %swap3A_458 : vector<1x16xf32> to vector<16xf32>
        %swap3A_460 = vector.shape_cast %mul3A_455 : vector<16xf32> to vector<1x16xf32>
        tpu.vector_store %arg8[%swap3A_456, %swap3A_457], %swap3A_460 {strides = array<i32>} : memref<128x64xf32, #tpu.memory_space<vmem>>, vector<1x16xf32>,
        %get3A_461 = arith.index_cast %add3A_449 : i32 to index
        %get3A_462 = arith.constant 16 : index
        %get3A_463 = tpu.vector_load %arg8[%get3A_461, %get3A_462] {strides = array<i32>} : memref<128x64xf32, #tpu.memory_space<vmem>>, vector<1x16xf32>,
        %get3A_464 = vector.shape_cast %get3A_463 : vector<1x16xf32> to vector<16xf32>
        %mul3A_465 = vector.broadcast %squeeze3A_445 : f32 to vector<16xf32>
        %mul3A_466 = arith.mulf %get3A_464, %mul3A_465 : vector<16xf32>
        %swap3A_467 = arith.index_cast %add3A_449 : i32 to index
        %swap3A_468 = arith.constant 16 : index
        %swap3A_469 = tpu.vector_load %arg8[%swap3A_467, %swap3A_468] {strides = array<i32>} : memref<128x64xf32, #tpu.memory_space<vmem>>, vector<1x16xf32>,
        %swap3A_470 = vector.shape_cast %swap3A_469 : vector<1x16xf32> to vector<16xf32>
        %swap3A_471 = vector.shape_cast %mul3A_466 : vector<16xf32> to vector<1x16xf32>
        tpu.vector_store %arg8[%swap3A_467, %swap3A_468], %swap3A_471 {strides = array<i32>} : memref<128x64xf32, #tpu.memory_space<vmem>>, vector<1x16xf32>,
        %get3A_472 = arith.index_cast %add3A_449 : i32 to index
        %get3A_473 = arith.constant 32 : index
        %get3A_474 = tpu.vector_load %arg8[%get3A_472, %get3A_473] {strides = array<i32>} : memref<128x64xf32, #tpu.memory_space<vmem>>, vector<1x16xf32>,
        %get3A_475 = vector.shape_cast %get3A_474 : vector<1x16xf32> to vector<16xf32>
        %mul3A_476 = vector.broadcast %squeeze3A_445 : f32 to vector<16xf32>
        %mul3A_477 = arith.mulf %get3A_475, %mul3A_476 : vector<16xf32>
        %swap3A_478 = arith.index_cast %add3A_449 : i32 to index
        %swap3A_479 = arith.constant 32 : index
        %swap3A_480 = tpu.vector_load %arg8[%swap3A_478, %swap3A_479] {strides = array<i32>} : memref<128x64xf32, #tpu.memory_space<vmem>>, vector<1x16xf32>,
        %swap3A_481 = vector.shape_cast %swap3A_480 : vector<1x16xf32> to vector<16xf32>
        %swap3A_482 = vector.shape_cast %mul3A_477 : vector<16xf32> to vector<1x16xf32>
        tpu.vector_store %arg8[%swap3A_478, %swap3A_479], %swap3A_482 {strides = array<i32>} : memref<128x64xf32, #tpu.memory_space<vmem>>, vector<1x16xf32>,
        %get3A_483 = arith.index_cast %add3A_449 : i32 to index
        %get3A_484 = arith.constant 48 : index
        %get3A_485 = tpu.vector_load %arg8[%get3A_483, %get3A_484] {strides = array<i32>} : memref<128x64xf32, #tpu.memory_space<vmem>>, vector<1x16xf32>,
        %get3A_486 = vector.shape_cast %get3A_485 : vector<1x16xf32> to vector<16xf32>
        %mul3A_487 = vector.broadcast %squeeze3A_445 : f32 to vector<16xf32>
        %mul3A_488 = arith.mulf %get3A_486, %mul3A_487 : vector<16xf32>
        %swap3A_489 = arith.index_cast %add3A_449 : i32 to index
        %swap3A_490 = arith.constant 48 : index
        %swap3A_491 = tpu.vector_load %arg8[%swap3A_489, %swap3A_490] {strides = array<i32>} : memref<128x64xf32, #tpu.memory_space<vmem>>, vector<1x16xf32>,
        %swap3A_492 = vector.shape_cast %swap3A_491 : vector<1x16xf32> to vector<16xf32>
        %swap3A_493 = vector.shape_cast %mul3A_488 : vector<16xf32> to vector<1x16xf32>
        tpu.vector_store %arg8[%swap3A_489, %swap3A_490], %swap3A_493 {strides = array<i32>} : memref<128x64xf32, #tpu.memory_space<vmem>>, vector<1x16xf32>,
        %slice3A_494 = vector.extract_strided_slice %get3A_146 {offsets = [7], sizes = [1], strides = [1]} : vector<16xf32> to vector<1xf32>
        %squeeze3A_495 = vector.extract %slice3A_494[0] : f32 from vector<1xf32>
        %mul3A_496 = arith.constant 16 : i32
        %mul3A_497 = arith.muli %scan3A_140, %mul3A_496 : i32
        %add3A_498 = arith.constant 7 : i32
        %add3A_499 = arith.addi %mul3A_497, %add3A_498 : i32
        %get3A_500 = arith.index_cast %add3A_499 : i32 to index
        %get3A_501 = arith.constant 0 : index
        %get3A_502 = tpu.vector_load %arg8[%get3A_500, %get3A_501] {strides = array<i32>} : memref<128x64xf32, #tpu.memory_space<vmem>>, vector<1x16xf32>,
        %get3A_503 = vector.shape_cast %get3A_502 : vector<1x16xf32> to vector<16xf32>
        %mul3A_504 = vector.broadcast %squeeze3A_495 : f32 to vector<16xf32>
        %mul3A_505 = arith.mulf %get3A_503, %mul3A_504 : vector<16xf32>
        %swap3A_506 = arith.index_cast %add3A_499 : i32 to index
        %swap3A_507 = arith.constant 0 : index
        %swap3A_508 = tpu.vector_load %arg8[%swap3A_506, %swap3A_507] {strides = array<i32>} : memref<128x64xf32, #tpu.memory_space<vmem>>, vector<1x16xf32>,
        %swap3A_509 = vector.shape_cast %swap3A_508 : vector<1x16xf32> to vector<16xf32>
        %swap3A_510 = vector.shape_cast %mul3A_505 : vector<16xf32> to vector<1x16xf32>
        tpu.vector_store %arg8[%swap3A_506, %swap3A_507], %swap3A_510 {strides = array<i32>} : memref<128x64xf32, #tpu.memory_space<vmem>>, vector<1x16xf32>,
        %get3A_511 = arith.index_cast %add3A_499 : i32 to index
        %get3A_512 = arith.constant 16 : index
        %get3A_513 = tpu.vector_load %arg8[%get3A_511, %get3A_512] {strides = array<i32>} : memref<128x64xf32, #tpu.memory_space<vmem>>, vector<1x16xf32>,
        %get3A_514 = vector.shape_cast %get3A_513 : vector<1x16xf32> to vector<16xf32>
        %mul3A_515 = vector.broadcast %squeeze3A_495 : f32 to vector<16xf32>
        %mul3A_516 = arith.mulf %get3A_514, %mul3A_515 : vector<16xf32>
        %swap3A_517 = arith.index_cast %add3A_499 : i32 to index
        %swap3A_518 = arith.constant 16 : index
        %swap3A_519 = tpu.vector_load %arg8[%swap3A_517, %swap3A_518] {strides = array<i32>} : memref<128x64xf32, #tpu.memory_space<vmem>>, vector<1x16xf32>,
        %swap3A_520 = vector.shape_cast %swap3A_519 : vector<1x16xf32> to vector<16xf32>
        %swap3A_521 = vector.shape_cast %mul3A_516 : vector<16xf32> to vector<1x16xf32>
        tpu.vector_store %arg8[%swap3A_517, %swap3A_518], %swap3A_521 {strides = array<i32>} : memref<128x64xf32, #tpu.memory_space<vmem>>, vector<1x16xf32>,
        %get3A_522 = arith.index_cast %add3A_499 : i32 to index
        %get3A_523 = arith.constant 32 : index
        %get3A_524 = tpu.vector_load %arg8[%get3A_522, %get3A_523] {strides = array<i32>} : memref<128x64xf32, #tpu.memory_space<vmem>>, vector<1x16xf32>,
        %get3A_525 = vector.shape_cast %get3A_524 : vector<1x16xf32> to vector<16xf32>
        %mul3A_526 = vector.broadcast %squeeze3A_495 : f32 to vector<16xf32>
        %mul3A_527 = arith.mulf %get3A_525, %mul3A_526 : vector<16xf32>
        %swap3A_528 = arith.index_cast %add3A_499 : i32 to index
        %swap3A_529 = arith.constant 32 : index
        %swap3A_530 = tpu.vector_load %arg8[%swap3A_528, %swap3A_529] {strides = array<i32>} : memref<128x64xf32, #tpu.memory_space<vmem>>, vector<1x16xf32>,
        %swap3A_531 = vector.shape_cast %swap3A_530 : vector<1x16xf32> to vector<16xf32>
        %swap3A_532 = vector.shape_cast %mul3A_527 : vector<16xf32> to vector<1x16xf32>
        tpu.vector_store %arg8[%swap3A_528, %swap3A_529], %swap3A_532 {strides = array<i32>} : memref<128x64xf32, #tpu.memory_space<vmem>>, vector<1x16xf32>,
        %get3A_533 = arith.index_cast %add3A_499 : i32 to index
        %get3A_534 = arith.constant 48 : index
        %get3A_535 = tpu.vector_load %arg8[%get3A_533, %get3A_534] {strides = array<i32>} : memref<128x64xf32, #tpu.memory_space<vmem>>, vector<1x16xf32>,
        %get3A_536 = vector.shape_cast %get3A_535 : vector<1x16xf32> to vector<16xf32>
        %mul3A_537 = vector.broadcast %squeeze3A_495 : f32 to vector<16xf32>
        %mul3A_538 = arith.mulf %get3A_536, %mul3A_537 : vector<16xf32>
        %swap3A_539 = arith.index_cast %add3A_499 : i32 to index
        %swap3A_540 = arith.constant 48 : index
        %swap3A_541 = tpu.vector_load %arg8[%swap3A_539, %swap3A_540] {strides = array<i32>} : memref<128x64xf32, #tpu.memory_space<vmem>>, vector<1x16xf32>,
        %swap3A_542 = vector.shape_cast %swap3A_541 : vector<1x16xf32> to vector<16xf32>
        %swap3A_543 = vector.shape_cast %mul3A_538 : vector<16xf32> to vector<1x16xf32>
        tpu.vector_store %arg8[%swap3A_539, %swap3A_540], %swap3A_543 {strides = array<i32>} : memref<128x64xf32, #tpu.memory_space<vmem>>, vector<1x16xf32>,
        %slice3A_544 = vector.extract_strided_slice %get3A_146 {offsets = [8], sizes = [1], strides = [1]} : vector<16xf32> to vector<1xf32>
        %squeeze3A_545 = vector.extract %slice3A_544[0] : f32 from vector<1xf32>
        %mul3A_546 = arith.constant 16 : i32
        %mul3A_547 = arith.muli %scan3A_140, %mul3A_546 : i32
        %add3A_548 = arith.constant 8 : i32
        %add3A_549 = arith.addi %mul3A_547, %add3A_548 : i32
        %get3A_550 = arith.index_cast %add3A_549 : i32 to index
        %get3A_551 = arith.constant 0 : index
        %get3A_552 = tpu.vector_load %arg8[%get3A_550, %get3A_551] {strides = array<i32>} : memref<128x64xf32, #tpu.memory_space<vmem>>, vector<1x16xf32>,
        %get3A_553 = vector.shape_cast %get3A_552 : vector<1x16xf32> to vector<16xf32>
        %mul3A_554 = vector.broadcast %squeeze3A_545 : f32 to vector<16xf32>
        %mul3A_555 = arith.mulf %get3A_553, %mul3A_554 : vector<16xf32>
        %swap3A_556 = arith.index_cast %add3A_549 : i32 to index
        %swap3A_557 = arith.constant 0 : index
        %swap3A_558 = tpu.vector_load %arg8[%swap3A_556, %swap3A_557] {strides = array<i32>} : memref<128x64xf32, #tpu.memory_space<vmem>>, vector<1x16xf32>,
        %swap3A_559 = vector.shape_cast %swap3A_558 : vector<1x16xf32> to vector<16xf32>
        %swap3A_560 = vector.shape_cast %mul3A_555 : vector<16xf32> to vector<1x16xf32>
        tpu.vector_store %arg8[%swap3A_556, %swap3A_557], %swap3A_560 {strides = array<i32>} : memref<128x64xf32, #tpu.memory_space<vmem>>, vector<1x16xf32>,
        %get3A_561 = arith.index_cast %add3A_549 : i32 to index
        %get3A_562 = arith.constant 16 : index
        %get3A_563 = tpu.vector_load %arg8[%get3A_561, %get3A_562] {strides = array<i32>} : memref<128x64xf32, #tpu.memory_space<vmem>>, vector<1x16xf32>,
        %get3A_564 = vector.shape_cast %get3A_563 : vector<1x16xf32> to vector<16xf32>
        %mul3A_565 = vector.broadcast %squeeze3A_545 : f32 to vector<16xf32>
        %mul3A_566 = arith.mulf %get3A_564, %mul3A_565 : vector<16xf32>
        %swap3A_567 = arith.index_cast %add3A_549 : i32 to index
        %swap3A_568 = arith.constant 16 : index
        %swap3A_569 = tpu.vector_load %arg8[%swap3A_567, %swap3A_568] {strides = array<i32>} : memref<128x64xf32, #tpu.memory_space<vmem>>, vector<1x16xf32>,
        %swap3A_570 = vector.shape_cast %swap3A_569 : vector<1x16xf32> to vector<16xf32>
        %swap3A_571 = vector.shape_cast %mul3A_566 : vector<16xf32> to vector<1x16xf32>
        tpu.vector_store %arg8[%swap3A_567, %swap3A_568], %swap3A_571 {strides = array<i32>} : memref<128x64xf32, #tpu.memory_space<vmem>>, vector<1x16xf32>,
        %get3A_572 = arith.index_cast %add3A_549 : i32 to index
        %get3A_573 = arith.constant 32 : index
        %get3A_574 = tpu.vector_load %arg8[%get3A_572, %get3A_573] {strides = array<i32>} : memref<128x64xf32, #tpu.memory_space<vmem>>, vector<1x16xf32>,
        %get3A_575 = vector.shape_cast %get3A_574 : vector<1x16xf32> to vector<16xf32>
        %mul3A_576 = vector.broadcast %squeeze3A_545 : f32 to vector<16xf32>
        %mul3A_577 = arith.mulf %get3A_575, %mul3A_576 : vector<16xf32>
        %swap3A_578 = arith.index_cast %add3A_549 : i32 to index
        %swap3A_579 = arith.constant 32 : index
        %swap3A_580 = tpu.vector_load %arg8[%swap3A_578, %swap3A_579] {strides = array<i32>} : memref<128x64xf32, #tpu.memory_space<vmem>>, vector<1x16xf32>,
        %swap3A_581 = vector.shape_cast %swap3A_580 : vector<1x16xf32> to vector<16xf32>
        %swap3A_582 = vector.shape_cast %mul3A_577 : vector<16xf32> to vector<1x16xf32>
        tpu.vector_store %arg8[%swap3A_578, %swap3A_579], %swap3A_582 {strides = array<i32>} : memref<128x64xf32, #tpu.memory_space<vmem>>, vector<1x16xf32>,
        %get3A_583 = arith.index_cast %add3A_549 : i32 to index
        %get3A_584 = arith.constant 48 : index
        %get3A_585 = tpu.vector_load %arg8[%get3A_583, %get3A_584] {strides = array<i32>} : memref<128x64xf32, #tpu.memory_space<vmem>>, vector<1x16xf32>,
        %get3A_586 = vector.shape_cast %get3A_585 : vector<1x16xf32> to vector<16xf32>
        %mul3A_587 = vector.broadcast %squeeze3A_545 : f32 to vector<16xf32>
        %mul3A_588 = arith.mulf %get3A_586, %mul3A_587 : vector<16xf32>
        %swap3A_589 = arith.index_cast %add3A_549 : i32 to index
        %swap3A_590 = arith.constant 48 : index
        %swap3A_591 = tpu.vector_load %arg8[%swap3A_589, %swap3A_590] {strides = array<i32>} : memref<128x64xf32, #tpu.memory_space<vmem>>, vector<1x16xf32>,
        %swap3A_592 = vector.shape_cast %swap3A_591 : vector<1x16xf32> to vector<16xf32>
        %swap3A_593 = vector.shape_cast %mul3A_588 : vector<16xf32> to vector<1x16xf32>
        tpu.vector_store %arg8[%swap3A_589, %swap3A_590], %swap3A_593 {strides = array<i32>} : memref<128x64xf32, #tpu.memory_space<vmem>>, vector<1x16xf32>,
        %slice3A_594 = vector.extract_strided_slice %get3A_146 {offsets = [9], sizes = [1], strides = [1]} : vector<16xf32> to vector<1xf32>
        %squeeze3A_595 = vector.extract %slice3A_594[0] : f32 from vector<1xf32>
        %mul3A_596 = arith.constant 16 : i32
        %mul3A_597 = arith.muli %scan3A_140, %mul3A_596 : i32
        %add3A_598 = arith.constant 9 : i32
        %add3A_599 = arith.addi %mul3A_597, %add3A_598 : i32
        %get3A_600 = arith.index_cast %add3A_599 : i32 to index
        %get3A_601 = arith.constant 0 : index
        %get3A_602 = tpu.vector_load %arg8[%get3A_600, %get3A_601] {strides = array<i32>} : memref<128x64xf32, #tpu.memory_space<vmem>>, vector<1x16xf32>,
        %get3A_603 = vector.shape_cast %get3A_602 : vector<1x16xf32> to vector<16xf32>
        %mul3A_604 = vector.broadcast %squeeze3A_595 : f32 to vector<16xf32>
        %mul3A_605 = arith.mulf %get3A_603, %mul3A_604 : vector<16xf32>
        %swap3A_606 = arith.index_cast %add3A_599 : i32 to index
        %swap3A_607 = arith.constant 0 : index
        %swap3A_608 = tpu.vector_load %arg8[%swap3A_606, %swap3A_607] {strides = array<i32>} : memref<128x64xf32, #tpu.memory_space<vmem>>, vector<1x16xf32>,
        %swap3A_609 = vector.shape_cast %swap3A_608 : vector<1x16xf32> to vector<16xf32>
        %swap3A_610 = vector.shape_cast %mul3A_605 : vector<16xf32> to vector<1x16xf32>
        tpu.vector_store %arg8[%swap3A_606, %swap3A_607], %swap3A_610 {strides = array<i32>} : memref<128x64xf32, #tpu.memory_space<vmem>>, vector<1x16xf32>,
        %get3A_611 = arith.index_cast %add3A_599 : i32 to index
        %get3A_612 = arith.constant 16 : index
        %get3A_613 = tpu.vector_load %arg8[%get3A_611, %get3A_612] {strides = array<i32>} : memref<128x64xf32, #tpu.memory_space<vmem>>, vector<1x16xf32>,
        %get3A_614 = vector.shape_cast %get3A_613 : vector<1x16xf32> to vector<16xf32>
        %mul3A_615 = vector.broadcast %squeeze3A_595 : f32 to vector<16xf32>
        %mul3A_616 = arith.mulf %get3A_614, %mul3A_615 : vector<16xf32>
        %swap3A_617 = arith.index_cast %add3A_599 : i32 to index
        %swap3A_618 = arith.constant 16 : index
        %swap3A_619 = tpu.vector_load %arg8[%swap3A_617, %swap3A_618] {strides = array<i32>} : memref<128x64xf32, #tpu.memory_space<vmem>>, vector<1x16xf32>,
        %swap3A_620 = vector.shape_cast %swap3A_619 : vector<1x16xf32> to vector<16xf32>
        %swap3A_621 = vector.shape_cast %mul3A_616 : vector<16xf32> to vector<1x16xf32>
        tpu.vector_store %arg8[%swap3A_617, %swap3A_618], %swap3A_621 {strides = array<i32>} : memref<128x64xf32, #tpu.memory_space<vmem>>, vector<1x16xf32>,
        %get3A_622 = arith.index_cast %add3A_599 : i32 to index
        %get3A_623 = arith.constant 32 : index
        %get3A_624 = tpu.vector_load %arg8[%get3A_622, %get3A_623] {strides = array<i32>} : memref<128x64xf32, #tpu.memory_space<vmem>>, vector<1x16xf32>,
        %get3A_625 = vector.shape_cast %get3A_624 : vector<1x16xf32> to vector<16xf32>
        %mul3A_626 = vector.broadcast %squeeze3A_595 : f32 to vector<16xf32>
        %mul3A_627 = arith.mulf %get3A_625, %mul3A_626 : vector<16xf32>
        %swap3A_628 = arith.index_cast %add3A_599 : i32 to index
        %swap3A_629 = arith.constant 32 : index
        %swap3A_630 = tpu.vector_load %arg8[%swap3A_628, %swap3A_629] {strides = array<i32>} : memref<128x64xf32, #tpu.memory_space<vmem>>, vector<1x16xf32>,
        %swap3A_631 = vector.shape_cast %swap3A_630 : vector<1x16xf32> to vector<16xf32>
        %swap3A_632 = vector.shape_cast %mul3A_627 : vector<16xf32> to vector<1x16xf32>
        tpu.vector_store %arg8[%swap3A_628, %swap3A_629], %swap3A_632 {strides = array<i32>} : memref<128x64xf32, #tpu.memory_space<vmem>>, vector<1x16xf32>,
        %get3A_633 = arith.index_cast %add3A_599 : i32 to index
        %get3A_634 = arith.constant 48 : index
        %get3A_635 = tpu.vector_load %arg8[%get3A_633, %get3A_634] {strides = array<i32>} : memref<128x64xf32, #tpu.memory_space<vmem>>, vector<1x16xf32>,
        %get3A_636 = vector.shape_cast %get3A_635 : vector<1x16xf32> to vector<16xf32>
        %mul3A_637 = vector.broadcast %squeeze3A_595 : f32 to vector<16xf32>
        %mul3A_638 = arith.mulf %get3A_636, %mul3A_637 : vector<16xf32>
        %swap3A_639 = arith.index_cast %add3A_599 : i32 to index
        %swap3A_640 = arith.constant 48 : index
        %swap3A_641 = tpu.vector_load %arg8[%swap3A_639, %swap3A_640] {strides = array<i32>} : memref<128x64xf32, #tpu.memory_space<vmem>>, vector<1x16xf32>,
        %swap3A_642 = vector.shape_cast %swap3A_641 : vector<1x16xf32> to vector<16xf32>
        %swap3A_643 = vector.shape_cast %mul3A_638 : vector<16xf32> to vector<1x16xf32>
        tpu.vector_store %arg8[%swap3A_639, %swap3A_640], %swap3A_643 {strides = array<i32>} : memref<128x64xf32, #tpu.memory_space<vmem>>, vector<1x16xf32>,
        %slice3A_644 = vector.extract_strided_slice %get3A_146 {offsets = [10], sizes = [1], strides = [1]} : vector<16xf32> to vector<1xf32>
        %squeeze3A_645 = vector.extract %slice3A_644[0] : f32 from vector<1xf32>
        %mul3A_646 = arith.constant 16 : i32
        %mul3A_647 = arith.muli %scan3A_140, %mul3A_646 : i32
        %add3A_648 = arith.constant 10 : i32
        %add3A_649 = arith.addi %mul3A_647, %add3A_648 : i32
        %get3A_650 = arith.index_cast %add3A_649 : i32 to index
        %get3A_651 = arith.constant 0 : index
        %get3A_652 = tpu.vector_load %arg8[%get3A_650, %get3A_651] {strides = array<i32>} : memref<128x64xf32, #tpu.memory_space<vmem>>, vector<1x16xf32>,
        %get3A_653 = vector.shape_cast %get3A_652 : vector<1x16xf32> to vector<16xf32>
        %mul3A_654 = vector.broadcast %squeeze3A_645 : f32 to vector<16xf32>
        %mul3A_655 = arith.mulf %get3A_653, %mul3A_654 : vector<16xf32>
        %swap3A_656 = arith.index_cast %add3A_649 : i32 to index
        %swap3A_657 = arith.constant 0 : index
        %swap3A_658 = tpu.vector_load %arg8[%swap3A_656, %swap3A_657] {strides = array<i32>} : memref<128x64xf32, #tpu.memory_space<vmem>>, vector<1x16xf32>,
        %swap3A_659 = vector.shape_cast %swap3A_658 : vector<1x16xf32> to vector<16xf32>
        %swap3A_660 = vector.shape_cast %mul3A_655 : vector<16xf32> to vector<1x16xf32>
        tpu.vector_store %arg8[%swap3A_656, %swap3A_657], %swap3A_660 {strides = array<i32>} : memref<128x64xf32, #tpu.memory_space<vmem>>, vector<1x16xf32>,
        %get3A_661 = arith.index_cast %add3A_649 : i32 to index
        %get3A_662 = arith.constant 16 : index
        %get3A_663 = tpu.vector_load %arg8[%get3A_661, %get3A_662] {strides = array<i32>} : memref<128x64xf32, #tpu.memory_space<vmem>>, vector<1x16xf32>,
        %get3A_664 = vector.shape_cast %get3A_663 : vector<1x16xf32> to vector<16xf32>
        %mul3A_665 = vector.broadcast %squeeze3A_645 : f32 to vector<16xf32>
        %mul3A_666 = arith.mulf %get3A_664, %mul3A_665 : vector<16xf32>
        %swap3A_667 = arith.index_cast %add3A_649 : i32 to index
        %swap3A_668 = arith.constant 16 : index
        %swap3A_669 = tpu.vector_load %arg8[%swap3A_667, %swap3A_668] {strides = array<i32>} : memref<128x64xf32, #tpu.memory_space<vmem>>, vector<1x16xf32>,
        %swap3A_670 = vector.shape_cast %swap3A_669 : vector<1x16xf32> to vector<16xf32>
        %swap3A_671 = vector.shape_cast %mul3A_666 : vector<16xf32> to vector<1x16xf32>
        tpu.vector_store %arg8[%swap3A_667, %swap3A_668], %swap3A_671 {strides = array<i32>} : memref<128x64xf32, #tpu.memory_space<vmem>>, vector<1x16xf32>,
        %get3A_672 = arith.index_cast %add3A_649 : i32 to index
        %get3A_673 = arith.constant 32 : index
        %get3A_674 = tpu.vector_load %arg8[%get3A_672, %get3A_673] {strides = array<i32>} : memref<128x64xf32, #tpu.memory_space<vmem>>, vector<1x16xf32>,
        %get3A_675 = vector.shape_cast %get3A_674 : vector<1x16xf32> to vector<16xf32>
        %mul3A_676 = vector.broadcast %squeeze3A_645 : f32 to vector<16xf32>
        %mul3A_677 = arith.mulf %get3A_675, %mul3A_676 : vector<16xf32>
        %swap3A_678 = arith.index_cast %add3A_649 : i32 to index
        %swap3A_679 = arith.constant 32 : index
        %swap3A_680 = tpu.vector_load %arg8[%swap3A_678, %swap3A_679] {strides = array<i32>} : memref<128x64xf32, #tpu.memory_space<vmem>>, vector<1x16xf32>,
        %swap3A_681 = vector.shape_cast %swap3A_680 : vector<1x16xf32> to vector<16xf32>
        %swap3A_682 = vector.shape_cast %mul3A_677 : vector<16xf32> to vector<1x16xf32>
        tpu.vector_store %arg8[%swap3A_678, %swap3A_679], %swap3A_682 {strides = array<i32>} : memref<128x64xf32, #tpu.memory_space<vmem>>, vector<1x16xf32>,
        %get3A_683 = arith.index_cast %add3A_649 : i32 to index
        %get3A_684 = arith.constant 48 : index
        %get3A_685 = tpu.vector_load %arg8[%get3A_683, %get3A_684] {strides = array<i32>} : memref<128x64xf32, #tpu.memory_space<vmem>>, vector<1x16xf32>,
        %get3A_686 = vector.shape_cast %get3A_685 : vector<1x16xf32> to vector<16xf32>
        %mul3A_687 = vector.broadcast %squeeze3A_645 : f32 to vector<16xf32>
        %mul3A_688 = arith.mulf %get3A_686, %mul3A_687 : vector<16xf32>
        %swap3A_689 = arith.index_cast %add3A_649 : i32 to index
        %swap3A_690 = arith.constant 48 : index
        %swap3A_691 = tpu.vector_load %arg8[%swap3A_689, %swap3A_690] {strides = array<i32>} : memref<128x64xf32, #tpu.memory_space<vmem>>, vector<1x16xf32>,
        %swap3A_692 = vector.shape_cast %swap3A_691 : vector<1x16xf32> to vector<16xf32>
        %swap3A_693 = vector.shape_cast %mul3A_688 : vector<16xf32> to vector<1x16xf32>
        tpu.vector_store %arg8[%swap3A_689, %swap3A_690], %swap3A_693 {strides = array<i32>} : memref<128x64xf32, #tpu.memory_space<vmem>>, vector<1x16xf32>,
        %slice3A_694 = vector.extract_strided_slice %get3A_146 {offsets = [11], sizes = [1], strides = [1]} : vector<16xf32> to vector<1xf32>
        %squeeze3A_695 = vector.extract %slice3A_694[0] : f32 from vector<1xf32>
        %mul3A_696 = arith.constant 16 : i32
        %mul3A_697 = arith.muli %scan3A_140, %mul3A_696 : i32
        %add3A_698 = arith.constant 11 : i32
        %add3A_699 = arith.addi %mul3A_697, %add3A_698 : i32
        %get3A_700 = arith.index_cast %add3A_699 : i32 to index
        %get3A_701 = arith.constant 0 : index
        %get3A_702 = tpu.vector_load %arg8[%get3A_700, %get3A_701] {strides = array<i32>} : memref<128x64xf32, #tpu.memory_space<vmem>>, vector<1x16xf32>,
        %get3A_703 = vector.shape_cast %get3A_702 : vector<1x16xf32> to vector<16xf32>
        %mul3A_704 = vector.broadcast %squeeze3A_695 : f32 to vector<16xf32>
        %mul3A_705 = arith.mulf %get3A_703, %mul3A_704 : vector<16xf32>
        %swap3A_706 = arith.index_cast %add3A_699 : i32 to index
        %swap3A_707 = arith.constant 0 : index
        %swap3A_708 = tpu.vector_load %arg8[%swap3A_706, %swap3A_707] {strides = array<i32>} : memref<128x64xf32, #tpu.memory_space<vmem>>, vector<1x16xf32>,
        %swap3A_709 = vector.shape_cast %swap3A_708 : vector<1x16xf32> to vector<16xf32>
        %swap3A_710 = vector.shape_cast %mul3A_705 : vector<16xf32> to vector<1x16xf32>
        tpu.vector_store %arg8[%swap3A_706, %swap3A_707], %swap3A_710 {strides = array<i32>} : memref<128x64xf32, #tpu.memory_space<vmem>>, vector<1x16xf32>,
        %get3A_711 = arith.index_cast %add3A_699 : i32 to index
        %get3A_712 = arith.constant 16 : index
        %get3A_713 = tpu.vector_load %arg8[%get3A_711, %get3A_712] {strides = array<i32>} : memref<128x64xf32, #tpu.memory_space<vmem>>, vector<1x16xf32>,
        %get3A_714 = vector.shape_cast %get3A_713 : vector<1x16xf32> to vector<16xf32>
        %mul3A_715 = vector.broadcast %squeeze3A_695 : f32 to vector<16xf32>
        %mul3A_716 = arith.mulf %get3A_714, %mul3A_715 : vector<16xf32>
        %swap3A_717 = arith.index_cast %add3A_699 : i32 to index
        %swap3A_718 = arith.constant 16 : index
        %swap3A_719 = tpu.vector_load %arg8[%swap3A_717, %swap3A_718] {strides = array<i32>} : memref<128x64xf32, #tpu.memory_space<vmem>>, vector<1x16xf32>,
        %swap3A_720 = vector.shape_cast %swap3A_719 : vector<1x16xf32> to vector<16xf32>
        %swap3A_721 = vector.shape_cast %mul3A_716 : vector<16xf32> to vector<1x16xf32>
        tpu.vector_store %arg8[%swap3A_717, %swap3A_718], %swap3A_721 {strides = array<i32>} : memref<128x64xf32, #tpu.memory_space<vmem>>, vector<1x16xf32>,
        %get3A_722 = arith.index_cast %add3A_699 : i32 to index
        %get3A_723 = arith.constant 32 : index
        %get3A_724 = tpu.vector_load %arg8[%get3A_722, %get3A_723] {strides = array<i32>} : memref<128x64xf32, #tpu.memory_space<vmem>>, vector<1x16xf32>,
        %get3A_725 = vector.shape_cast %get3A_724 : vector<1x16xf32> to vector<16xf32>
        %mul3A_726 = vector.broadcast %squeeze3A_695 : f32 to vector<16xf32>
        %mul3A_727 = arith.mulf %get3A_725, %mul3A_726 : vector<16xf32>
        %swap3A_728 = arith.index_cast %add3A_699 : i32 to index
        %swap3A_729 = arith.constant 32 : index
        %swap3A_730 = tpu.vector_load %arg8[%swap3A_728, %swap3A_729] {strides = array<i32>} : memref<128x64xf32, #tpu.memory_space<vmem>>, vector<1x16xf32>,
        %swap3A_731 = vector.shape_cast %swap3A_730 : vector<1x16xf32> to vector<16xf32>
        %swap3A_732 = vector.shape_cast %mul3A_727 : vector<16xf32> to vector<1x16xf32>
        tpu.vector_store %arg8[%swap3A_728, %swap3A_729], %swap3A_732 {strides = array<i32>} : memref<128x64xf32, #tpu.memory_space<vmem>>, vector<1x16xf32>,
        %get3A_733 = arith.index_cast %add3A_699 : i32 to index
        %get3A_734 = arith.constant 48 : index
        %get3A_735 = tpu.vector_load %arg8[%get3A_733, %get3A_734] {strides = array<i32>} : memref<128x64xf32, #tpu.memory_space<vmem>>, vector<1x16xf32>,
        %get3A_736 = vector.shape_cast %get3A_735 : vector<1x16xf32> to vector<16xf32>
        %mul3A_737 = vector.broadcast %squeeze3A_695 : f32 to vector<16xf32>
        %mul3A_738 = arith.mulf %get3A_736, %mul3A_737 : vector<16xf32>
        %swap3A_739 = arith.index_cast %add3A_699 : i32 to index
        %swap3A_740 = arith.constant 48 : index
        %swap3A_741 = tpu.vector_load %arg8[%swap3A_739, %swap3A_740] {strides = array<i32>} : memref<128x64xf32, #tpu.memory_space<vmem>>, vector<1x16xf32>,
        %swap3A_742 = vector.shape_cast %swap3A_741 : vector<1x16xf32> to vector<16xf32>
        %swap3A_743 = vector.shape_cast %mul3A_738 : vector<16xf32> to vector<1x16xf32>
        tpu.vector_store %arg8[%swap3A_739, %swap3A_740], %swap3A_743 {strides = array<i32>} : memref<128x64xf32, #tpu.memory_space<vmem>>, vector<1x16xf32>,
        %slice3A_744 = vector.extract_strided_slice %get3A_146 {offsets = [12], sizes = [1], strides = [1]} : vector<16xf32> to vector<1xf32>
        %squeeze3A_745 = vector.extract %slice3A_744[0] : f32 from vector<1xf32>
        %mul3A_746 = arith.constant 16 : i32
        %mul3A_747 = arith.muli %scan3A_140, %mul3A_746 : i32
        %add3A_748 = arith.constant 12 : i32
        %add3A_749 = arith.addi %mul3A_747, %add3A_748 : i32
        %get3A_750 = arith.index_cast %add3A_749 : i32 to index
        %get3A_751 = arith.constant 0 : index
        %get3A_752 = tpu.vector_load %arg8[%get3A_750, %get3A_751] {strides = array<i32>} : memref<128x64xf32, #tpu.memory_space<vmem>>, vector<1x16xf32>,
        %get3A_753 = vector.shape_cast %get3A_752 : vector<1x16xf32> to vector<16xf32>
        %mul3A_754 = vector.broadcast %squeeze3A_745 : f32 to vector<16xf32>
        %mul3A_755 = arith.mulf %get3A_753, %mul3A_754 : vector<16xf32>
        %swap3A_756 = arith.index_cast %add3A_749 : i32 to index
        %swap3A_757 = arith.constant 0 : index
        %swap3A_758 = tpu.vector_load %arg8[%swap3A_756, %swap3A_757] {strides = array<i32>} : memref<128x64xf32, #tpu.memory_space<vmem>>, vector<1x16xf32>,
        %swap3A_759 = vector.shape_cast %swap3A_758 : vector<1x16xf32> to vector<16xf32>
        %swap3A_760 = vector.shape_cast %mul3A_755 : vector<16xf32> to vector<1x16xf32>
        tpu.vector_store %arg8[%swap3A_756, %swap3A_757], %swap3A_760 {strides = array<i32>} : memref<128x64xf32, #tpu.memory_space<vmem>>, vector<1x16xf32>,
        %get3A_761 = arith.index_cast %add3A_749 : i32 to index
        %get3A_762 = arith.constant 16 : index
        %get3A_763 = tpu.vector_load %arg8[%get3A_761, %get3A_762] {strides = array<i32>} : memref<128x64xf32, #tpu.memory_space<vmem>>, vector<1x16xf32>,
        %get3A_764 = vector.shape_cast %get3A_763 : vector<1x16xf32> to vector<16xf32>
        %mul3A_765 = vector.broadcast %squeeze3A_745 : f32 to vector<16xf32>
        %mul3A_766 = arith.mulf %get3A_764, %mul3A_765 : vector<16xf32>
        %swap3A_767 = arith.index_cast %add3A_749 : i32 to index
        %swap3A_768 = arith.constant 16 : index
        %swap3A_769 = tpu.vector_load %arg8[%swap3A_767, %swap3A_768] {strides = array<i32>} : memref<128x64xf32, #tpu.memory_space<vmem>>, vector<1x16xf32>,
        %swap3A_770 = vector.shape_cast %swap3A_769 : vector<1x16xf32> to vector<16xf32>
        %swap3A_771 = vector.shape_cast %mul3A_766 : vector<16xf32> to vector<1x16xf32>
        tpu.vector_store %arg8[%swap3A_767, %swap3A_768], %swap3A_771 {strides = array<i32>} : memref<128x64xf32, #tpu.memory_space<vmem>>, vector<1x16xf32>,
        %get3A_772 = arith.index_cast %add3A_749 : i32 to index
        %get3A_773 = arith.constant 32 : index
        %get3A_774 = tpu.vector_load %arg8[%get3A_772, %get3A_773] {strides = array<i32>} : memref<128x64xf32, #tpu.memory_space<vmem>>, vector<1x16xf32>,
        %get3A_775 = vector.shape_cast %get3A_774 : vector<1x16xf32> to vector<16xf32>
        %mul3A_776 = vector.broadcast %squeeze3A_745 : f32 to vector<16xf32>
        %mul3A_777 = arith.mulf %get3A_775, %mul3A_776 : vector<16xf32>
        %swap3A_778 = arith.index_cast %add3A_749 : i32 to index
        %swap3A_779 = arith.constant 32 : index
        %swap3A_780 = tpu.vector_load %arg8[%swap3A_778, %swap3A_779] {strides = array<i32>} : memref<128x64xf32, #tpu.memory_space<vmem>>, vector<1x16xf32>,
        %swap3A_781 = vector.shape_cast %swap3A_780 : vector<1x16xf32> to vector<16xf32>
        %swap3A_782 = vector.shape_cast %mul3A_777 : vector<16xf32> to vector<1x16xf32>
        tpu.vector_store %arg8[%swap3A_778, %swap3A_779], %swap3A_782 {strides = array<i32>} : memref<128x64xf32, #tpu.memory_space<vmem>>, vector<1x16xf32>,
        %get3A_783 = arith.index_cast %add3A_749 : i32 to index
        %get3A_784 = arith.constant 48 : index
        %get3A_785 = tpu.vector_load %arg8[%get3A_783, %get3A_784] {strides = array<i32>} : memref<128x64xf32, #tpu.memory_space<vmem>>, vector<1x16xf32>,
        %get3A_786 = vector.shape_cast %get3A_785 : vector<1x16xf32> to vector<16xf32>
        %mul3A_787 = vector.broadcast %squeeze3A_745 : f32 to vector<16xf32>
        %mul3A_788 = arith.mulf %get3A_786, %mul3A_787 : vector<16xf32>
        %swap3A_789 = arith.index_cast %add3A_749 : i32 to index
        %swap3A_790 = arith.constant 48 : index
        %swap3A_791 = tpu.vector_load %arg8[%swap3A_789, %swap3A_790] {strides = array<i32>} : memref<128x64xf32, #tpu.memory_space<vmem>>, vector<1x16xf32>,
        %swap3A_792 = vector.shape_cast %swap3A_791 : vector<1x16xf32> to vector<16xf32>
        %swap3A_793 = vector.shape_cast %mul3A_788 : vector<16xf32> to vector<1x16xf32>
        tpu.vector_store %arg8[%swap3A_789, %swap3A_790], %swap3A_793 {strides = array<i32>} : memref<128x64xf32, #tpu.memory_space<vmem>>, vector<1x16xf32>,
        %slice3A_794 = vector.extract_strided_slice %get3A_146 {offsets = [13], sizes = [1], strides = [1]} : vector<16xf32> to vector<1xf32>
        %squeeze3A_795 = vector.extract %slice3A_794[0] : f32 from vector<1xf32>
        %mul3A_796 = arith.constant 16 : i32
        %mul3A_797 = arith.muli %scan3A_140, %mul3A_796 : i32
        %add3A_798 = arith.constant 13 : i32
        %add3A_799 = arith.addi %mul3A_797, %add3A_798 : i32
        %get3A_800 = arith.index_cast %add3A_799 : i32 to index
        %get3A_801 = arith.constant 0 : index
        %get3A_802 = tpu.vector_load %arg8[%get3A_800, %get3A_801] {strides = array<i32>} : memref<128x64xf32, #tpu.memory_space<vmem>>, vector<1x16xf32>,
        %get3A_803 = vector.shape_cast %get3A_802 : vector<1x16xf32> to vector<16xf32>
        %mul3A_804 = vector.broadcast %squeeze3A_795 : f32 to vector<16xf32>
        %mul3A_805 = arith.mulf %get3A_803, %mul3A_804 : vector<16xf32>
        %swap3A_806 = arith.index_cast %add3A_799 : i32 to index
        %swap3A_807 = arith.constant 0 : index
        %swap3A_808 = tpu.vector_load %arg8[%swap3A_806, %swap3A_807] {strides = array<i32>} : memref<128x64xf32, #tpu.memory_space<vmem>>, vector<1x16xf32>,
        %swap3A_809 = vector.shape_cast %swap3A_808 : vector<1x16xf32> to vector<16xf32>
        %swap3A_810 = vector.shape_cast %mul3A_805 : vector<16xf32> to vector<1x16xf32>
        tpu.vector_store %arg8[%swap3A_806, %swap3A_807], %swap3A_810 {strides = array<i32>} : memref<128x64xf32, #tpu.memory_space<vmem>>, vector<1x16xf32>,
        %get3A_811 = arith.index_cast %add3A_799 : i32 to index
        %get3A_812 = arith.constant 16 : index
        %get3A_813 = tpu.vector_load %arg8[%get3A_811, %get3A_812] {strides = array<i32>} : memref<128x64xf32, #tpu.memory_space<vmem>>, vector<1x16xf32>,
        %get3A_814 = vector.shape_cast %get3A_813 : vector<1x16xf32> to vector<16xf32>
        %mul3A_815 = vector.broadcast %squeeze3A_795 : f32 to vector<16xf32>
        %mul3A_816 = arith.mulf %get3A_814, %mul3A_815 : vector<16xf32>
        %swap3A_817 = arith.index_cast %add3A_799 : i32 to index
        %swap3A_818 = arith.constant 16 : index
        %swap3A_819 = tpu.vector_load %arg8[%swap3A_817, %swap3A_818] {strides = array<i32>} : memref<128x64xf32, #tpu.memory_space<vmem>>, vector<1x16xf32>,
        %swap3A_820 = vector.shape_cast %swap3A_819 : vector<1x16xf32> to vector<16xf32>
        %swap3A_821 = vector.shape_cast %mul3A_816 : vector<16xf32> to vector<1x16xf32>
        tpu.vector_store %arg8[%swap3A_817, %swap3A_818], %swap3A_821 {strides = array<i32>} : memref<128x64xf32, #tpu.memory_space<vmem>>, vector<1x16xf32>,
        %get3A_822 = arith.index_cast %add3A_799 : i32 to index
        %get3A_823 = arith.constant 32 : index
        %get3A_824 = tpu.vector_load %arg8[%get3A_822, %get3A_823] {strides = array<i32>} : memref<128x64xf32, #tpu.memory_space<vmem>>, vector<1x16xf32>,
        %get3A_825 = vector.shape_cast %get3A_824 : vector<1x16xf32> to vector<16xf32>
        %mul3A_826 = vector.broadcast %squeeze3A_795 : f32 to vector<16xf32>
        %mul3A_827 = arith.mulf %get3A_825, %mul3A_826 : vector<16xf32>
        %swap3A_828 = arith.index_cast %add3A_799 : i32 to index
        %swap3A_829 = arith.constant 32 : index
        %swap3A_830 = tpu.vector_load %arg8[%swap3A_828, %swap3A_829] {strides = array<i32>} : memref<128x64xf32, #tpu.memory_space<vmem>>, vector<1x16xf32>,
        %swap3A_831 = vector.shape_cast %swap3A_830 : vector<1x16xf32> to vector<16xf32>
        %swap3A_832 = vector.shape_cast %mul3A_827 : vector<16xf32> to vector<1x16xf32>
        tpu.vector_store %arg8[%swap3A_828, %swap3A_829], %swap3A_832 {strides = array<i32>} : memref<128x64xf32, #tpu.memory_space<vmem>>, vector<1x16xf32>,
        %get3A_833 = arith.index_cast %add3A_799 : i32 to index
        %get3A_834 = arith.constant 48 : index
        %get3A_835 = tpu.vector_load %arg8[%get3A_833, %get3A_834] {strides = array<i32>} : memref<128x64xf32, #tpu.memory_space<vmem>>, vector<1x16xf32>,
        %get3A_836 = vector.shape_cast %get3A_835 : vector<1x16xf32> to vector<16xf32>
        %mul3A_837 = vector.broadcast %squeeze3A_795 : f32 to vector<16xf32>
        %mul3A_838 = arith.mulf %get3A_836, %mul3A_837 : vector<16xf32>
        %swap3A_839 = arith.index_cast %add3A_799 : i32 to index
        %swap3A_840 = arith.constant 48 : index
        %swap3A_841 = tpu.vector_load %arg8[%swap3A_839, %swap3A_840] {strides = array<i32>} : memref<128x64xf32, #tpu.memory_space<vmem>>, vector<1x16xf32>,
        %swap3A_842 = vector.shape_cast %swap3A_841 : vector<1x16xf32> to vector<16xf32>
        %swap3A_843 = vector.shape_cast %mul3A_838 : vector<16xf32> to vector<1x16xf32>
        tpu.vector_store %arg8[%swap3A_839, %swap3A_840], %swap3A_843 {strides = array<i32>} : memref<128x64xf32, #tpu.memory_space<vmem>>, vector<1x16xf32>,
        %slice3A_844 = vector.extract_strided_slice %get3A_146 {offsets = [14], sizes = [1], strides = [1]} : vector<16xf32> to vector<1xf32>
        %squeeze3A_845 = vector.extract %slice3A_844[0] : f32 from vector<1xf32>
        %mul3A_846 = arith.constant 16 : i32
        %mul3A_847 = arith.muli %scan3A_140, %mul3A_846 : i32
        %add3A_848 = arith.constant 14 : i32
        %add3A_849 = arith.addi %mul3A_847, %add3A_848 : i32
        %get3A_850 = arith.index_cast %add3A_849 : i32 to index
        %get3A_851 = arith.constant 0 : index
        %get3A_852 = tpu.vector_load %arg8[%get3A_850, %get3A_851] {strides = array<i32>} : memref<128x64xf32, #tpu.memory_space<vmem>>, vector<1x16xf32>,
        %get3A_853 = vector.shape_cast %get3A_852 : vector<1x16xf32> to vector<16xf32>
        %mul3A_854 = vector.broadcast %squeeze3A_845 : f32 to vector<16xf32>
        %mul3A_855 = arith.mulf %get3A_853, %mul3A_854 : vector<16xf32>
        %swap3A_856 = arith.index_cast %add3A_849 : i32 to index
        %swap3A_857 = arith.constant 0 : index
        %swap3A_858 = tpu.vector_load %arg8[%swap3A_856, %swap3A_857] {strides = array<i32>} : memref<128x64xf32, #tpu.memory_space<vmem>>, vector<1x16xf32>,
        %swap3A_859 = vector.shape_cast %swap3A_858 : vector<1x16xf32> to vector<16xf32>
        %swap3A_860 = vector.shape_cast %mul3A_855 : vector<16xf32> to vector<1x16xf32>
        tpu.vector_store %arg8[%swap3A_856, %swap3A_857], %swap3A_860 {strides = array<i32>} : memref<128x64xf32, #tpu.memory_space<vmem>>, vector<1x16xf32>,
        %get3A_861 = arith.index_cast %add3A_849 : i32 to index
        %get3A_862 = arith.constant 16 : index
        %get3A_863 = tpu.vector_load %arg8[%get3A_861, %get3A_862] {strides = array<i32>} : memref<128x64xf32, #tpu.memory_space<vmem>>, vector<1x16xf32>,
        %get3A_864 = vector.shape_cast %get3A_863 : vector<1x16xf32> to vector<16xf32>
        %mul3A_865 = vector.broadcast %squeeze3A_845 : f32 to vector<16xf32>
        %mul3A_866 = arith.mulf %get3A_864, %mul3A_865 : vector<16xf32>
        %swap3A_867 = arith.index_cast %add3A_849 : i32 to index
        %swap3A_868 = arith.constant 16 : index
        %swap3A_869 = tpu.vector_load %arg8[%swap3A_867, %swap3A_868] {strides = array<i32>} : memref<128x64xf32, #tpu.memory_space<vmem>>, vector<1x16xf32>,
        %swap3A_870 = vector.shape_cast %swap3A_869 : vector<1x16xf32> to vector<16xf32>
        %swap3A_871 = vector.shape_cast %mul3A_866 : vector<16xf32> to vector<1x16xf32>
        tpu.vector_store %arg8[%swap3A_867, %swap3A_868], %swap3A_871 {strides = array<i32>} : memref<128x64xf32, #tpu.memory_space<vmem>>, vector<1x16xf32>,
        %get3A_872 = arith.index_cast %add3A_849 : i32 to index
        %get3A_873 = arith.constant 32 : index
        %get3A_874 = tpu.vector_load %arg8[%get3A_872, %get3A_873] {strides = array<i32>} : memref<128x64xf32, #tpu.memory_space<vmem>>, vector<1x16xf32>,
        %get3A_875 = vector.shape_cast %get3A_874 : vector<1x16xf32> to vector<16xf32>
        %mul3A_876 = vector.broadcast %squeeze3A_845 : f32 to vector<16xf32>
        %mul3A_877 = arith.mulf %get3A_875, %mul3A_876 : vector<16xf32>
        %swap3A_878 = arith.index_cast %add3A_849 : i32 to index
        %swap3A_879 = arith.constant 32 : index
        %swap3A_880 = tpu.vector_load %arg8[%swap3A_878, %swap3A_879] {strides = array<i32>} : memref<128x64xf32, #tpu.memory_space<vmem>>, vector<1x16xf32>,
        %swap3A_881 = vector.shape_cast %swap3A_880 : vector<1x16xf32> to vector<16xf32>
        %swap3A_882 = vector.shape_cast %mul3A_877 : vector<16xf32> to vector<1x16xf32>
        tpu.vector_store %arg8[%swap3A_878, %swap3A_879], %swap3A_882 {strides = array<i32>} : memref<128x64xf32, #tpu.memory_space<vmem>>, vector<1x16xf32>,
        %get3A_883 = arith.index_cast %add3A_849 : i32 to index
        %get3A_884 = arith.constant 48 : index
        %get3A_885 = tpu.vector_load %arg8[%get3A_883, %get3A_884] {strides = array<i32>} : memref<128x64xf32, #tpu.memory_space<vmem>>, vector<1x16xf32>,
        %get3A_886 = vector.shape_cast %get3A_885 : vector<1x16xf32> to vector<16xf32>
        %mul3A_887 = vector.broadcast %squeeze3A_845 : f32 to vector<16xf32>
        %mul3A_888 = arith.mulf %get3A_886, %mul3A_887 : vector<16xf32>
        %swap3A_889 = arith.index_cast %add3A_849 : i32 to index
        %swap3A_890 = arith.constant 48 : index
        %swap3A_891 = tpu.vector_load %arg8[%swap3A_889, %swap3A_890] {strides = array<i32>} : memref<128x64xf32, #tpu.memory_space<vmem>>, vector<1x16xf32>,
        %swap3A_892 = vector.shape_cast %swap3A_891 : vector<1x16xf32> to vector<16xf32>
        %swap3A_893 = vector.shape_cast %mul3A_888 : vector<16xf32> to vector<1x16xf32>
        tpu.vector_store %arg8[%swap3A_889, %swap3A_890], %swap3A_893 {strides = array<i32>} : memref<128x64xf32, #tpu.memory_space<vmem>>, vector<1x16xf32>,
        %slice3A_894 = vector.extract_strided_slice %get3A_146 {offsets = [15], sizes = [1], strides = [1]} : vector<16xf32> to vector<1xf32>
        %squeeze3A_895 = vector.extract %slice3A_894[0] : f32 from vector<1xf32>
        %mul3A_896 = arith.constant 16 : i32
        %mul3A_897 = arith.muli %scan3A_140, %mul3A_896 : i32
        %add3A_898 = arith.constant 15 : i32
        %add3A_899 = arith.addi %mul3A_897, %add3A_898 : i32
        %get3A_900 = arith.index_cast %add3A_899 : i32 to index
        %get3A_901 = arith.constant 0 : index
        %get3A_902 = tpu.vector_load %arg8[%get3A_900, %get3A_901] {strides = array<i32>} : memref<128x64xf32, #tpu.memory_space<vmem>>, vector<1x16xf32>,
        %get3A_903 = vector.shape_cast %get3A_902 : vector<1x16xf32> to vector<16xf32>
        %mul3A_904 = vector.broadcast %squeeze3A_895 : f32 to vector<16xf32>
        %mul3A_905 = arith.mulf %get3A_903, %mul3A_904 : vector<16xf32>
        %swap3A_906 = arith.index_cast %add3A_899 : i32 to index
        %swap3A_907 = arith.constant 0 : index
        %swap3A_908 = tpu.vector_load %arg8[%swap3A_906, %swap3A_907] {strides = array<i32>} : memref<128x64xf32, #tpu.memory_space<vmem>>, vector<1x16xf32>,
        %swap3A_909 = vector.shape_cast %swap3A_908 : vector<1x16xf32> to vector<16xf32>
        %swap3A_910 = vector.shape_cast %mul3A_905 : vector<16xf32> to vector<1x16xf32>
        tpu.vector_store %arg8[%swap3A_906, %swap3A_907], %swap3A_910 {strides = array<i32>} : memref<128x64xf32, #tpu.memory_space<vmem>>, vector<1x16xf32>,
        %get3A_911 = arith.index_cast %add3A_899 : i32 to index
        %get3A_912 = arith.constant 16 : index
        %get3A_913 = tpu.vector_load %arg8[%get3A_911, %get3A_912] {strides = array<i32>} : memref<128x64xf32, #tpu.memory_space<vmem>>, vector<1x16xf32>,
        %get3A_914 = vector.shape_cast %get3A_913 : vector<1x16xf32> to vector<16xf32>
        %mul3A_915 = vector.broadcast %squeeze3A_895 : f32 to vector<16xf32>
        %mul3A_916 = arith.mulf %get3A_914, %mul3A_915 : vector<16xf32>
        %swap3A_917 = arith.index_cast %add3A_899 : i32 to index
        %swap3A_918 = arith.constant 16 : index
        %swap3A_919 = tpu.vector_load %arg8[%swap3A_917, %swap3A_918] {strides = array<i32>} : memref<128x64xf32, #tpu.memory_space<vmem>>, vector<1x16xf32>,
        %swap3A_920 = vector.shape_cast %swap3A_919 : vector<1x16xf32> to vector<16xf32>
        %swap3A_921 = vector.shape_cast %mul3A_916 : vector<16xf32> to vector<1x16xf32>
        tpu.vector_store %arg8[%swap3A_917, %swap3A_918], %swap3A_921 {strides = array<i32>} : memref<128x64xf32, #tpu.memory_space<vmem>>, vector<1x16xf32>,
        %get3A_922 = arith.index_cast %add3A_899 : i32 to index
        %get3A_923 = arith.constant 32 : index
        %get3A_924 = tpu.vector_load %arg8[%get3A_922, %get3A_923] {strides = array<i32>} : memref<128x64xf32, #tpu.memory_space<vmem>>, vector<1x16xf32>,
        %get3A_925 = vector.shape_cast %get3A_924 : vector<1x16xf32> to vector<16xf32>
        %mul3A_926 = vector.broadcast %squeeze3A_895 : f32 to vector<16xf32>
        %mul3A_927 = arith.mulf %get3A_925, %mul3A_926 : vector<16xf32>
        %swap3A_928 = arith.index_cast %add3A_899 : i32 to index
        %swap3A_929 = arith.constant 32 : index
        %swap3A_930 = tpu.vector_load %arg8[%swap3A_928, %swap3A_929] {strides = array<i32>} : memref<128x64xf32, #tpu.memory_space<vmem>>, vector<1x16xf32>,
        %swap3A_931 = vector.shape_cast %swap3A_930 : vector<1x16xf32> to vector<16xf32>
        %swap3A_932 = vector.shape_cast %mul3A_927 : vector<16xf32> to vector<1x16xf32>
        tpu.vector_store %arg8[%swap3A_928, %swap3A_929], %swap3A_932 {strides = array<i32>} : memref<128x64xf32, #tpu.memory_space<vmem>>, vector<1x16xf32>,
        %get3A_933 = arith.index_cast %add3A_899 : i32 to index
        %get3A_934 = arith.constant 48 : index
        %get3A_935 = tpu.vector_load %arg8[%get3A_933, %get3A_934] {strides = array<i32>} : memref<128x64xf32, #tpu.memory_space<vmem>>, vector<1x16xf32>,
        %get3A_936 = vector.shape_cast %get3A_935 : vector<1x16xf32> to vector<16xf32>
        %mul3A_937 = vector.broadcast %squeeze3A_895 : f32 to vector<16xf32>
        %mul3A_938 = arith.mulf %get3A_936, %mul3A_937 : vector<16xf32>
        %swap3A_939 = arith.index_cast %add3A_899 : i32 to index
        %swap3A_940 = arith.constant 48 : index
        %swap3A_941 = tpu.vector_load %arg8[%swap3A_939, %swap3A_940] {strides = array<i32>} : memref<128x64xf32, #tpu.memory_space<vmem>>, vector<1x16xf32>,
        %swap3A_942 = vector.shape_cast %swap3A_941 : vector<1x16xf32> to vector<16xf32>
        %swap3A_943 = vector.shape_cast %mul3A_938 : vector<16xf32> to vector<1x16xf32>
        tpu.vector_store %arg8[%swap3A_939, %swap3A_940], %swap3A_943 {strides = array<i32>} : memref<128x64xf32, #tpu.memory_space<vmem>>, vector<1x16xf32>,
        %scan3A_944 = arith.constant 0 : i32
        scf.yield %scan3A_944 : i32
      }
      %scan3A_71 = arith.constant 8 : i32
      %add3A_72 = arith.constant 160 : i32
      %add3A_73 = arith.addi %add3A_72, %add3A_56 : i32
      %dma_start3A_74 = arith.constant 0 : i32
      %dma_start3A_75 = arith.constant 0 : i32
      %dma_start3A_76 = tpu.memref_slice %arg6[%add3A_73, %dma_start3A_75] : memref<320x128xi32, #tpu.memory_space<vmem>> -> memref<1x128xi32, #tpu.memory_space<vmem>>
      %dma_start3A_77 = tpu.memref_squeeze %dma_start3A_76 : memref<1x128xi32, #tpu.memory_space<vmem>> -> memref<128xi32, #tpu.memory_space<vmem>>
      %dma_start3A_78 = arith.constant 0 : i32
      %dma_start3A_79 = arith.constant 0 : i32
      %dma_start3A_80 = tpu.memref_slice %arg10[%dma_start3A_78, %dma_start3A_79] : memref<10240x64xf32, #tpu.memory_space<vmem_shared>> -> memref<10240x64xf32, #tpu.memory_space<vmem_shared>>
      %dma_start3A_81 = tpu.memref_slice %arg12[%dma_start3A_74] : memref<2x!tpu.dma_semaphore, #tpu.memory_space<semaphore_mem>> -> memref<1x!tpu.dma_semaphore, #tpu.memory_space<semaphore_mem>>
      %dma_start3A_82 = tpu.memref_squeeze %dma_start3A_81 : memref<1x!tpu.dma_semaphore, #tpu.memory_space<semaphore_mem>> -> memref<!tpu.dma_semaphore, #tpu.memory_space<semaphore_mem>>
      tpu.enqueue_indirect_dma source(%arg8 : memref<128x64xf32, #tpu.memory_space<vmem>>) target(%dma_start3A_80 : memref<10240x64xf32, #tpu.memory_space<vmem_shared>>) offsets(%dma_start3A_77 : memref<128xi32, #tpu.memory_space<vmem>>) semaphore(%dma_start3A_82 : memref<!tpu.dma_semaphore, #tpu.memory_space<semaphore_mem>>) {add = true}
      %mul3A_83 = arith.constant 2 : i32
      %mul3A_84 = arith.muli %scan3A_52, %mul3A_83 : i32
      %add3A_85 = arith.constant 1 : i32
      %add3A_86 = arith.addi %mul3A_84, %add3A_85 : i32
      %dma_wait3A_87 = arith.constant 1 : i32
      %dma_wait3A_88 = arith.constant 0 : i32
      %dma_wait3A_89 = tpu.memref_slice %arg6[%add3A_86, %dma_wait3A_88] : memref<320x128xi32, #tpu.memory_space<vmem>> -> memref<1x128xi32, #tpu.memory_space<vmem>>
      %dma_wait3A_90 = tpu.memref_squeeze %dma_wait3A_89 : memref<1x128xi32, #tpu.memory_space<vmem>> -> memref<128xi32, #tpu.memory_space<vmem>>
      %dma_wait3A_91 = arith.constant 0 : i32
      %dma_wait3A_92 = arith.constant 0 : i32
      %dma_wait3A_93 = tpu.memref_slice %arg2[%dma_wait3A_91, %dma_wait3A_92] : memref<20000x64xf32, #tpu.memory_space<hbm>> -> memref<20000x64xf32, #tpu.memory_space<hbm>>
      %dma_wait3A_94 = tpu.memref_slice %arg11[%dma_wait3A_87] : memref<2x!tpu.dma_semaphore, #tpu.memory_space<semaphore_mem>> -> memref<1x!tpu.dma_semaphore, #tpu.memory_space<semaphore_mem>>
      %dma_wait3A_95 = tpu.memref_squeeze %dma_wait3A_94 : memref<1x!tpu.dma_semaphore, #tpu.memory_space<semaphore_mem>> -> memref<!tpu.dma_semaphore, #tpu.memory_space<semaphore_mem>>
      tpu.wait_indirect_dma semaphore(%dma_wait3A_95 : memref<!tpu.dma_semaphore, #tpu.memory_space<semaphore_mem>>) src(%dma_wait3A_93 : memref<20000x64xf32, #tpu.memory_space<hbm>>) dst(%arg9 : memref<128x64xf32, #tpu.memory_space<vmem>>)
      %scan3A_96 = arith.constant 0 : i32
      %scan3A_97 = arith.constant 0 : i32
      %scan3A_98 = arith.constant 8 : i32
      %scan3A_99 = arith.addi %scan3A_97, %scan3A_98 : i32
      %scan3A_100 = arith.constant 1 : i32
      %scan3A_101 = scf.for %scan3A_140 = %scan3A_97 to %scan3A_99 step %scan3A_100 iter_args(%scan3A_141 = %scan3A_96) -> (i32)  : i32 {
        %mul3A_142 = arith.constant 16 : i32
        %mul3A_143 = arith.muli %scan3A_140, %mul3A_142 : i32
        %get3A = arith.index_cast %add3A_86 : i32 to index
        %get3A_144 = arith.index_cast %mul3A_143 : i32 to index
        %get3A_145 = tpu.vector_load %arg7[%get3A, %get3A_144] {strides = array<i32>} : memref<160x128xf32, #tpu.memory_space<vmem>>, vector<1x16xf32>,
        %get3A_146 = vector.shape_cast %get3A_145 : vector<1x16xf32> to vector<16xf32>
        %slice3A = vector.extract_strided_slice %get3A_146 {offsets = [0], sizes = [1], strides = [1]} : vector<16xf32> to vector<1xf32>
        %squeeze3A = vector.extract %slice3A[0] : f32 from vector<1xf32>
        %mul3A_147 = arith.constant 16 : i32
        %mul3A_148 = arith.muli %scan3A_140, %mul3A_147 : i32
        %add3A_149 = arith.constant 0 : i32
        %add3A_150 = arith.addi %mul3A_148, %add3A_149 : i32
        %get3A_151 = arith.index_cast %add3A_150 : i32 to index
        %get3A_152 = arith.constant 0 : index
        %get3A_153 = tpu.vector_load %arg9[%get3A_151, %get3A_152] {strides = array<i32>} : memref<128x64xf32, #tpu.memory_space<vmem>>, vector<1x16xf32>,
        %get3A_154 = vector.shape_cast %get3A_153 : vector<1x16xf32> to vector<16xf32>
        %mul3A_155 = vector.broadcast %squeeze3A : f32 to vector<16xf32>
        %mul3A_156 = arith.mulf %get3A_154, %mul3A_155 : vector<16xf32>
        %swap3A = arith.index_cast %add3A_150 : i32 to index
        %swap3A_157 = arith.constant 0 : index
        %swap3A_158 = tpu.vector_load %arg9[%swap3A, %swap3A_157] {strides = array<i32>} : memref<128x64xf32, #tpu.memory_space<vmem>>, vector<1x16xf32>,
        %swap3A_159 = vector.shape_cast %swap3A_158 : vector<1x16xf32> to vector<16xf32>
        %swap3A_160 = vector.shape_cast %mul3A_156 : vector<16xf32> to vector<1x16xf32>
        tpu.vector_store %arg9[%swap3A, %swap3A_157], %swap3A_160 {strides = array<i32>} : memref<128x64xf32, #tpu.memory_space<vmem>>, vector<1x16xf32>,
        %get3A_161 = arith.index_cast %add3A_150 : i32 to index
        %get3A_162 = arith.constant 16 : index
        %get3A_163 = tpu.vector_load %arg9[%get3A_161, %get3A_162] {strides = array<i32>} : memref<128x64xf32, #tpu.memory_space<vmem>>, vector<1x16xf32>,
        %get3A_164 = vector.shape_cast %get3A_163 : vector<1x16xf32> to vector<16xf32>
        %mul3A_165 = vector.broadcast %squeeze3A : f32 to vector<16xf32>
        %mul3A_166 = arith.mulf %get3A_164, %mul3A_165 : vector<16xf32>
        %swap3A_167 = arith.index_cast %add3A_150 : i32 to index
        %swap3A_168 = arith.constant 16 : index
        %swap3A_169 = tpu.vector_load %arg9[%swap3A_167, %swap3A_168] {strides = array<i32>} : memref<128x64xf32, #tpu.memory_space<vmem>>, vector<1x16xf32>,
        %swap3A_170 = vector.shape_cast %swap3A_169 : vector<1x16xf32> to vector<16xf32>
        %swap3A_171 = vector.shape_cast %mul3A_166 : vector<16xf32> to vector<1x16xf32>
        tpu.vector_store %arg9[%swap3A_167, %swap3A_168], %swap3A_171 {strides = array<i32>} : memref<128x64xf32, #tpu.memory_space<vmem>>, vector<1x16xf32>,
        %get3A_172 = arith.index_cast %add3A_150 : i32 to index
        %get3A_173 = arith.constant 32 : index
        %get3A_174 = tpu.vector_load %arg9[%get3A_172, %get3A_173] {strides = array<i32>} : memref<128x64xf32, #tpu.memory_space<vmem>>, vector<1x16xf32>,
        %get3A_175 = vector.shape_cast %get3A_174 : vector<1x16xf32> to vector<16xf32>
        %mul3A_176 = vector.broadcast %squeeze3A : f32 to vector<16xf32>
        %mul3A_177 = arith.mulf %get3A_175, %mul3A_176 : vector<16xf32>
        %swap3A_178 = arith.index_cast %add3A_150 : i32 to index
        %swap3A_179 = arith.constant 32 : index
        %swap3A_180 = tpu.vector_load %arg9[%swap3A_178, %swap3A_179] {strides = array<i32>} : memref<128x64xf32, #tpu.memory_space<vmem>>, vector<1x16xf32>,
        %swap3A_181 = vector.shape_cast %swap3A_180 : vector<1x16xf32> to vector<16xf32>
        %swap3A_182 = vector.shape_cast %mul3A_177 : vector<16xf32> to vector<1x16xf32>
        tpu.vector_store %arg9[%swap3A_178, %swap3A_179], %swap3A_182 {strides = array<i32>} : memref<128x64xf32, #tpu.memory_space<vmem>>, vector<1x16xf32>,
        %get3A_183 = arith.index_cast %add3A_150 : i32 to index
        %get3A_184 = arith.constant 48 : index
        %get3A_185 = tpu.vector_load %arg9[%get3A_183, %get3A_184] {strides = array<i32>} : memref<128x64xf32, #tpu.memory_space<vmem>>, vector<1x16xf32>,
        %get3A_186 = vector.shape_cast %get3A_185 : vector<1x16xf32> to vector<16xf32>
        %mul3A_187 = vector.broadcast %squeeze3A : f32 to vector<16xf32>
        %mul3A_188 = arith.mulf %get3A_186, %mul3A_187 : vector<16xf32>
        %swap3A_189 = arith.index_cast %add3A_150 : i32 to index
        %swap3A_190 = arith.constant 48 : index
        %swap3A_191 = tpu.vector_load %arg9[%swap3A_189, %swap3A_190] {strides = array<i32>} : memref<128x64xf32, #tpu.memory_space<vmem>>, vector<1x16xf32>,
        %swap3A_192 = vector.shape_cast %swap3A_191 : vector<1x16xf32> to vector<16xf32>
        %swap3A_193 = vector.shape_cast %mul3A_188 : vector<16xf32> to vector<1x16xf32>
        tpu.vector_store %arg9[%swap3A_189, %swap3A_190], %swap3A_193 {strides = array<i32>} : memref<128x64xf32, #tpu.memory_space<vmem>>, vector<1x16xf32>,
        %slice3A_194 = vector.extract_strided_slice %get3A_146 {offsets = [1], sizes = [1], strides = [1]} : vector<16xf32> to vector<1xf32>
        %squeeze3A_195 = vector.extract %slice3A_194[0] : f32 from vector<1xf32>
        %mul3A_196 = arith.constant 16 : i32
        %mul3A_197 = arith.muli %scan3A_140, %mul3A_196 : i32
        %add3A_198 = arith.constant 1 : i32
        %add3A_199 = arith.addi %mul3A_197, %add3A_198 : i32
        %get3A_200 = arith.index_cast %add3A_199 : i32 to index
        %get3A_201 = arith.constant 0 : index
        %get3A_202 = tpu.vector_load %arg9[%get3A_200, %get3A_201] {strides = array<i32>} : memref<128x64xf32, #tpu.memory_space<vmem>>, vector<1x16xf32>,
        %get3A_203 = vector.shape_cast %get3A_202 : vector<1x16xf32> to vector<16xf32>
        %mul3A_204 = vector.broadcast %squeeze3A_195 : f32 to vector<16xf32>
        %mul3A_205 = arith.mulf %get3A_203, %mul3A_204 : vector<16xf32>
        %swap3A_206 = arith.index_cast %add3A_199 : i32 to index
        %swap3A_207 = arith.constant 0 : index
        %swap3A_208 = tpu.vector_load %arg9[%swap3A_206, %swap3A_207] {strides = array<i32>} : memref<128x64xf32, #tpu.memory_space<vmem>>, vector<1x16xf32>,
        %swap3A_209 = vector.shape_cast %swap3A_208 : vector<1x16xf32> to vector<16xf32>
        %swap3A_210 = vector.shape_cast %mul3A_205 : vector<16xf32> to vector<1x16xf32>
        tpu.vector_store %arg9[%swap3A_206, %swap3A_207], %swap3A_210 {strides = array<i32>} : memref<128x64xf32, #tpu.memory_space<vmem>>, vector<1x16xf32>,
        %get3A_211 = arith.index_cast %add3A_199 : i32 to index
        %get3A_212 = arith.constant 16 : index
        %get3A_213 = tpu.vector_load %arg9[%get3A_211, %get3A_212] {strides = array<i32>} : memref<128x64xf32, #tpu.memory_space<vmem>>, vector<1x16xf32>,
        %get3A_214 = vector.shape_cast %get3A_213 : vector<1x16xf32> to vector<16xf32>
        %mul3A_215 = vector.broadcast %squeeze3A_195 : f32 to vector<16xf32>
        %mul3A_216 = arith.mulf %get3A_214, %mul3A_215 : vector<16xf32>
        %swap3A_217 = arith.index_cast %add3A_199 : i32 to index
        %swap3A_218 = arith.constant 16 : index
        %swap3A_219 = tpu.vector_load %arg9[%swap3A_217, %swap3A_218] {strides = array<i32>} : memref<128x64xf32, #tpu.memory_space<vmem>>, vector<1x16xf32>,
        %swap3A_220 = vector.shape_cast %swap3A_219 : vector<1x16xf32> to vector<16xf32>
        %swap3A_221 = vector.shape_cast %mul3A_216 : vector<16xf32> to vector<1x16xf32>
        tpu.vector_store %arg9[%swap3A_217, %swap3A_218], %swap3A_221 {strides = array<i32>} : memref<128x64xf32, #tpu.memory_space<vmem>>, vector<1x16xf32>,
        %get3A_222 = arith.index_cast %add3A_199 : i32 to index
        %get3A_223 = arith.constant 32 : index
        %get3A_224 = tpu.vector_load %arg9[%get3A_222, %get3A_223] {strides = array<i32>} : memref<128x64xf32, #tpu.memory_space<vmem>>, vector<1x16xf32>,
        %get3A_225 = vector.shape_cast %get3A_224 : vector<1x16xf32> to vector<16xf32>
        %mul3A_226 = vector.broadcast %squeeze3A_195 : f32 to vector<16xf32>
        %mul3A_227 = arith.mulf %get3A_225, %mul3A_226 : vector<16xf32>
        %swap3A_228 = arith.index_cast %add3A_199 : i32 to index
        %swap3A_229 = arith.constant 32 : index
        %swap3A_230 = tpu.vector_load %arg9[%swap3A_228, %swap3A_229] {strides = array<i32>} : memref<128x64xf32, #tpu.memory_space<vmem>>, vector<1x16xf32>,
        %swap3A_231 = vector.shape_cast %swap3A_230 : vector<1x16xf32> to vector<16xf32>
        %swap3A_232 = vector.shape_cast %mul3A_227 : vector<16xf32> to vector<1x16xf32>
        tpu.vector_store %arg9[%swap3A_228, %swap3A_229], %swap3A_232 {strides = array<i32>} : memref<128x64xf32, #tpu.memory_space<vmem>>, vector<1x16xf32>,
        %get3A_233 = arith.index_cast %add3A_199 : i32 to index
        %get3A_234 = arith.constant 48 : index
        %get3A_235 = tpu.vector_load %arg9[%get3A_233, %get3A_234] {strides = array<i32>} : memref<128x64xf32, #tpu.memory_space<vmem>>, vector<1x16xf32>,
        %get3A_236 = vector.shape_cast %get3A_235 : vector<1x16xf32> to vector<16xf32>
        %mul3A_237 = vector.broadcast %squeeze3A_195 : f32 to vector<16xf32>
        %mul3A_238 = arith.mulf %get3A_236, %mul3A_237 : vector<16xf32>
        %swap3A_239 = arith.index_cast %add3A_199 : i32 to index
        %swap3A_240 = arith.constant 48 : index
        %swap3A_241 = tpu.vector_load %arg9[%swap3A_239, %swap3A_240] {strides = array<i32>} : memref<128x64xf32, #tpu.memory_space<vmem>>, vector<1x16xf32>,
        %swap3A_242 = vector.shape_cast %swap3A_241 : vector<1x16xf32> to vector<16xf32>
        %swap3A_243 = vector.shape_cast %mul3A_238 : vector<16xf32> to vector<1x16xf32>
        tpu.vector_store %arg9[%swap3A_239, %swap3A_240], %swap3A_243 {strides = array<i32>} : memref<128x64xf32, #tpu.memory_space<vmem>>, vector<1x16xf32>,
        %slice3A_244 = vector.extract_strided_slice %get3A_146 {offsets = [2], sizes = [1], strides = [1]} : vector<16xf32> to vector<1xf32>
        %squeeze3A_245 = vector.extract %slice3A_244[0] : f32 from vector<1xf32>
        %mul3A_246 = arith.constant 16 : i32
        %mul3A_247 = arith.muli %scan3A_140, %mul3A_246 : i32
        %add3A_248 = arith.constant 2 : i32
        %add3A_249 = arith.addi %mul3A_247, %add3A_248 : i32
        %get3A_250 = arith.index_cast %add3A_249 : i32 to index
        %get3A_251 = arith.constant 0 : index
        %get3A_252 = tpu.vector_load %arg9[%get3A_250, %get3A_251] {strides = array<i32>} : memref<128x64xf32, #tpu.memory_space<vmem>>, vector<1x16xf32>,
        %get3A_253 = vector.shape_cast %get3A_252 : vector<1x16xf32> to vector<16xf32>
        %mul3A_254 = vector.broadcast %squeeze3A_245 : f32 to vector<16xf32>
        %mul3A_255 = arith.mulf %get3A_253, %mul3A_254 : vector<16xf32>
        %swap3A_256 = arith.index_cast %add3A_249 : i32 to index
        %swap3A_257 = arith.constant 0 : index
        %swap3A_258 = tpu.vector_load %arg9[%swap3A_256, %swap3A_257] {strides = array<i32>} : memref<128x64xf32, #tpu.memory_space<vmem>>, vector<1x16xf32>,
        %swap3A_259 = vector.shape_cast %swap3A_258 : vector<1x16xf32> to vector<16xf32>
        %swap3A_260 = vector.shape_cast %mul3A_255 : vector<16xf32> to vector<1x16xf32>
        tpu.vector_store %arg9[%swap3A_256, %swap3A_257], %swap3A_260 {strides = array<i32>} : memref<128x64xf32, #tpu.memory_space<vmem>>, vector<1x16xf32>,
        %get3A_261 = arith.index_cast %add3A_249 : i32 to index
        %get3A_262 = arith.constant 16 : index
        %get3A_263 = tpu.vector_load %arg9[%get3A_261, %get3A_262] {strides = array<i32>} : memref<128x64xf32, #tpu.memory_space<vmem>>, vector<1x16xf32>,
        %get3A_264 = vector.shape_cast %get3A_263 : vector<1x16xf32> to vector<16xf32>
        %mul3A_265 = vector.broadcast %squeeze3A_245 : f32 to vector<16xf32>
        %mul3A_266 = arith.mulf %get3A_264, %mul3A_265 : vector<16xf32>
        %swap3A_267 = arith.index_cast %add3A_249 : i32 to index
        %swap3A_268 = arith.constant 16 : index
        %swap3A_269 = tpu.vector_load %arg9[%swap3A_267, %swap3A_268] {strides = array<i32>} : memref<128x64xf32, #tpu.memory_space<vmem>>, vector<1x16xf32>,
        %swap3A_270 = vector.shape_cast %swap3A_269 : vector<1x16xf32> to vector<16xf32>
        %swap3A_271 = vector.shape_cast %mul3A_266 : vector<16xf32> to vector<1x16xf32>
        tpu.vector_store %arg9[%swap3A_267, %swap3A_268], %swap3A_271 {strides = array<i32>} : memref<128x64xf32, #tpu.memory_space<vmem>>, vector<1x16xf32>,
        %get3A_272 = arith.index_cast %add3A_249 : i32 to index
        %get3A_273 = arith.constant 32 : index
        %get3A_274 = tpu.vector_load %arg9[%get3A_272, %get3A_273] {strides = array<i32>} : memref<128x64xf32, #tpu.memory_space<vmem>>, vector<1x16xf32>,
        %get3A_275 = vector.shape_cast %get3A_274 : vector<1x16xf32> to vector<16xf32>
        %mul3A_276 = vector.broadcast %squeeze3A_245 : f32 to vector<16xf32>
        %mul3A_277 = arith.mulf %get3A_275, %mul3A_276 : vector<16xf32>
        %swap3A_278 = arith.index_cast %add3A_249 : i32 to index
        %swap3A_279 = arith.constant 32 : index
        %swap3A_280 = tpu.vector_load %arg9[%swap3A_278, %swap3A_279] {strides = array<i32>} : memref<128x64xf32, #tpu.memory_space<vmem>>, vector<1x16xf32>,
        %swap3A_281 = vector.shape_cast %swap3A_280 : vector<1x16xf32> to vector<16xf32>
        %swap3A_282 = vector.shape_cast %mul3A_277 : vector<16xf32> to vector<1x16xf32>
        tpu.vector_store %arg9[%swap3A_278, %swap3A_279], %swap3A_282 {strides = array<i32>} : memref<128x64xf32, #tpu.memory_space<vmem>>, vector<1x16xf32>,
        %get3A_283 = arith.index_cast %add3A_249 : i32 to index
        %get3A_284 = arith.constant 48 : index
        %get3A_285 = tpu.vector_load %arg9[%get3A_283, %get3A_284] {strides = array<i32>} : memref<128x64xf32, #tpu.memory_space<vmem>>, vector<1x16xf32>,
        %get3A_286 = vector.shape_cast %get3A_285 : vector<1x16xf32> to vector<16xf32>
        %mul3A_287 = vector.broadcast %squeeze3A_245 : f32 to vector<16xf32>
        %mul3A_288 = arith.mulf %get3A_286, %mul3A_287 : vector<16xf32>
        %swap3A_289 = arith.index_cast %add3A_249 : i32 to index
        %swap3A_290 = arith.constant 48 : index
        %swap3A_291 = tpu.vector_load %arg9[%swap3A_289, %swap3A_290] {strides = array<i32>} : memref<128x64xf32, #tpu.memory_space<vmem>>, vector<1x16xf32>,
        %swap3A_292 = vector.shape_cast %swap3A_291 : vector<1x16xf32> to vector<16xf32>
        %swap3A_293 = vector.shape_cast %mul3A_288 : vector<16xf32> to vector<1x16xf32>
        tpu.vector_store %arg9[%swap3A_289, %swap3A_290], %swap3A_293 {strides = array<i32>} : memref<128x64xf32, #tpu.memory_space<vmem>>, vector<1x16xf32>,
        %slice3A_294 = vector.extract_strided_slice %get3A_146 {offsets = [3], sizes = [1], strides = [1]} : vector<16xf32> to vector<1xf32>
        %squeeze3A_295 = vector.extract %slice3A_294[0] : f32 from vector<1xf32>
        %mul3A_296 = arith.constant 16 : i32
        %mul3A_297 = arith.muli %scan3A_140, %mul3A_296 : i32
        %add3A_298 = arith.constant 3 : i32
        %add3A_299 = arith.addi %mul3A_297, %add3A_298 : i32
        %get3A_300 = arith.index_cast %add3A_299 : i32 to index
        %get3A_301 = arith.constant 0 : index
        %get3A_302 = tpu.vector_load %arg9[%get3A_300, %get3A_301] {strides = array<i32>} : memref<128x64xf32, #tpu.memory_space<vmem>>, vector<1x16xf32>,
        %get3A_303 = vector.shape_cast %get3A_302 : vector<1x16xf32> to vector<16xf32>
        %mul3A_304 = vector.broadcast %squeeze3A_295 : f32 to vector<16xf32>
        %mul3A_305 = arith.mulf %get3A_303, %mul3A_304 : vector<16xf32>
        %swap3A_306 = arith.index_cast %add3A_299 : i32 to index
        %swap3A_307 = arith.constant 0 : index
        %swap3A_308 = tpu.vector_load %arg9[%swap3A_306, %swap3A_307] {strides = array<i32>} : memref<128x64xf32, #tpu.memory_space<vmem>>, vector<1x16xf32>,
        %swap3A_309 = vector.shape_cast %swap3A_308 : vector<1x16xf32> to vector<16xf32>
        %swap3A_310 = vector.shape_cast %mul3A_305 : vector<16xf32> to vector<1x16xf32>
        tpu.vector_store %arg9[%swap3A_306, %swap3A_307], %swap3A_310 {strides = array<i32>} : memref<128x64xf32, #tpu.memory_space<vmem>>, vector<1x16xf32>,
        %get3A_311 = arith.index_cast %add3A_299 : i32 to index
        %get3A_312 = arith.constant 16 : index
        %get3A_313 = tpu.vector_load %arg9[%get3A_311, %get3A_312] {strides = array<i32>} : memref<128x64xf32, #tpu.memory_space<vmem>>, vector<1x16xf32>,
        %get3A_314 = vector.shape_cast %get3A_313 : vector<1x16xf32> to vector<16xf32>
        %mul3A_315 = vector.broadcast %squeeze3A_295 : f32 to vector<16xf32>
        %mul3A_316 = arith.mulf %get3A_314, %mul3A_315 : vector<16xf32>
        %swap3A_317 = arith.index_cast %add3A_299 : i32 to index
        %swap3A_318 = arith.constant 16 : index
        %swap3A_319 = tpu.vector_load %arg9[%swap3A_317, %swap3A_318] {strides = array<i32>} : memref<128x64xf32, #tpu.memory_space<vmem>>, vector<1x16xf32>,
        %swap3A_320 = vector.shape_cast %swap3A_319 : vector<1x16xf32> to vector<16xf32>
        %swap3A_321 = vector.shape_cast %mul3A_316 : vector<16xf32> to vector<1x16xf32>
        tpu.vector_store %arg9[%swap3A_317, %swap3A_318], %swap3A_321 {strides = array<i32>} : memref<128x64xf32, #tpu.memory_space<vmem>>, vector<1x16xf32>,
        %get3A_322 = arith.index_cast %add3A_299 : i32 to index
        %get3A_323 = arith.constant 32 : index
        %get3A_324 = tpu.vector_load %arg9[%get3A_322, %get3A_323] {strides = array<i32>} : memref<128x64xf32, #tpu.memory_space<vmem>>, vector<1x16xf32>,
        %get3A_325 = vector.shape_cast %get3A_324 : vector<1x16xf32> to vector<16xf32>
        %mul3A_326 = vector.broadcast %squeeze3A_295 : f32 to vector<16xf32>
        %mul3A_327 = arith.mulf %get3A_325, %mul3A_326 : vector<16xf32>
        %swap3A_328 = arith.index_cast %add3A_299 : i32 to index
        %swap3A_329 = arith.constant 32 : index
        %swap3A_330 = tpu.vector_load %arg9[%swap3A_328, %swap3A_329] {strides = array<i32>} : memref<128x64xf32, #tpu.memory_space<vmem>>, vector<1x16xf32>,
        %swap3A_331 = vector.shape_cast %swap3A_330 : vector<1x16xf32> to vector<16xf32>
        %swap3A_332 = vector.shape_cast %mul3A_327 : vector<16xf32> to vector<1x16xf32>
        tpu.vector_store %arg9[%swap3A_328, %swap3A_329], %swap3A_332 {strides = array<i32>} : memref<128x64xf32, #tpu.memory_space<vmem>>, vector<1x16xf32>,
        %get3A_333 = arith.index_cast %add3A_299 : i32 to index
        %get3A_334 = arith.constant 48 : index
        %get3A_335 = tpu.vector_load %arg9[%get3A_333, %get3A_334] {strides = array<i32>} : memref<128x64xf32, #tpu.memory_space<vmem>>, vector<1x16xf32>,
        %get3A_336 = vector.shape_cast %get3A_335 : vector<1x16xf32> to vector<16xf32>
        %mul3A_337 = vector.broadcast %squeeze3A_295 : f32 to vector<16xf32>
        %mul3A_338 = arith.mulf %get3A_336, %mul3A_337 : vector<16xf32>
        %swap3A_339 = arith.index_cast %add3A_299 : i32 to index
        %swap3A_340 = arith.constant 48 : index
        %swap3A_341 = tpu.vector_load %arg9[%swap3A_339, %swap3A_340] {strides = array<i32>} : memref<128x64xf32, #tpu.memory_space<vmem>>, vector<1x16xf32>,
        %swap3A_342 = vector.shape_cast %swap3A_341 : vector<1x16xf32> to vector<16xf32>
        %swap3A_343 = vector.shape_cast %mul3A_338 : vector<16xf32> to vector<1x16xf32>
        tpu.vector_store %arg9[%swap3A_339, %swap3A_340], %swap3A_343 {strides = array<i32>} : memref<128x64xf32, #tpu.memory_space<vmem>>, vector<1x16xf32>,
        %slice3A_344 = vector.extract_strided_slice %get3A_146 {offsets = [4], sizes = [1], strides = [1]} : vector<16xf32> to vector<1xf32>
        %squeeze3A_345 = vector.extract %slice3A_344[0] : f32 from vector<1xf32>
        %mul3A_346 = arith.constant 16 : i32
        %mul3A_347 = arith.muli %scan3A_140, %mul3A_346 : i32
        %add3A_348 = arith.constant 4 : i32
        %add3A_349 = arith.addi %mul3A_347, %add3A_348 : i32
        %get3A_350 = arith.index_cast %add3A_349 : i32 to index
        %get3A_351 = arith.constant 0 : index
        %get3A_352 = tpu.vector_load %arg9[%get3A_350, %get3A_351] {strides = array<i32>} : memref<128x64xf32, #tpu.memory_space<vmem>>, vector<1x16xf32>,
        %get3A_353 = vector.shape_cast %get3A_352 : vector<1x16xf32> to vector<16xf32>
        %mul3A_354 = vector.broadcast %squeeze3A_345 : f32 to vector<16xf32>
        %mul3A_355 = arith.mulf %get3A_353, %mul3A_354 : vector<16xf32>
        %swap3A_356 = arith.index_cast %add3A_349 : i32 to index
        %swap3A_357 = arith.constant 0 : index
        %swap3A_358 = tpu.vector_load %arg9[%swap3A_356, %swap3A_357] {strides = array<i32>} : memref<128x64xf32, #tpu.memory_space<vmem>>, vector<1x16xf32>,
        %swap3A_359 = vector.shape_cast %swap3A_358 : vector<1x16xf32> to vector<16xf32>
        %swap3A_360 = vector.shape_cast %mul3A_355 : vector<16xf32> to vector<1x16xf32>
        tpu.vector_store %arg9[%swap3A_356, %swap3A_357], %swap3A_360 {strides = array<i32>} : memref<128x64xf32, #tpu.memory_space<vmem>>, vector<1x16xf32>,
        %get3A_361 = arith.index_cast %add3A_349 : i32 to index
        %get3A_362 = arith.constant 16 : index
        %get3A_363 = tpu.vector_load %arg9[%get3A_361, %get3A_362] {strides = array<i32>} : memref<128x64xf32, #tpu.memory_space<vmem>>, vector<1x16xf32>,
        %get3A_364 = vector.shape_cast %get3A_363 : vector<1x16xf32> to vector<16xf32>
        %mul3A_365 = vector.broadcast %squeeze3A_345 : f32 to vector<16xf32>
        %mul3A_366 = arith.mulf %get3A_364, %mul3A_365 : vector<16xf32>
        %swap3A_367 = arith.index_cast %add3A_349 : i32 to index
        %swap3A_368 = arith.constant 16 : index
        %swap3A_369 = tpu.vector_load %arg9[%swap3A_367, %swap3A_368] {strides = array<i32>} : memref<128x64xf32, #tpu.memory_space<vmem>>, vector<1x16xf32>,
        %swap3A_370 = vector.shape_cast %swap3A_369 : vector<1x16xf32> to vector<16xf32>
        %swap3A_371 = vector.shape_cast %mul3A_366 : vector<16xf32> to vector<1x16xf32>
        tpu.vector_store %arg9[%swap3A_367, %swap3A_368], %swap3A_371 {strides = array<i32>} : memref<128x64xf32, #tpu.memory_space<vmem>>, vector<1x16xf32>,
        %get3A_372 = arith.index_cast %add3A_349 : i32 to index
        %get3A_373 = arith.constant 32 : index
        %get3A_374 = tpu.vector_load %arg9[%get3A_372, %get3A_373] {strides = array<i32>} : memref<128x64xf32, #tpu.memory_space<vmem>>, vector<1x16xf32>,
        %get3A_375 = vector.shape_cast %get3A_374 : vector<1x16xf32> to vector<16xf32>
        %mul3A_376 = vector.broadcast %squeeze3A_345 : f32 to vector<16xf32>
        %mul3A_377 = arith.mulf %get3A_375, %mul3A_376 : vector<16xf32>
        %swap3A_378 = arith.index_cast %add3A_349 : i32 to index
        %swap3A_379 = arith.constant 32 : index
        %swap3A_380 = tpu.vector_load %arg9[%swap3A_378, %swap3A_379] {strides = array<i32>} : memref<128x64xf32, #tpu.memory_space<vmem>>, vector<1x16xf32>,
        %swap3A_381 = vector.shape_cast %swap3A_380 : vector<1x16xf32> to vector<16xf32>
        %swap3A_382 = vector.shape_cast %mul3A_377 : vector<16xf32> to vector<1x16xf32>
        tpu.vector_store %arg9[%swap3A_378, %swap3A_379], %swap3A_382 {strides = array<i32>} : memref<128x64xf32, #tpu.memory_space<vmem>>, vector<1x16xf32>,
        %get3A_383 = arith.index_cast %add3A_349 : i32 to index
        %get3A_384 = arith.constant 48 : index
        %get3A_385 = tpu.vector_load %arg9[%get3A_383, %get3A_384] {strides = array<i32>} : memref<128x64xf32, #tpu.memory_space<vmem>>, vector<1x16xf32>,
        %get3A_386 = vector.shape_cast %get3A_385 : vector<1x16xf32> to vector<16xf32>
        %mul3A_387 = vector.broadcast %squeeze3A_345 : f32 to vector<16xf32>
        %mul3A_388 = arith.mulf %get3A_386, %mul3A_387 : vector<16xf32>
        %swap3A_389 = arith.index_cast %add3A_349 : i32 to index
        %swap3A_390 = arith.constant 48 : index
        %swap3A_391 = tpu.vector_load %arg9[%swap3A_389, %swap3A_390] {strides = array<i32>} : memref<128x64xf32, #tpu.memory_space<vmem>>, vector<1x16xf32>,
        %swap3A_392 = vector.shape_cast %swap3A_391 : vector<1x16xf32> to vector<16xf32>
        %swap3A_393 = vector.shape_cast %mul3A_388 : vector<16xf32> to vector<1x16xf32>
        tpu.vector_store %arg9[%swap3A_389, %swap3A_390], %swap3A_393 {strides = array<i32>} : memref<128x64xf32, #tpu.memory_space<vmem>>, vector<1x16xf32>,
        %slice3A_394 = vector.extract_strided_slice %get3A_146 {offsets = [5], sizes = [1], strides = [1]} : vector<16xf32> to vector<1xf32>
        %squeeze3A_395 = vector.extract %slice3A_394[0] : f32 from vector<1xf32>
        %mul3A_396 = arith.constant 16 : i32
        %mul3A_397 = arith.muli %scan3A_140, %mul3A_396 : i32
        %add3A_398 = arith.constant 5 : i32
        %add3A_399 = arith.addi %mul3A_397, %add3A_398 : i32
        %get3A_400 = arith.index_cast %add3A_399 : i32 to index
        %get3A_401 = arith.constant 0 : index
        %get3A_402 = tpu.vector_load %arg9[%get3A_400, %get3A_401] {strides = array<i32>} : memref<128x64xf32, #tpu.memory_space<vmem>>, vector<1x16xf32>,
        %get3A_403 = vector.shape_cast %get3A_402 : vector<1x16xf32> to vector<16xf32>
        %mul3A_404 = vector.broadcast %squeeze3A_395 : f32 to vector<16xf32>
        %mul3A_405 = arith.mulf %get3A_403, %mul3A_404 : vector<16xf32>
        %swap3A_406 = arith.index_cast %add3A_399 : i32 to index
        %swap3A_407 = arith.constant 0 : index
        %swap3A_408 = tpu.vector_load %arg9[%swap3A_406, %swap3A_407] {strides = array<i32>} : memref<128x64xf32, #tpu.memory_space<vmem>>, vector<1x16xf32>,
        %swap3A_409 = vector.shape_cast %swap3A_408 : vector<1x16xf32> to vector<16xf32>
        %swap3A_410 = vector.shape_cast %mul3A_405 : vector<16xf32> to vector<1x16xf32>
        tpu.vector_store %arg9[%swap3A_406, %swap3A_407], %swap3A_410 {strides = array<i32>} : memref<128x64xf32, #tpu.memory_space<vmem>>, vector<1x16xf32>,
        %get3A_411 = arith.index_cast %add3A_399 : i32 to index
        %get3A_412 = arith.constant 16 : index
        %get3A_413 = tpu.vector_load %arg9[%get3A_411, %get3A_412] {strides = array<i32>} : memref<128x64xf32, #tpu.memory_space<vmem>>, vector<1x16xf32>,
        %get3A_414 = vector.shape_cast %get3A_413 : vector<1x16xf32> to vector<16xf32>
        %mul3A_415 = vector.broadcast %squeeze3A_395 : f32 to vector<16xf32>
        %mul3A_416 = arith.mulf %get3A_414, %mul3A_415 : vector<16xf32>
        %swap3A_417 = arith.index_cast %add3A_399 : i32 to index
        %swap3A_418 = arith.constant 16 : index
        %swap3A_419 = tpu.vector_load %arg9[%swap3A_417, %swap3A_418] {strides = array<i32>} : memref<128x64xf32, #tpu.memory_space<vmem>>, vector<1x16xf32>,
        %swap3A_420 = vector.shape_cast %swap3A_419 : vector<1x16xf32> to vector<16xf32>
        %swap3A_421 = vector.shape_cast %mul3A_416 : vector<16xf32> to vector<1x16xf32>
        tpu.vector_store %arg9[%swap3A_417, %swap3A_418], %swap3A_421 {strides = array<i32>} : memref<128x64xf32, #tpu.memory_space<vmem>>, vector<1x16xf32>,
        %get3A_422 = arith.index_cast %add3A_399 : i32 to index
        %get3A_423 = arith.constant 32 : index
        %get3A_424 = tpu.vector_load %arg9[%get3A_422, %get3A_423] {strides = array<i32>} : memref<128x64xf32, #tpu.memory_space<vmem>>, vector<1x16xf32>,
        %get3A_425 = vector.shape_cast %get3A_424 : vector<1x16xf32> to vector<16xf32>
        %mul3A_426 = vector.broadcast %squeeze3A_395 : f32 to vector<16xf32>
        %mul3A_427 = arith.mulf %get3A_425, %mul3A_426 : vector<16xf32>
        %swap3A_428 = arith.index_cast %add3A_399 : i32 to index
        %swap3A_429 = arith.constant 32 : index
        %swap3A_430 = tpu.vector_load %arg9[%swap3A_428, %swap3A_429] {strides = array<i32>} : memref<128x64xf32, #tpu.memory_space<vmem>>, vector<1x16xf32>,
        %swap3A_431 = vector.shape_cast %swap3A_430 : vector<1x16xf32> to vector<16xf32>
        %swap3A_432 = vector.shape_cast %mul3A_427 : vector<16xf32> to vector<1x16xf32>
        tpu.vector_store %arg9[%swap3A_428, %swap3A_429], %swap3A_432 {strides = array<i32>} : memref<128x64xf32, #tpu.memory_space<vmem>>, vector<1x16xf32>,
        %get3A_433 = arith.index_cast %add3A_399 : i32 to index
        %get3A_434 = arith.constant 48 : index
        %get3A_435 = tpu.vector_load %arg9[%get3A_433, %get3A_434] {strides = array<i32>} : memref<128x64xf32, #tpu.memory_space<vmem>>, vector<1x16xf32>,
        %get3A_436 = vector.shape_cast %get3A_435 : vector<1x16xf32> to vector<16xf32>
        %mul3A_437 = vector.broadcast %squeeze3A_395 : f32 to vector<16xf32>
        %mul3A_438 = arith.mulf %get3A_436, %mul3A_437 : vector<16xf32>
        %swap3A_439 = arith.index_cast %add3A_399 : i32 to index
        %swap3A_440 = arith.constant 48 : index
        %swap3A_441 = tpu.vector_load %arg9[%swap3A_439, %swap3A_440] {strides = array<i32>} : memref<128x64xf32, #tpu.memory_space<vmem>>, vector<1x16xf32>,
        %swap3A_442 = vector.shape_cast %swap3A_441 : vector<1x16xf32> to vector<16xf32>
        %swap3A_443 = vector.shape_cast %mul3A_438 : vector<16xf32> to vector<1x16xf32>
        tpu.vector_store %arg9[%swap3A_439, %swap3A_440], %swap3A_443 {strides = array<i32>} : memref<128x64xf32, #tpu.memory_space<vmem>>, vector<1x16xf32>,
        %slice3A_444 = vector.extract_strided_slice %get3A_146 {offsets = [6], sizes = [1], strides = [1]} : vector<16xf32> to vector<1xf32>
        %squeeze3A_445 = vector.extract %slice3A_444[0] : f32 from vector<1xf32>
        %mul3A_446 = arith.constant 16 : i32
        %mul3A_447 = arith.muli %scan3A_140, %mul3A_446 : i32
        %add3A_448 = arith.constant 6 : i32
        %add3A_449 = arith.addi %mul3A_447, %add3A_448 : i32
        %get3A_450 = arith.index_cast %add3A_449 : i32 to index
        %get3A_451 = arith.constant 0 : index
        %get3A_452 = tpu.vector_load %arg9[%get3A_450, %get3A_451] {strides = array<i32>} : memref<128x64xf32, #tpu.memory_space<vmem>>, vector<1x16xf32>,
        %get3A_453 = vector.shape_cast %get3A_452 : vector<1x16xf32> to vector<16xf32>
        %mul3A_454 = vector.broadcast %squeeze3A_445 : f32 to vector<16xf32>
        %mul3A_455 = arith.mulf %get3A_453, %mul3A_454 : vector<16xf32>
        %swap3A_456 = arith.index_cast %add3A_449 : i32 to index
        %swap3A_457 = arith.constant 0 : index
        %swap3A_458 = tpu.vector_load %arg9[%swap3A_456, %swap3A_457] {strides = array<i32>} : memref<128x64xf32, #tpu.memory_space<vmem>>, vector<1x16xf32>,
        %swap3A_459 = vector.shape_cast %swap3A_458 : vector<1x16xf32> to vector<16xf32>
        %swap3A_460 = vector.shape_cast %mul3A_455 : vector<16xf32> to vector<1x16xf32>
        tpu.vector_store %arg9[%swap3A_456, %swap3A_457], %swap3A_460 {strides = array<i32>} : memref<128x64xf32, #tpu.memory_space<vmem>>, vector<1x16xf32>,
        %get3A_461 = arith.index_cast %add3A_449 : i32 to index
        %get3A_462 = arith.constant 16 : index
        %get3A_463 = tpu.vector_load %arg9[%get3A_461, %get3A_462] {strides = array<i32>} : memref<128x64xf32, #tpu.memory_space<vmem>>, vector<1x16xf32>,
        %get3A_464 = vector.shape_cast %get3A_463 : vector<1x16xf32> to vector<16xf32>
        %mul3A_465 = vector.broadcast %squeeze3A_445 : f32 to vector<16xf32>
        %mul3A_466 = arith.mulf %get3A_464, %mul3A_465 : vector<16xf32>
        %swap3A_467 = arith.index_cast %add3A_449 : i32 to index
        %swap3A_468 = arith.constant 16 : index
        %swap3A_469 = tpu.vector_load %arg9[%swap3A_467, %swap3A_468] {strides = array<i32>} : memref<128x64xf32, #tpu.memory_space<vmem>>, vector<1x16xf32>,
        %swap3A_470 = vector.shape_cast %swap3A_469 : vector<1x16xf32> to vector<16xf32>
        %swap3A_471 = vector.shape_cast %mul3A_466 : vector<16xf32> to vector<1x16xf32>
        tpu.vector_store %arg9[%swap3A_467, %swap3A_468], %swap3A_471 {strides = array<i32>} : memref<128x64xf32, #tpu.memory_space<vmem>>, vector<1x16xf32>,
        %get3A_472 = arith.index_cast %add3A_449 : i32 to index
        %get3A_473 = arith.constant 32 : index
        %get3A_474 = tpu.vector_load %arg9[%get3A_472, %get3A_473] {strides = array<i32>} : memref<128x64xf32, #tpu.memory_space<vmem>>, vector<1x16xf32>,
        %get3A_475 = vector.shape_cast %get3A_474 : vector<1x16xf32> to vector<16xf32>
        %mul3A_476 = vector.broadcast %squeeze3A_445 : f32 to vector<16xf32>
        %mul3A_477 = arith.mulf %get3A_475, %mul3A_476 : vector<16xf32>
        %swap3A_478 = arith.index_cast %add3A_449 : i32 to index
        %swap3A_479 = arith.constant 32 : index
        %swap3A_480 = tpu.vector_load %arg9[%swap3A_478, %swap3A_479] {strides = array<i32>} : memref<128x64xf32, #tpu.memory_space<vmem>>, vector<1x16xf32>,
        %swap3A_481 = vector.shape_cast %swap3A_480 : vector<1x16xf32> to vector<16xf32>
        %swap3A_482 = vector.shape_cast %mul3A_477 : vector<16xf32> to vector<1x16xf32>
        tpu.vector_store %arg9[%swap3A_478, %swap3A_479], %swap3A_482 {strides = array<i32>} : memref<128x64xf32, #tpu.memory_space<vmem>>, vector<1x16xf32>,
        %get3A_483 = arith.index_cast %add3A_449 : i32 to index
        %get3A_484 = arith.constant 48 : index
        %get3A_485 = tpu.vector_load %arg9[%get3A_483, %get3A_484] {strides = array<i32>} : memref<128x64xf32, #tpu.memory_space<vmem>>, vector<1x16xf32>,
        %get3A_486 = vector.shape_cast %get3A_485 : vector<1x16xf32> to vector<16xf32>
        %mul3A_487 = vector.broadcast %squeeze3A_445 : f32 to vector<16xf32>
        %mul3A_488 = arith.mulf %get3A_486, %mul3A_487 : vector<16xf32>
        %swap3A_489 = arith.index_cast %add3A_449 : i32 to index
        %swap3A_490 = arith.constant 48 : index
        %swap3A_491 = tpu.vector_load %arg9[%swap3A_489, %swap3A_490] {strides = array<i32>} : memref<128x64xf32, #tpu.memory_space<vmem>>, vector<1x16xf32>,
        %swap3A_492 = vector.shape_cast %swap3A_491 : vector<1x16xf32> to vector<16xf32>
        %swap3A_493 = vector.shape_cast %mul3A_488 : vector<16xf32> to vector<1x16xf32>
        tpu.vector_store %arg9[%swap3A_489, %swap3A_490], %swap3A_493 {strides = array<i32>} : memref<128x64xf32, #tpu.memory_space<vmem>>, vector<1x16xf32>,
        %slice3A_494 = vector.extract_strided_slice %get3A_146 {offsets = [7], sizes = [1], strides = [1]} : vector<16xf32> to vector<1xf32>
        %squeeze3A_495 = vector.extract %slice3A_494[0] : f32 from vector<1xf32>
        %mul3A_496 = arith.constant 16 : i32
        %mul3A_497 = arith.muli %scan3A_140, %mul3A_496 : i32
        %add3A_498 = arith.constant 7 : i32
        %add3A_499 = arith.addi %mul3A_497, %add3A_498 : i32
        %get3A_500 = arith.index_cast %add3A_499 : i32 to index
        %get3A_501 = arith.constant 0 : index
        %get3A_502 = tpu.vector_load %arg9[%get3A_500, %get3A_501] {strides = array<i32>} : memref<128x64xf32, #tpu.memory_space<vmem>>, vector<1x16xf32>,
        %get3A_503 = vector.shape_cast %get3A_502 : vector<1x16xf32> to vector<16xf32>
        %mul3A_504 = vector.broadcast %squeeze3A_495 : f32 to vector<16xf32>
        %mul3A_505 = arith.mulf %get3A_503, %mul3A_504 : vector<16xf32>
        %swap3A_506 = arith.index_cast %add3A_499 : i32 to index
        %swap3A_507 = arith.constant 0 : index
        %swap3A_508 = tpu.vector_load %arg9[%swap3A_506, %swap3A_507] {strides = array<i32>} : memref<128x64xf32, #tpu.memory_space<vmem>>, vector<1x16xf32>,
        %swap3A_509 = vector.shape_cast %swap3A_508 : vector<1x16xf32> to vector<16xf32>
        %swap3A_510 = vector.shape_cast %mul3A_505 : vector<16xf32> to vector<1x16xf32>
        tpu.vector_store %arg9[%swap3A_506, %swap3A_507], %swap3A_510 {strides = array<i32>} : memref<128x64xf32, #tpu.memory_space<vmem>>, vector<1x16xf32>,
        %get3A_511 = arith.index_cast %add3A_499 : i32 to index
        %get3A_512 = arith.constant 16 : index
        %get3A_513 = tpu.vector_load %arg9[%get3A_511, %get3A_512] {strides = array<i32>} : memref<128x64xf32, #tpu.memory_space<vmem>>, vector<1x16xf32>,
        %get3A_514 = vector.shape_cast %get3A_513 : vector<1x16xf32> to vector<16xf32>
        %mul3A_515 = vector.broadcast %squeeze3A_495 : f32 to vector<16xf32>
        %mul3A_516 = arith.mulf %get3A_514, %mul3A_515 : vector<16xf32>
        %swap3A_517 = arith.index_cast %add3A_499 : i32 to index
        %swap3A_518 = arith.constant 16 : index
        %swap3A_519 = tpu.vector_load %arg9[%swap3A_517, %swap3A_518] {strides = array<i32>} : memref<128x64xf32, #tpu.memory_space<vmem>>, vector<1x16xf32>,
        %swap3A_520 = vector.shape_cast %swap3A_519 : vector<1x16xf32> to vector<16xf32>
        %swap3A_521 = vector.shape_cast %mul3A_516 : vector<16xf32> to vector<1x16xf32>
        tpu.vector_store %arg9[%swap3A_517, %swap3A_518], %swap3A_521 {strides = array<i32>} : memref<128x64xf32, #tpu.memory_space<vmem>>, vector<1x16xf32>,
        %get3A_522 = arith.index_cast %add3A_499 : i32 to index
        %get3A_523 = arith.constant 32 : index
        %get3A_524 = tpu.vector_load %arg9[%get3A_522, %get3A_523] {strides = array<i32>} : memref<128x64xf32, #tpu.memory_space<vmem>>, vector<1x16xf32>,
        %get3A_525 = vector.shape_cast %get3A_524 : vector<1x16xf32> to vector<16xf32>
        %mul3A_526 = vector.broadcast %squeeze3A_495 : f32 to vector<16xf32>
        %mul3A_527 = arith.mulf %get3A_525, %mul3A_526 : vector<16xf32>
        %swap3A_528 = arith.index_cast %add3A_499 : i32 to index
        %swap3A_529 = arith.constant 32 : index
        %swap3A_530 = tpu.vector_load %arg9[%swap3A_528, %swap3A_529] {strides = array<i32>} : memref<128x64xf32, #tpu.memory_space<vmem>>, vector<1x16xf32>,
        %swap3A_531 = vector.shape_cast %swap3A_530 : vector<1x16xf32> to vector<16xf32>
        %swap3A_532 = vector.shape_cast %mul3A_527 : vector<16xf32> to vector<1x16xf32>
        tpu.vector_store %arg9[%swap3A_528, %swap3A_529], %swap3A_532 {strides = array<i32>} : memref<128x64xf32, #tpu.memory_space<vmem>>, vector<1x16xf32>,
        %get3A_533 = arith.index_cast %add3A_499 : i32 to index
        %get3A_534 = arith.constant 48 : index
        %get3A_535 = tpu.vector_load %arg9[%get3A_533, %get3A_534] {strides = array<i32>} : memref<128x64xf32, #tpu.memory_space<vmem>>, vector<1x16xf32>,
        %get3A_536 = vector.shape_cast %get3A_535 : vector<1x16xf32> to vector<16xf32>
        %mul3A_537 = vector.broadcast %squeeze3A_495 : f32 to vector<16xf32>
        %mul3A_538 = arith.mulf %get3A_536, %mul3A_537 : vector<16xf32>
        %swap3A_539 = arith.index_cast %add3A_499 : i32 to index
        %swap3A_540 = arith.constant 48 : index
        %swap3A_541 = tpu.vector_load %arg9[%swap3A_539, %swap3A_540] {strides = array<i32>} : memref<128x64xf32, #tpu.memory_space<vmem>>, vector<1x16xf32>,
        %swap3A_542 = vector.shape_cast %swap3A_541 : vector<1x16xf32> to vector<16xf32>
        %swap3A_543 = vector.shape_cast %mul3A_538 : vector<16xf32> to vector<1x16xf32>
        tpu.vector_store %arg9[%swap3A_539, %swap3A_540], %swap3A_543 {strides = array<i32>} : memref<128x64xf32, #tpu.memory_space<vmem>>, vector<1x16xf32>,
        %slice3A_544 = vector.extract_strided_slice %get3A_146 {offsets = [8], sizes = [1], strides = [1]} : vector<16xf32> to vector<1xf32>
        %squeeze3A_545 = vector.extract %slice3A_544[0] : f32 from vector<1xf32>
        %mul3A_546 = arith.constant 16 : i32
        %mul3A_547 = arith.muli %scan3A_140, %mul3A_546 : i32
        %add3A_548 = arith.constant 8 : i32
        %add3A_549 = arith.addi %mul3A_547, %add3A_548 : i32
        %get3A_550 = arith.index_cast %add3A_549 : i32 to index
        %get3A_551 = arith.constant 0 : index
        %get3A_552 = tpu.vector_load %arg9[%get3A_550, %get3A_551] {strides = array<i32>} : memref<128x64xf32, #tpu.memory_space<vmem>>, vector<1x16xf32>,
        %get3A_553 = vector.shape_cast %get3A_552 : vector<1x16xf32> to vector<16xf32>
        %mul3A_554 = vector.broadcast %squeeze3A_545 : f32 to vector<16xf32>
        %mul3A_555 = arith.mulf %get3A_553, %mul3A_554 : vector<16xf32>
        %swap3A_556 = arith.index_cast %add3A_549 : i32 to index
        %swap3A_557 = arith.constant 0 : index
        %swap3A_558 = tpu.vector_load %arg9[%swap3A_556, %swap3A_557] {strides = array<i32>} : memref<128x64xf32, #tpu.memory_space<vmem>>, vector<1x16xf32>,
        %swap3A_559 = vector.shape_cast %swap3A_558 : vector<1x16xf32> to vector<16xf32>
        %swap3A_560 = vector.shape_cast %mul3A_555 : vector<16xf32> to vector<1x16xf32>
        tpu.vector_store %arg9[%swap3A_556, %swap3A_557], %swap3A_560 {strides = array<i32>} : memref<128x64xf32, #tpu.memory_space<vmem>>, vector<1x16xf32>,
        %get3A_561 = arith.index_cast %add3A_549 : i32 to index
        %get3A_562 = arith.constant 16 : index
        %get3A_563 = tpu.vector_load %arg9[%get3A_561, %get3A_562] {strides = array<i32>} : memref<128x64xf32, #tpu.memory_space<vmem>>, vector<1x16xf32>,
        %get3A_564 = vector.shape_cast %get3A_563 : vector<1x16xf32> to vector<16xf32>
        %mul3A_565 = vector.broadcast %squeeze3A_545 : f32 to vector<16xf32>
        %mul3A_566 = arith.mulf %get3A_564, %mul3A_565 : vector<16xf32>
        %swap3A_567 = arith.index_cast %add3A_549 : i32 to index
        %swap3A_568 = arith.constant 16 : index
        %swap3A_569 = tpu.vector_load %arg9[%swap3A_567, %swap3A_568] {strides = array<i32>} : memref<128x64xf32, #tpu.memory_space<vmem>>, vector<1x16xf32>,
        %swap3A_570 = vector.shape_cast %swap3A_569 : vector<1x16xf32> to vector<16xf32>
        %swap3A_571 = vector.shape_cast %mul3A_566 : vector<16xf32> to vector<1x16xf32>
        tpu.vector_store %arg9[%swap3A_567, %swap3A_568], %swap3A_571 {strides = array<i32>} : memref<128x64xf32, #tpu.memory_space<vmem>>, vector<1x16xf32>,
        %get3A_572 = arith.index_cast %add3A_549 : i32 to index
        %get3A_573 = arith.constant 32 : index
        %get3A_574 = tpu.vector_load %arg9[%get3A_572, %get3A_573] {strides = array<i32>} : memref<128x64xf32, #tpu.memory_space<vmem>>, vector<1x16xf32>,
        %get3A_575 = vector.shape_cast %get3A_574 : vector<1x16xf32> to vector<16xf32>
        %mul3A_576 = vector.broadcast %squeeze3A_545 : f32 to vector<16xf32>
        %mul3A_577 = arith.mulf %get3A_575, %mul3A_576 : vector<16xf32>
        %swap3A_578 = arith.index_cast %add3A_549 : i32 to index
        %swap3A_579 = arith.constant 32 : index
        %swap3A_580 = tpu.vector_load %arg9[%swap3A_578, %swap3A_579] {strides = array<i32>} : memref<128x64xf32, #tpu.memory_space<vmem>>, vector<1x16xf32>,
        %swap3A_581 = vector.shape_cast %swap3A_580 : vector<1x16xf32> to vector<16xf32>
        %swap3A_582 = vector.shape_cast %mul3A_577 : vector<16xf32> to vector<1x16xf32>
        tpu.vector_store %arg9[%swap3A_578, %swap3A_579], %swap3A_582 {strides = array<i32>} : memref<128x64xf32, #tpu.memory_space<vmem>>, vector<1x16xf32>,
        %get3A_583 = arith.index_cast %add3A_549 : i32 to index
        %get3A_584 = arith.constant 48 : index
        %get3A_585 = tpu.vector_load %arg9[%get3A_583, %get3A_584] {strides = array<i32>} : memref<128x64xf32, #tpu.memory_space<vmem>>, vector<1x16xf32>,
        %get3A_586 = vector.shape_cast %get3A_585 : vector<1x16xf32> to vector<16xf32>
        %mul3A_587 = vector.broadcast %squeeze3A_545 : f32 to vector<16xf32>
        %mul3A_588 = arith.mulf %get3A_586, %mul3A_587 : vector<16xf32>
        %swap3A_589 = arith.index_cast %add3A_549 : i32 to index
        %swap3A_590 = arith.constant 48 : index
        %swap3A_591 = tpu.vector_load %arg9[%swap3A_589, %swap3A_590] {strides = array<i32>} : memref<128x64xf32, #tpu.memory_space<vmem>>, vector<1x16xf32>,
        %swap3A_592 = vector.shape_cast %swap3A_591 : vector<1x16xf32> to vector<16xf32>
        %swap3A_593 = vector.shape_cast %mul3A_588 : vector<16xf32> to vector<1x16xf32>
        tpu.vector_store %arg9[%swap3A_589, %swap3A_590], %swap3A_593 {strides = array<i32>} : memref<128x64xf32, #tpu.memory_space<vmem>>, vector<1x16xf32>,
        %slice3A_594 = vector.extract_strided_slice %get3A_146 {offsets = [9], sizes = [1], strides = [1]} : vector<16xf32> to vector<1xf32>
        %squeeze3A_595 = vector.extract %slice3A_594[0] : f32 from vector<1xf32>
        %mul3A_596 = arith.constant 16 : i32
        %mul3A_597 = arith.muli %scan3A_140, %mul3A_596 : i32
        %add3A_598 = arith.constant 9 : i32
        %add3A_599 = arith.addi %mul3A_597, %add3A_598 : i32
        %get3A_600 = arith.index_cast %add3A_599 : i32 to index
        %get3A_601 = arith.constant 0 : index
        %get3A_602 = tpu.vector_load %arg9[%get3A_600, %get3A_601] {strides = array<i32>} : memref<128x64xf32, #tpu.memory_space<vmem>>, vector<1x16xf32>,
        %get3A_603 = vector.shape_cast %get3A_602 : vector<1x16xf32> to vector<16xf32>
        %mul3A_604 = vector.broadcast %squeeze3A_595 : f32 to vector<16xf32>
        %mul3A_605 = arith.mulf %get3A_603, %mul3A_604 : vector<16xf32>
        %swap3A_606 = arith.index_cast %add3A_599 : i32 to index
        %swap3A_607 = arith.constant 0 : index
        %swap3A_608 = tpu.vector_load %arg9[%swap3A_606, %swap3A_607] {strides = array<i32>} : memref<128x64xf32, #tpu.memory_space<vmem>>, vector<1x16xf32>,
        %swap3A_609 = vector.shape_cast %swap3A_608 : vector<1x16xf32> to vector<16xf32>
        %swap3A_610 = vector.shape_cast %mul3A_605 : vector<16xf32> to vector<1x16xf32>
        tpu.vector_store %arg9[%swap3A_606, %swap3A_607], %swap3A_610 {strides = array<i32>} : memref<128x64xf32, #tpu.memory_space<vmem>>, vector<1x16xf32>,
        %get3A_611 = arith.index_cast %add3A_599 : i32 to index
        %get3A_612 = arith.constant 16 : index
        %get3A_613 = tpu.vector_load %arg9[%get3A_611, %get3A_612] {strides = array<i32>} : memref<128x64xf32, #tpu.memory_space<vmem>>, vector<1x16xf32>,
        %get3A_614 = vector.shape_cast %get3A_613 : vector<1x16xf32> to vector<16xf32>
        %mul3A_615 = vector.broadcast %squeeze3A_595 : f32 to vector<16xf32>
        %mul3A_616 = arith.mulf %get3A_614, %mul3A_615 : vector<16xf32>
        %swap3A_617 = arith.index_cast %add3A_599 : i32 to index
        %swap3A_618 = arith.constant 16 : index
        %swap3A_619 = tpu.vector_load %arg9[%swap3A_617, %swap3A_618] {strides = array<i32>} : memref<128x64xf32, #tpu.memory_space<vmem>>, vector<1x16xf32>,
        %swap3A_620 = vector.shape_cast %swap3A_619 : vector<1x16xf32> to vector<16xf32>
        %swap3A_621 = vector.shape_cast %mul3A_616 : vector<16xf32> to vector<1x16xf32>
        tpu.vector_store %arg9[%swap3A_617, %swap3A_618], %swap3A_621 {strides = array<i32>} : memref<128x64xf32, #tpu.memory_space<vmem>>, vector<1x16xf32>,
        %get3A_622 = arith.index_cast %add3A_599 : i32 to index
        %get3A_623 = arith.constant 32 : index
        %get3A_624 = tpu.vector_load %arg9[%get3A_622, %get3A_623] {strides = array<i32>} : memref<128x64xf32, #tpu.memory_space<vmem>>, vector<1x16xf32>,
        %get3A_625 = vector.shape_cast %get3A_624 : vector<1x16xf32> to vector<16xf32>
        %mul3A_626 = vector.broadcast %squeeze3A_595 : f32 to vector<16xf32>
        %mul3A_627 = arith.mulf %get3A_625, %mul3A_626 : vector<16xf32>
        %swap3A_628 = arith.index_cast %add3A_599 : i32 to index
        %swap3A_629 = arith.constant 32 : index
        %swap3A_630 = tpu.vector_load %arg9[%swap3A_628, %swap3A_629] {strides = array<i32>} : memref<128x64xf32, #tpu.memory_space<vmem>>, vector<1x16xf32>,
        %swap3A_631 = vector.shape_cast %swap3A_630 : vector<1x16xf32> to vector<16xf32>
        %swap3A_632 = vector.shape_cast %mul3A_627 : vector<16xf32> to vector<1x16xf32>
        tpu.vector_store %arg9[%swap3A_628, %swap3A_629], %swap3A_632 {strides = array<i32>} : memref<128x64xf32, #tpu.memory_space<vmem>>, vector<1x16xf32>,
        %get3A_633 = arith.index_cast %add3A_599 : i32 to index
        %get3A_634 = arith.constant 48 : index
        %get3A_635 = tpu.vector_load %arg9[%get3A_633, %get3A_634] {strides = array<i32>} : memref<128x64xf32, #tpu.memory_space<vmem>>, vector<1x16xf32>,
        %get3A_636 = vector.shape_cast %get3A_635 : vector<1x16xf32> to vector<16xf32>
        %mul3A_637 = vector.broadcast %squeeze3A_595 : f32 to vector<16xf32>
        %mul3A_638 = arith.mulf %get3A_636, %mul3A_637 : vector<16xf32>
        %swap3A_639 = arith.index_cast %add3A_599 : i32 to index
        %swap3A_640 = arith.constant 48 : index
        %swap3A_641 = tpu.vector_load %arg9[%swap3A_639, %swap3A_640] {strides = array<i32>} : memref<128x64xf32, #tpu.memory_space<vmem>>, vector<1x16xf32>,
        %swap3A_642 = vector.shape_cast %swap3A_641 : vector<1x16xf32> to vector<16xf32>
        %swap3A_643 = vector.shape_cast %mul3A_638 : vector<16xf32> to vector<1x16xf32>
        tpu.vector_store %arg9[%swap3A_639, %swap3A_640], %swap3A_643 {strides = array<i32>} : memref<128x64xf32, #tpu.memory_space<vmem>>, vector<1x16xf32>,
        %slice3A_644 = vector.extract_strided_slice %get3A_146 {offsets = [10], sizes = [1], strides = [1]} : vector<16xf32> to vector<1xf32>
        %squeeze3A_645 = vector.extract %slice3A_644[0] : f32 from vector<1xf32>
        %mul3A_646 = arith.constant 16 : i32
        %mul3A_647 = arith.muli %scan3A_140, %mul3A_646 : i32
        %add3A_648 = arith.constant 10 : i32
        %add3A_649 = arith.addi %mul3A_647, %add3A_648 : i32
        %get3A_650 = arith.index_cast %add3A_649 : i32 to index
        %get3A_651 = arith.constant 0 : index
        %get3A_652 = tpu.vector_load %arg9[%get3A_650, %get3A_651] {strides = array<i32>} : memref<128x64xf32, #tpu.memory_space<vmem>>, vector<1x16xf32>,
        %get3A_653 = vector.shape_cast %get3A_652 : vector<1x16xf32> to vector<16xf32>
        %mul3A_654 = vector.broadcast %squeeze3A_645 : f32 to vector<16xf32>
        %mul3A_655 = arith.mulf %get3A_653, %mul3A_654 : vector<16xf32>
        %swap3A_656 = arith.index_cast %add3A_649 : i32 to index
        %swap3A_657 = arith.constant 0 : index
        %swap3A_658 = tpu.vector_load %arg9[%swap3A_656, %swap3A_657] {strides = array<i32>} : memref<128x64xf32, #tpu.memory_space<vmem>>, vector<1x16xf32>,
        %swap3A_659 = vector.shape_cast %swap3A_658 : vector<1x16xf32> to vector<16xf32>
        %swap3A_660 = vector.shape_cast %mul3A_655 : vector<16xf32> to vector<1x16xf32>
        tpu.vector_store %arg9[%swap3A_656, %swap3A_657], %swap3A_660 {strides = array<i32>} : memref<128x64xf32, #tpu.memory_space<vmem>>, vector<1x16xf32>,
        %get3A_661 = arith.index_cast %add3A_649 : i32 to index
        %get3A_662 = arith.constant 16 : index
        %get3A_663 = tpu.vector_load %arg9[%get3A_661, %get3A_662] {strides = array<i32>} : memref<128x64xf32, #tpu.memory_space<vmem>>, vector<1x16xf32>,
        %get3A_664 = vector.shape_cast %get3A_663 : vector<1x16xf32> to vector<16xf32>
        %mul3A_665 = vector.broadcast %squeeze3A_645 : f32 to vector<16xf32>
        %mul3A_666 = arith.mulf %get3A_664, %mul3A_665 : vector<16xf32>
        %swap3A_667 = arith.index_cast %add3A_649 : i32 to index
        %swap3A_668 = arith.constant 16 : index
        %swap3A_669 = tpu.vector_load %arg9[%swap3A_667, %swap3A_668] {strides = array<i32>} : memref<128x64xf32, #tpu.memory_space<vmem>>, vector<1x16xf32>,
        %swap3A_670 = vector.shape_cast %swap3A_669 : vector<1x16xf32> to vector<16xf32>
        %swap3A_671 = vector.shape_cast %mul3A_666 : vector<16xf32> to vector<1x16xf32>
        tpu.vector_store %arg9[%swap3A_667, %swap3A_668], %swap3A_671 {strides = array<i32>} : memref<128x64xf32, #tpu.memory_space<vmem>>, vector<1x16xf32>,
        %get3A_672 = arith.index_cast %add3A_649 : i32 to index
        %get3A_673 = arith.constant 32 : index
        %get3A_674 = tpu.vector_load %arg9[%get3A_672, %get3A_673] {strides = array<i32>} : memref<128x64xf32, #tpu.memory_space<vmem>>, vector<1x16xf32>,
        %get3A_675 = vector.shape_cast %get3A_674 : vector<1x16xf32> to vector<16xf32>
        %mul3A_676 = vector.broadcast %squeeze3A_645 : f32 to vector<16xf32>
        %mul3A_677 = arith.mulf %get3A_675, %mul3A_676 : vector<16xf32>
        %swap3A_678 = arith.index_cast %add3A_649 : i32 to index
        %swap3A_679 = arith.constant 32 : index
        %swap3A_680 = tpu.vector_load %arg9[%swap3A_678, %swap3A_679] {strides = array<i32>} : memref<128x64xf32, #tpu.memory_space<vmem>>, vector<1x16xf32>,
        %swap3A_681 = vector.shape_cast %swap3A_680 : vector<1x16xf32> to vector<16xf32>
        %swap3A_682 = vector.shape_cast %mul3A_677 : vector<16xf32> to vector<1x16xf32>
        tpu.vector_store %arg9[%swap3A_678, %swap3A_679], %swap3A_682 {strides = array<i32>} : memref<128x64xf32, #tpu.memory_space<vmem>>, vector<1x16xf32>,
        %get3A_683 = arith.index_cast %add3A_649 : i32 to index
        %get3A_684 = arith.constant 48 : index
        %get3A_685 = tpu.vector_load %arg9[%get3A_683, %get3A_684] {strides = array<i32>} : memref<128x64xf32, #tpu.memory_space<vmem>>, vector<1x16xf32>,
        %get3A_686 = vector.shape_cast %get3A_685 : vector<1x16xf32> to vector<16xf32>
        %mul3A_687 = vector.broadcast %squeeze3A_645 : f32 to vector<16xf32>
        %mul3A_688 = arith.mulf %get3A_686, %mul3A_687 : vector<16xf32>
        %swap3A_689 = arith.index_cast %add3A_649 : i32 to index
        %swap3A_690 = arith.constant 48 : index
        %swap3A_691 = tpu.vector_load %arg9[%swap3A_689, %swap3A_690] {strides = array<i32>} : memref<128x64xf32, #tpu.memory_space<vmem>>, vector<1x16xf32>,
        %swap3A_692 = vector.shape_cast %swap3A_691 : vector<1x16xf32> to vector<16xf32>
        %swap3A_693 = vector.shape_cast %mul3A_688 : vector<16xf32> to vector<1x16xf32>
        tpu.vector_store %arg9[%swap3A_689, %swap3A_690], %swap3A_693 {strides = array<i32>} : memref<128x64xf32, #tpu.memory_space<vmem>>, vector<1x16xf32>,
        %slice3A_694 = vector.extract_strided_slice %get3A_146 {offsets = [11], sizes = [1], strides = [1]} : vector<16xf32> to vector<1xf32>
        %squeeze3A_695 = vector.extract %slice3A_694[0] : f32 from vector<1xf32>
        %mul3A_696 = arith.constant 16 : i32
        %mul3A_697 = arith.muli %scan3A_140, %mul3A_696 : i32
        %add3A_698 = arith.constant 11 : i32
        %add3A_699 = arith.addi %mul3A_697, %add3A_698 : i32
        %get3A_700 = arith.index_cast %add3A_699 : i32 to index
        %get3A_701 = arith.constant 0 : index
        %get3A_702 = tpu.vector_load %arg9[%get3A_700, %get3A_701] {strides = array<i32>} : memref<128x64xf32, #tpu.memory_space<vmem>>, vector<1x16xf32>,
        %get3A_703 = vector.shape_cast %get3A_702 : vector<1x16xf32> to vector<16xf32>
        %mul3A_704 = vector.broadcast %squeeze3A_695 : f32 to vector<16xf32>
        %mul3A_705 = arith.mulf %get3A_703, %mul3A_704 : vector<16xf32>
        %swap3A_706 = arith.index_cast %add3A_699 : i32 to index
        %swap3A_707 = arith.constant 0 : index
        %swap3A_708 = tpu.vector_load %arg9[%swap3A_706, %swap3A_707] {strides = array<i32>} : memref<128x64xf32, #tpu.memory_space<vmem>>, vector<1x16xf32>,
        %swap3A_709 = vector.shape_cast %swap3A_708 : vector<1x16xf32> to vector<16xf32>
        %swap3A_710 = vector.shape_cast %mul3A_705 : vector<16xf32> to vector<1x16xf32>
        tpu.vector_store %arg9[%swap3A_706, %swap3A_707], %swap3A_710 {strides = array<i32>} : memref<128x64xf32, #tpu.memory_space<vmem>>, vector<1x16xf32>,
        %get3A_711 = arith.index_cast %add3A_699 : i32 to index
        %get3A_712 = arith.constant 16 : index
        %get3A_713 = tpu.vector_load %arg9[%get3A_711, %get3A_712] {strides = array<i32>} : memref<128x64xf32, #tpu.memory_space<vmem>>, vector<1x16xf32>,
        %get3A_714 = vector.shape_cast %get3A_713 : vector<1x16xf32> to vector<16xf32>
        %mul3A_715 = vector.broadcast %squeeze3A_695 : f32 to vector<16xf32>
        %mul3A_716 = arith.mulf %get3A_714, %mul3A_715 : vector<16xf32>
        %swap3A_717 = arith.index_cast %add3A_699 : i32 to index
        %swap3A_718 = arith.constant 16 : index
        %swap3A_719 = tpu.vector_load %arg9[%swap3A_717, %swap3A_718] {strides = array<i32>} : memref<128x64xf32, #tpu.memory_space<vmem>>, vector<1x16xf32>,
        %swap3A_720 = vector.shape_cast %swap3A_719 : vector<1x16xf32> to vector<16xf32>
        %swap3A_721 = vector.shape_cast %mul3A_716 : vector<16xf32> to vector<1x16xf32>
        tpu.vector_store %arg9[%swap3A_717, %swap3A_718], %swap3A_721 {strides = array<i32>} : memref<128x64xf32, #tpu.memory_space<vmem>>, vector<1x16xf32>,
        %get3A_722 = arith.index_cast %add3A_699 : i32 to index
        %get3A_723 = arith.constant 32 : index
        %get3A_724 = tpu.vector_load %arg9[%get3A_722, %get3A_723] {strides = array<i32>} : memref<128x64xf32, #tpu.memory_space<vmem>>, vector<1x16xf32>,
        %get3A_725 = vector.shape_cast %get3A_724 : vector<1x16xf32> to vector<16xf32>
        %mul3A_726 = vector.broadcast %squeeze3A_695 : f32 to vector<16xf32>
        %mul3A_727 = arith.mulf %get3A_725, %mul3A_726 : vector<16xf32>
        %swap3A_728 = arith.index_cast %add3A_699 : i32 to index
        %swap3A_729 = arith.constant 32 : index
        %swap3A_730 = tpu.vector_load %arg9[%swap3A_728, %swap3A_729] {strides = array<i32>} : memref<128x64xf32, #tpu.memory_space<vmem>>, vector<1x16xf32>,
        %swap3A_731 = vector.shape_cast %swap3A_730 : vector<1x16xf32> to vector<16xf32>
        %swap3A_732 = vector.shape_cast %mul3A_727 : vector<16xf32> to vector<1x16xf32>
        tpu.vector_store %arg9[%swap3A_728, %swap3A_729], %swap3A_732 {strides = array<i32>} : memref<128x64xf32, #tpu.memory_space<vmem>>, vector<1x16xf32>,
        %get3A_733 = arith.index_cast %add3A_699 : i32 to index
        %get3A_734 = arith.constant 48 : index
        %get3A_735 = tpu.vector_load %arg9[%get3A_733, %get3A_734] {strides = array<i32>} : memref<128x64xf32, #tpu.memory_space<vmem>>, vector<1x16xf32>,
        %get3A_736 = vector.shape_cast %get3A_735 : vector<1x16xf32> to vector<16xf32>
        %mul3A_737 = vector.broadcast %squeeze3A_695 : f32 to vector<16xf32>
        %mul3A_738 = arith.mulf %get3A_736, %mul3A_737 : vector<16xf32>
        %swap3A_739 = arith.index_cast %add3A_699 : i32 to index
        %swap3A_740 = arith.constant 48 : index
        %swap3A_741 = tpu.vector_load %arg9[%swap3A_739, %swap3A_740] {strides = array<i32>} : memref<128x64xf32, #tpu.memory_space<vmem>>, vector<1x16xf32>,
        %swap3A_742 = vector.shape_cast %swap3A_741 : vector<1x16xf32> to vector<16xf32>
        %swap3A_743 = vector.shape_cast %mul3A_738 : vector<16xf32> to vector<1x16xf32>
        tpu.vector_store %arg9[%swap3A_739, %swap3A_740], %swap3A_743 {strides = array<i32>} : memref<128x64xf32, #tpu.memory_space<vmem>>, vector<1x16xf32>,
        %slice3A_744 = vector.extract_strided_slice %get3A_146 {offsets = [12], sizes = [1], strides = [1]} : vector<16xf32> to vector<1xf32>
        %squeeze3A_745 = vector.extract %slice3A_744[0] : f32 from vector<1xf32>
        %mul3A_746 = arith.constant 16 : i32
        %mul3A_747 = arith.muli %scan3A_140, %mul3A_746 : i32
        %add3A_748 = arith.constant 12 : i32
        %add3A_749 = arith.addi %mul3A_747, %add3A_748 : i32
        %get3A_750 = arith.index_cast %add3A_749 : i32 to index
        %get3A_751 = arith.constant 0 : index
        %get3A_752 = tpu.vector_load %arg9[%get3A_750, %get3A_751] {strides = array<i32>} : memref<128x64xf32, #tpu.memory_space<vmem>>, vector<1x16xf32>,
        %get3A_753 = vector.shape_cast %get3A_752 : vector<1x16xf32> to vector<16xf32>
        %mul3A_754 = vector.broadcast %squeeze3A_745 : f32 to vector<16xf32>
        %mul3A_755 = arith.mulf %get3A_753, %mul3A_754 : vector<16xf32>
        %swap3A_756 = arith.index_cast %add3A_749 : i32 to index
        %swap3A_757 = arith.constant 0 : index
        %swap3A_758 = tpu.vector_load %arg9[%swap3A_756, %swap3A_757] {strides = array<i32>} : memref<128x64xf32, #tpu.memory_space<vmem>>, vector<1x16xf32>,
        %swap3A_759 = vector.shape_cast %swap3A_758 : vector<1x16xf32> to vector<16xf32>
        %swap3A_760 = vector.shape_cast %mul3A_755 : vector<16xf32> to vector<1x16xf32>
        tpu.vector_store %arg9[%swap3A_756, %swap3A_757], %swap3A_760 {strides = array<i32>} : memref<128x64xf32, #tpu.memory_space<vmem>>, vector<1x16xf32>,
        %get3A_761 = arith.index_cast %add3A_749 : i32 to index
        %get3A_762 = arith.constant 16 : index
        %get3A_763 = tpu.vector_load %arg9[%get3A_761, %get3A_762] {strides = array<i32>} : memref<128x64xf32, #tpu.memory_space<vmem>>, vector<1x16xf32>,
        %get3A_764 = vector.shape_cast %get3A_763 : vector<1x16xf32> to vector<16xf32>
        %mul3A_765 = vector.broadcast %squeeze3A_745 : f32 to vector<16xf32>
        %mul3A_766 = arith.mulf %get3A_764, %mul3A_765 : vector<16xf32>
        %swap3A_767 = arith.index_cast %add3A_749 : i32 to index
        %swap3A_768 = arith.constant 16 : index
        %swap3A_769 = tpu.vector_load %arg9[%swap3A_767, %swap3A_768] {strides = array<i32>} : memref<128x64xf32, #tpu.memory_space<vmem>>, vector<1x16xf32>,
        %swap3A_770 = vector.shape_cast %swap3A_769 : vector<1x16xf32> to vector<16xf32>
        %swap3A_771 = vector.shape_cast %mul3A_766 : vector<16xf32> to vector<1x16xf32>
        tpu.vector_store %arg9[%swap3A_767, %swap3A_768], %swap3A_771 {strides = array<i32>} : memref<128x64xf32, #tpu.memory_space<vmem>>, vector<1x16xf32>,
        %get3A_772 = arith.index_cast %add3A_749 : i32 to index
        %get3A_773 = arith.constant 32 : index
        %get3A_774 = tpu.vector_load %arg9[%get3A_772, %get3A_773] {strides = array<i32>} : memref<128x64xf32, #tpu.memory_space<vmem>>, vector<1x16xf32>,
        %get3A_775 = vector.shape_cast %get3A_774 : vector<1x16xf32> to vector<16xf32>
        %mul3A_776 = vector.broadcast %squeeze3A_745 : f32 to vector<16xf32>
        %mul3A_777 = arith.mulf %get3A_775, %mul3A_776 : vector<16xf32>
        %swap3A_778 = arith.index_cast %add3A_749 : i32 to index
        %swap3A_779 = arith.constant 32 : index
        %swap3A_780 = tpu.vector_load %arg9[%swap3A_778, %swap3A_779] {strides = array<i32>} : memref<128x64xf32, #tpu.memory_space<vmem>>, vector<1x16xf32>,
        %swap3A_781 = vector.shape_cast %swap3A_780 : vector<1x16xf32> to vector<16xf32>
        %swap3A_782 = vector.shape_cast %mul3A_777 : vector<16xf32> to vector<1x16xf32>
        tpu.vector_store %arg9[%swap3A_778, %swap3A_779], %swap3A_782 {strides = array<i32>} : memref<128x64xf32, #tpu.memory_space<vmem>>, vector<1x16xf32>,
        %get3A_783 = arith.index_cast %add3A_749 : i32 to index
        %get3A_784 = arith.constant 48 : index
        %get3A_785 = tpu.vector_load %arg9[%get3A_783, %get3A_784] {strides = array<i32>} : memref<128x64xf32, #tpu.memory_space<vmem>>, vector<1x16xf32>,
        %get3A_786 = vector.shape_cast %get3A_785 : vector<1x16xf32> to vector<16xf32>
        %mul3A_787 = vector.broadcast %squeeze3A_745 : f32 to vector<16xf32>
        %mul3A_788 = arith.mulf %get3A_786, %mul3A_787 : vector<16xf32>
        %swap3A_789 = arith.index_cast %add3A_749 : i32 to index
        %swap3A_790 = arith.constant 48 : index
        %swap3A_791 = tpu.vector_load %arg9[%swap3A_789, %swap3A_790] {strides = array<i32>} : memref<128x64xf32, #tpu.memory_space<vmem>>, vector<1x16xf32>,
        %swap3A_792 = vector.shape_cast %swap3A_791 : vector<1x16xf32> to vector<16xf32>
        %swap3A_793 = vector.shape_cast %mul3A_788 : vector<16xf32> to vector<1x16xf32>
        tpu.vector_store %arg9[%swap3A_789, %swap3A_790], %swap3A_793 {strides = array<i32>} : memref<128x64xf32, #tpu.memory_space<vmem>>, vector<1x16xf32>,
        %slice3A_794 = vector.extract_strided_slice %get3A_146 {offsets = [13], sizes = [1], strides = [1]} : vector<16xf32> to vector<1xf32>
        %squeeze3A_795 = vector.extract %slice3A_794[0] : f32 from vector<1xf32>
        %mul3A_796 = arith.constant 16 : i32
        %mul3A_797 = arith.muli %scan3A_140, %mul3A_796 : i32
        %add3A_798 = arith.constant 13 : i32
        %add3A_799 = arith.addi %mul3A_797, %add3A_798 : i32
        %get3A_800 = arith.index_cast %add3A_799 : i32 to index
        %get3A_801 = arith.constant 0 : index
        %get3A_802 = tpu.vector_load %arg9[%get3A_800, %get3A_801] {strides = array<i32>} : memref<128x64xf32, #tpu.memory_space<vmem>>, vector<1x16xf32>,
        %get3A_803 = vector.shape_cast %get3A_802 : vector<1x16xf32> to vector<16xf32>
        %mul3A_804 = vector.broadcast %squeeze3A_795 : f32 to vector<16xf32>
        %mul3A_805 = arith.mulf %get3A_803, %mul3A_804 : vector<16xf32>
        %swap3A_806 = arith.index_cast %add3A_799 : i32 to index
        %swap3A_807 = arith.constant 0 : index
        %swap3A_808 = tpu.vector_load %arg9[%swap3A_806, %swap3A_807] {strides = array<i32>} : memref<128x64xf32, #tpu.memory_space<vmem>>, vector<1x16xf32>,
        %swap3A_809 = vector.shape_cast %swap3A_808 : vector<1x16xf32> to vector<16xf32>
        %swap3A_810 = vector.shape_cast %mul3A_805 : vector<16xf32> to vector<1x16xf32>
        tpu.vector_store %arg9[%swap3A_806, %swap3A_807], %swap3A_810 {strides = array<i32>} : memref<128x64xf32, #tpu.memory_space<vmem>>, vector<1x16xf32>,
        %get3A_811 = arith.index_cast %add3A_799 : i32 to index
        %get3A_812 = arith.constant 16 : index
        %get3A_813 = tpu.vector_load %arg9[%get3A_811, %get3A_812] {strides = array<i32>} : memref<128x64xf32, #tpu.memory_space<vmem>>, vector<1x16xf32>,
        %get3A_814 = vector.shape_cast %get3A_813 : vector<1x16xf32> to vector<16xf32>
        %mul3A_815 = vector.broadcast %squeeze3A_795 : f32 to vector<16xf32>
        %mul3A_816 = arith.mulf %get3A_814, %mul3A_815 : vector<16xf32>
        %swap3A_817 = arith.index_cast %add3A_799 : i32 to index
        %swap3A_818 = arith.constant 16 : index
        %swap3A_819 = tpu.vector_load %arg9[%swap3A_817, %swap3A_818] {strides = array<i32>} : memref<128x64xf32, #tpu.memory_space<vmem>>, vector<1x16xf32>,
        %swap3A_820 = vector.shape_cast %swap3A_819 : vector<1x16xf32> to vector<16xf32>
        %swap3A_821 = vector.shape_cast %mul3A_816 : vector<16xf32> to vector<1x16xf32>
        tpu.vector_store %arg9[%swap3A_817, %swap3A_818], %swap3A_821 {strides = array<i32>} : memref<128x64xf32, #tpu.memory_space<vmem>>, vector<1x16xf32>,
        %get3A_822 = arith.index_cast %add3A_799 : i32 to index
        %get3A_823 = arith.constant 32 : index
        %get3A_824 = tpu.vector_load %arg9[%get3A_822, %get3A_823] {strides = array<i32>} : memref<128x64xf32, #tpu.memory_space<vmem>>, vector<1x16xf32>,
        %get3A_825 = vector.shape_cast %get3A_824 : vector<1x16xf32> to vector<16xf32>
        %mul3A_826 = vector.broadcast %squeeze3A_795 : f32 to vector<16xf32>
        %mul3A_827 = arith.mulf %get3A_825, %mul3A_826 : vector<16xf32>
        %swap3A_828 = arith.index_cast %add3A_799 : i32 to index
        %swap3A_829 = arith.constant 32 : index
        %swap3A_830 = tpu.vector_load %arg9[%swap3A_828, %swap3A_829] {strides = array<i32>} : memref<128x64xf32, #tpu.memory_space<vmem>>, vector<1x16xf32>,
        %swap3A_831 = vector.shape_cast %swap3A_830 : vector<1x16xf32> to vector<16xf32>
        %swap3A_832 = vector.shape_cast %mul3A_827 : vector<16xf32> to vector<1x16xf32>
        tpu.vector_store %arg9[%swap3A_828, %swap3A_829], %swap3A_832 {strides = array<i32>} : memref<128x64xf32, #tpu.memory_space<vmem>>, vector<1x16xf32>,
        %get3A_833 = arith.index_cast %add3A_799 : i32 to index
        %get3A_834 = arith.constant 48 : index
        %get3A_835 = tpu.vector_load %arg9[%get3A_833, %get3A_834] {strides = array<i32>} : memref<128x64xf32, #tpu.memory_space<vmem>>, vector<1x16xf32>,
        %get3A_836 = vector.shape_cast %get3A_835 : vector<1x16xf32> to vector<16xf32>
        %mul3A_837 = vector.broadcast %squeeze3A_795 : f32 to vector<16xf32>
        %mul3A_838 = arith.mulf %get3A_836, %mul3A_837 : vector<16xf32>
        %swap3A_839 = arith.index_cast %add3A_799 : i32 to index
        %swap3A_840 = arith.constant 48 : index
        %swap3A_841 = tpu.vector_load %arg9[%swap3A_839, %swap3A_840] {strides = array<i32>} : memref<128x64xf32, #tpu.memory_space<vmem>>, vector<1x16xf32>,
        %swap3A_842 = vector.shape_cast %swap3A_841 : vector<1x16xf32> to vector<16xf32>
        %swap3A_843 = vector.shape_cast %mul3A_838 : vector<16xf32> to vector<1x16xf32>
        tpu.vector_store %arg9[%swap3A_839, %swap3A_840], %swap3A_843 {strides = array<i32>} : memref<128x64xf32, #tpu.memory_space<vmem>>, vector<1x16xf32>,
        %slice3A_844 = vector.extract_strided_slice %get3A_146 {offsets = [14], sizes = [1], strides = [1]} : vector<16xf32> to vector<1xf32>
        %squeeze3A_845 = vector.extract %slice3A_844[0] : f32 from vector<1xf32>
        %mul3A_846 = arith.constant 16 : i32
        %mul3A_847 = arith.muli %scan3A_140, %mul3A_846 : i32
        %add3A_848 = arith.constant 14 : i32
        %add3A_849 = arith.addi %mul3A_847, %add3A_848 : i32
        %get3A_850 = arith.index_cast %add3A_849 : i32 to index
        %get3A_851 = arith.constant 0 : index
        %get3A_852 = tpu.vector_load %arg9[%get3A_850, %get3A_851] {strides = array<i32>} : memref<128x64xf32, #tpu.memory_space<vmem>>, vector<1x16xf32>,
        %get3A_853 = vector.shape_cast %get3A_852 : vector<1x16xf32> to vector<16xf32>
        %mul3A_854 = vector.broadcast %squeeze3A_845 : f32 to vector<16xf32>
        %mul3A_855 = arith.mulf %get3A_853, %mul3A_854 : vector<16xf32>
        %swap3A_856 = arith.index_cast %add3A_849 : i32 to index
        %swap3A_857 = arith.constant 0 : index
        %swap3A_858 = tpu.vector_load %arg9[%swap3A_856, %swap3A_857] {strides = array<i32>} : memref<128x64xf32, #tpu.memory_space<vmem>>, vector<1x16xf32>,
        %swap3A_859 = vector.shape_cast %swap3A_858 : vector<1x16xf32> to vector<16xf32>
        %swap3A_860 = vector.shape_cast %mul3A_855 : vector<16xf32> to vector<1x16xf32>
        tpu.vector_store %arg9[%swap3A_856, %swap3A_857], %swap3A_860 {strides = array<i32>} : memref<128x64xf32, #tpu.memory_space<vmem>>, vector<1x16xf32>,
        %get3A_861 = arith.index_cast %add3A_849 : i32 to index
        %get3A_862 = arith.constant 16 : index
        %get3A_863 = tpu.vector_load %arg9[%get3A_861, %get3A_862] {strides = array<i32>} : memref<128x64xf32, #tpu.memory_space<vmem>>, vector<1x16xf32>,
        %get3A_864 = vector.shape_cast %get3A_863 : vector<1x16xf32> to vector<16xf32>
        %mul3A_865 = vector.broadcast %squeeze3A_845 : f32 to vector<16xf32>
        %mul3A_866 = arith.mulf %get3A_864, %mul3A_865 : vector<16xf32>
        %swap3A_867 = arith.index_cast %add3A_849 : i32 to index
        %swap3A_868 = arith.constant 16 : index
        %swap3A_869 = tpu.vector_load %arg9[%swap3A_867, %swap3A_868] {strides = array<i32>} : memref<128x64xf32, #tpu.memory_space<vmem>>, vector<1x16xf32>,
        %swap3A_870 = vector.shape_cast %swap3A_869 : vector<1x16xf32> to vector<16xf32>
        %swap3A_871 = vector.shape_cast %mul3A_866 : vector<16xf32> to vector<1x16xf32>
        tpu.vector_store %arg9[%swap3A_867, %swap3A_868], %swap3A_871 {strides = array<i32>} : memref<128x64xf32, #tpu.memory_space<vmem>>, vector<1x16xf32>,
        %get3A_872 = arith.index_cast %add3A_849 : i32 to index
        %get3A_873 = arith.constant 32 : index
        %get3A_874 = tpu.vector_load %arg9[%get3A_872, %get3A_873] {strides = array<i32>} : memref<128x64xf32, #tpu.memory_space<vmem>>, vector<1x16xf32>,
        %get3A_875 = vector.shape_cast %get3A_874 : vector<1x16xf32> to vector<16xf32>
        %mul3A_876 = vector.broadcast %squeeze3A_845 : f32 to vector<16xf32>
        %mul3A_877 = arith.mulf %get3A_875, %mul3A_876 : vector<16xf32>
        %swap3A_878 = arith.index_cast %add3A_849 : i32 to index
        %swap3A_879 = arith.constant 32 : index
        %swap3A_880 = tpu.vector_load %arg9[%swap3A_878, %swap3A_879] {strides = array<i32>} : memref<128x64xf32, #tpu.memory_space<vmem>>, vector<1x16xf32>,
        %swap3A_881 = vector.shape_cast %swap3A_880 : vector<1x16xf32> to vector<16xf32>
        %swap3A_882 = vector.shape_cast %mul3A_877 : vector<16xf32> to vector<1x16xf32>
        tpu.vector_store %arg9[%swap3A_878, %swap3A_879], %swap3A_882 {strides = array<i32>} : memref<128x64xf32, #tpu.memory_space<vmem>>, vector<1x16xf32>,
        %get3A_883 = arith.index_cast %add3A_849 : i32 to index
        %get3A_884 = arith.constant 48 : index
        %get3A_885 = tpu.vector_load %arg9[%get3A_883, %get3A_884] {strides = array<i32>} : memref<128x64xf32, #tpu.memory_space<vmem>>, vector<1x16xf32>,
        %get3A_886 = vector.shape_cast %get3A_885 : vector<1x16xf32> to vector<16xf32>
        %mul3A_887 = vector.broadcast %squeeze3A_845 : f32 to vector<16xf32>
        %mul3A_888 = arith.mulf %get3A_886, %mul3A_887 : vector<16xf32>
        %swap3A_889 = arith.index_cast %add3A_849 : i32 to index
        %swap3A_890 = arith.constant 48 : index
        %swap3A_891 = tpu.vector_load %arg9[%swap3A_889, %swap3A_890] {strides = array<i32>} : memref<128x64xf32, #tpu.memory_space<vmem>>, vector<1x16xf32>,
        %swap3A_892 = vector.shape_cast %swap3A_891 : vector<1x16xf32> to vector<16xf32>
        %swap3A_893 = vector.shape_cast %mul3A_888 : vector<16xf32> to vector<1x16xf32>
        tpu.vector_store %arg9[%swap3A_889, %swap3A_890], %swap3A_893 {strides = array<i32>} : memref<128x64xf32, #tpu.memory_space<vmem>>, vector<1x16xf32>,
        %slice3A_894 = vector.extract_strided_slice %get3A_146 {offsets = [15], sizes = [1], strides = [1]} : vector<16xf32> to vector<1xf32>
        %squeeze3A_895 = vector.extract %slice3A_894[0] : f32 from vector<1xf32>
        %mul3A_896 = arith.constant 16 : i32
        %mul3A_897 = arith.muli %scan3A_140, %mul3A_896 : i32
        %add3A_898 = arith.constant 15 : i32
        %add3A_899 = arith.addi %mul3A_897, %add3A_898 : i32
        %get3A_900 = arith.index_cast %add3A_899 : i32 to index
        %get3A_901 = arith.constant 0 : index
        %get3A_902 = tpu.vector_load %arg9[%get3A_900, %get3A_901] {strides = array<i32>} : memref<128x64xf32, #tpu.memory_space<vmem>>, vector<1x16xf32>,
        %get3A_903 = vector.shape_cast %get3A_902 : vector<1x16xf32> to vector<16xf32>
        %mul3A_904 = vector.broadcast %squeeze3A_895 : f32 to vector<16xf32>
        %mul3A_905 = arith.mulf %get3A_903, %mul3A_904 : vector<16xf32>
        %swap3A_906 = arith.index_cast %add3A_899 : i32 to index
        %swap3A_907 = arith.constant 0 : index
        %swap3A_908 = tpu.vector_load %arg9[%swap3A_906, %swap3A_907] {strides = array<i32>} : memref<128x64xf32, #tpu.memory_space<vmem>>, vector<1x16xf32>,
        %swap3A_909 = vector.shape_cast %swap3A_908 : vector<1x16xf32> to vector<16xf32>
        %swap3A_910 = vector.shape_cast %mul3A_905 : vector<16xf32> to vector<1x16xf32>
        tpu.vector_store %arg9[%swap3A_906, %swap3A_907], %swap3A_910 {strides = array<i32>} : memref<128x64xf32, #tpu.memory_space<vmem>>, vector<1x16xf32>,
        %get3A_911 = arith.index_cast %add3A_899 : i32 to index
        %get3A_912 = arith.constant 16 : index
        %get3A_913 = tpu.vector_load %arg9[%get3A_911, %get3A_912] {strides = array<i32>} : memref<128x64xf32, #tpu.memory_space<vmem>>, vector<1x16xf32>,
        %get3A_914 = vector.shape_cast %get3A_913 : vector<1x16xf32> to vector<16xf32>
        %mul3A_915 = vector.broadcast %squeeze3A_895 : f32 to vector<16xf32>
        %mul3A_916 = arith.mulf %get3A_914, %mul3A_915 : vector<16xf32>
        %swap3A_917 = arith.index_cast %add3A_899 : i32 to index
        %swap3A_918 = arith.constant 16 : index
        %swap3A_919 = tpu.vector_load %arg9[%swap3A_917, %swap3A_918] {strides = array<i32>} : memref<128x64xf32, #tpu.memory_space<vmem>>, vector<1x16xf32>,
        %swap3A_920 = vector.shape_cast %swap3A_919 : vector<1x16xf32> to vector<16xf32>
        %swap3A_921 = vector.shape_cast %mul3A_916 : vector<16xf32> to vector<1x16xf32>
        tpu.vector_store %arg9[%swap3A_917, %swap3A_918], %swap3A_921 {strides = array<i32>} : memref<128x64xf32, #tpu.memory_space<vmem>>, vector<1x16xf32>,
        %get3A_922 = arith.index_cast %add3A_899 : i32 to index
        %get3A_923 = arith.constant 32 : index
        %get3A_924 = tpu.vector_load %arg9[%get3A_922, %get3A_923] {strides = array<i32>} : memref<128x64xf32, #tpu.memory_space<vmem>>, vector<1x16xf32>,
        %get3A_925 = vector.shape_cast %get3A_924 : vector<1x16xf32> to vector<16xf32>
        %mul3A_926 = vector.broadcast %squeeze3A_895 : f32 to vector<16xf32>
        %mul3A_927 = arith.mulf %get3A_925, %mul3A_926 : vector<16xf32>
        %swap3A_928 = arith.index_cast %add3A_899 : i32 to index
        %swap3A_929 = arith.constant 32 : index
        %swap3A_930 = tpu.vector_load %arg9[%swap3A_928, %swap3A_929] {strides = array<i32>} : memref<128x64xf32, #tpu.memory_space<vmem>>, vector<1x16xf32>,
        %swap3A_931 = vector.shape_cast %swap3A_930 : vector<1x16xf32> to vector<16xf32>
        %swap3A_932 = vector.shape_cast %mul3A_927 : vector<16xf32> to vector<1x16xf32>
        tpu.vector_store %arg9[%swap3A_928, %swap3A_929], %swap3A_932 {strides = array<i32>} : memref<128x64xf32, #tpu.memory_space<vmem>>, vector<1x16xf32>,
        %get3A_933 = arith.index_cast %add3A_899 : i32 to index
        %get3A_934 = arith.constant 48 : index
        %get3A_935 = tpu.vector_load %arg9[%get3A_933, %get3A_934] {strides = array<i32>} : memref<128x64xf32, #tpu.memory_space<vmem>>, vector<1x16xf32>,
        %get3A_936 = vector.shape_cast %get3A_935 : vector<1x16xf32> to vector<16xf32>
        %mul3A_937 = vector.broadcast %squeeze3A_895 : f32 to vector<16xf32>
        %mul3A_938 = arith.mulf %get3A_936, %mul3A_937 : vector<16xf32>
        %swap3A_939 = arith.index_cast %add3A_899 : i32 to index
        %swap3A_940 = arith.constant 48 : index
        %swap3A_941 = tpu.vector_load %arg9[%swap3A_939, %swap3A_940] {strides = array<i32>} : memref<128x64xf32, #tpu.memory_space<vmem>>, vector<1x16xf32>,
        %swap3A_942 = vector.shape_cast %swap3A_941 : vector<1x16xf32> to vector<16xf32>
        %swap3A_943 = vector.shape_cast %mul3A_938 : vector<16xf32> to vector<1x16xf32>
        tpu.vector_store %arg9[%swap3A_939, %swap3A_940], %swap3A_943 {strides = array<i32>} : memref<128x64xf32, #tpu.memory_space<vmem>>, vector<1x16xf32>,
        %scan3A_944 = arith.constant 0 : i32
        scf.yield %scan3A_944 : i32
      }
      %scan3A_102 = arith.constant 8 : i32
      %add3A_103 = arith.constant 160 : i32
      %add3A_104 = arith.addi %add3A_103, %add3A_86 : i32
      %dma_start3A_105 = arith.constant 1 : i32
      %dma_start3A_106 = arith.constant 0 : i32
      %dma_start3A_107 = tpu.memref_slice %arg6[%add3A_104, %dma_start3A_106] : memref<320x128xi32, #tpu.memory_space<vmem>> -> memref<1x128xi32, #tpu.memory_space<vmem>>
      %dma_start3A_108 = tpu.memref_squeeze %dma_start3A_107 : memref<1x128xi32, #tpu.memory_space<vmem>> -> memref<128xi32, #tpu.memory_space<vmem>>
      %dma_start3A_109 = arith.constant 0 : i32
      %dma_start3A_110 = arith.constant 0 : i32
      %dma_start3A_111 = tpu.memref_slice %arg10[%dma_start3A_109, %dma_start3A_110] : memref<10240x64xf32, #tpu.memory_space<vmem_shared>> -> memref<10240x64xf32, #tpu.memory_space<vmem_shared>>
      %dma_start3A_112 = tpu.memref_slice %arg12[%dma_start3A_105] : memref<2x!tpu.dma_semaphore, #tpu.memory_space<semaphore_mem>> -> memref<1x!tpu.dma_semaphore, #tpu.memory_space<semaphore_mem>>
      %dma_start3A_113 = tpu.memref_squeeze %dma_start3A_112 : memref<1x!tpu.dma_semaphore, #tpu.memory_space<semaphore_mem>> -> memref<!tpu.dma_semaphore, #tpu.memory_space<semaphore_mem>>
      tpu.enqueue_indirect_dma source(%arg9 : memref<128x64xf32, #tpu.memory_space<vmem>>) target(%dma_start3A_111 : memref<10240x64xf32, #tpu.memory_space<vmem_shared>>) offsets(%dma_start3A_108 : memref<128xi32, #tpu.memory_space<vmem>>) semaphore(%dma_start3A_113 : memref<!tpu.dma_semaphore, #tpu.memory_space<semaphore_mem>>) {add = true}
      %dma_wait3A_114 = arith.constant 0 : i32
      %dma_wait3A_115 = arith.constant 0 : i32
      %dma_wait3A_116 = tpu.memref_slice %arg6[%add3A_73, %dma_wait3A_115] : memref<320x128xi32, #tpu.memory_space<vmem>> -> memref<1x128xi32, #tpu.memory_space<vmem>>
      %dma_wait3A_117 = tpu.memref_squeeze %dma_wait3A_116 : memref<1x128xi32, #tpu.memory_space<vmem>> -> memref<128xi32, #tpu.memory_space<vmem>>
      %dma_wait3A_118 = arith.constant 0 : i32
      %dma_wait3A_119 = arith.constant 0 : i32
      %dma_wait3A_120 = tpu.memref_slice %arg10[%dma_wait3A_118, %dma_wait3A_119] : memref<10240x64xf32, #tpu.memory_space<vmem_shared>> -> memref<10240x64xf32, #tpu.memory_space<vmem_shared>>
      %dma_wait3A_121 = tpu.memref_slice %arg12[%dma_wait3A_114] : memref<2x!tpu.dma_semaphore, #tpu.memory_space<semaphore_mem>> -> memref<1x!tpu.dma_semaphore, #tpu.memory_space<semaphore_mem>>
      %dma_wait3A_122 = tpu.memref_squeeze %dma_wait3A_121 : memref<1x!tpu.dma_semaphore, #tpu.memory_space<semaphore_mem>> -> memref<!tpu.dma_semaphore, #tpu.memory_space<semaphore_mem>>
      tpu.wait_indirect_dma semaphore(%dma_wait3A_122 : memref<!tpu.dma_semaphore, #tpu.memory_space<semaphore_mem>>) src(%arg8 : memref<128x64xf32, #tpu.memory_space<vmem>>) dst(%dma_wait3A_120 : memref<10240x64xf32, #tpu.memory_space<vmem_shared>>)
      %lt3A = arith.constant 79 : i32
      %lt3A_123 = arith.cmpi slt, %scan3A_52, %lt3A : i32
      %convert_element_type3A = arith.extui %lt3A_123 : i1 to i32
      %cond3A = arith.constant 0 : i32
      %cond3A_124 = arith.cmpi ne, %convert_element_type3A, %cond3A : i32
      scf.if %cond3A_124 {
        %add3A_140 = arith.constant 1 : i32
        %add3A_141 = arith.addi %scan3A_52, %add3A_140 : i32
        %mul3A_142 = arith.constant 2 : i32
        %mul3A_143 = arith.muli %add3A_141, %mul3A_142 : i32
        %add3A_144 = arith.constant 0 : i32
        %add3A_145 = arith.addi %mul3A_143, %add3A_144 : i32
        %dma_start3A_146 = arith.constant 0 : i32
        %dma_start3A_147 = arith.constant 0 : i32
        %dma_start3A_148 = tpu.memref_slice %arg6[%add3A_145, %dma_start3A_147] : memref<320x128xi32, #tpu.memory_space<vmem>> -> memref<1x128xi32, #tpu.memory_space<vmem>>
        %dma_start3A_149 = tpu.memref_squeeze %dma_start3A_148 : memref<1x128xi32, #tpu.memory_space<vmem>> -> memref<128xi32, #tpu.memory_space<vmem>>
        %dma_start3A_150 = arith.constant 0 : i32
        %dma_start3A_151 = arith.constant 0 : i32
        %dma_start3A_152 = tpu.memref_slice %arg2[%dma_start3A_150, %dma_start3A_151] : memref<20000x64xf32, #tpu.memory_space<hbm>> -> memref<20000x64xf32, #tpu.memory_space<hbm>>
        %dma_start3A_153 = tpu.memref_slice %arg11[%dma_start3A_146] : memref<2x!tpu.dma_semaphore, #tpu.memory_space<semaphore_mem>> -> memref<1x!tpu.dma_semaphore, #tpu.memory_space<semaphore_mem>>
        %dma_start3A_154 = tpu.memref_squeeze %dma_start3A_153 : memref<1x!tpu.dma_semaphore, #tpu.memory_space<semaphore_mem>> -> memref<!tpu.dma_semaphore, #tpu.memory_space<semaphore_mem>>
        tpu.enqueue_indirect_dma source(%dma_start3A_152 : memref<20000x64xf32, #tpu.memory_space<hbm>>) target(%arg8 : memref<128x64xf32, #tpu.memory_space<vmem>>) offsets(%dma_start3A_149 : memref<128xi32, #tpu.memory_space<vmem>>) semaphore(%dma_start3A_154 : memref<!tpu.dma_semaphore, #tpu.memory_space<semaphore_mem>>)
      } else {
      }
      %dma_wait3A_125 = arith.constant 1 : i32
      %dma_wait3A_126 = arith.constant 0 : i32
      %dma_wait3A_127 = tpu.memref_slice %arg6[%add3A_104, %dma_wait3A_126] : memref<320x128xi32, #tpu.memory_space<vmem>> -> memref<1x128xi32, #tpu.memory_space<vmem>>
      %dma_wait3A_128 = tpu.memref_squeeze %dma_wait3A_127 : memref<1x128xi32, #tpu.memory_space<vmem>> -> memref<128xi32, #tpu.memory_space<vmem>>
      %dma_wait3A_129 = arith.constant 0 : i32
      %dma_wait3A_130 = arith.constant 0 : i32
      %dma_wait3A_131 = tpu.memref_slice %arg10[%dma_wait3A_129, %dma_wait3A_130] : memref<10240x64xf32, #tpu.memory_space<vmem_shared>> -> memref<10240x64xf32, #tpu.memory_space<vmem_shared>>
      %dma_wait3A_132 = tpu.memref_slice %arg12[%dma_wait3A_125] : memref<2x!tpu.dma_semaphore, #tpu.memory_space<semaphore_mem>> -> memref<1x!tpu.dma_semaphore, #tpu.memory_space<semaphore_mem>>
      %dma_wait3A_133 = tpu.memref_squeeze %dma_wait3A_132 : memref<1x!tpu.dma_semaphore, #tpu.memory_space<semaphore_mem>> -> memref<!tpu.dma_semaphore, #tpu.memory_space<semaphore_mem>>
      tpu.wait_indirect_dma semaphore(%dma_wait3A_133 : memref<!tpu.dma_semaphore, #tpu.memory_space<semaphore_mem>>) src(%arg9 : memref<128x64xf32, #tpu.memory_space<vmem>>) dst(%dma_wait3A_131 : memref<10240x64xf32, #tpu.memory_space<vmem_shared>>)
      %lt3A_134 = arith.constant 79 : i32
      %lt3A_135 = arith.cmpi slt, %scan3A_52, %lt3A_134 : i32
      %convert_element_type3A_136 = arith.extui %lt3A_135 : i1 to i32
      %cond3A_137 = arith.constant 0 : i32
      %cond3A_138 = arith.cmpi ne, %convert_element_type3A_136, %cond3A_137 : i32
      scf.if %cond3A_138 {
        %add3A_140 = arith.constant 1 : i32
        %add3A_141 = arith.addi %scan3A_52, %add3A_140 : i32
        %mul3A_142 = arith.constant 2 : i32
        %mul3A_143 = arith.muli %add3A_141, %mul3A_142 : i32
        %add3A_144 = arith.constant 1 : i32
        %add3A_145 = arith.addi %mul3A_143, %add3A_144 : i32
        %dma_start3A_146 = arith.constant 1 : i32
        %dma_start3A_147 = arith.constant 0 : i32
        %dma_start3A_148 = tpu.memref_slice %arg6[%add3A_145, %dma_start3A_147] : memref<320x128xi32, #tpu.memory_space<vmem>> -> memref<1x128xi32, #tpu.memory_space<vmem>>
        %dma_start3A_149 = tpu.memref_squeeze %dma_start3A_148 : memref<1x128xi32, #tpu.memory_space<vmem>> -> memref<128xi32, #tpu.memory_space<vmem>>
        %dma_start3A_150 = arith.constant 0 : i32
        %dma_start3A_151 = arith.constant 0 : i32
        %dma_start3A_152 = tpu.memref_slice %arg2[%dma_start3A_150, %dma_start3A_151] : memref<20000x64xf32, #tpu.memory_space<hbm>> -> memref<20000x64xf32, #tpu.memory_space<hbm>>
        %dma_start3A_153 = tpu.memref_slice %arg11[%dma_start3A_146] : memref<2x!tpu.dma_semaphore, #tpu.memory_space<semaphore_mem>> -> memref<1x!tpu.dma_semaphore, #tpu.memory_space<semaphore_mem>>
        %dma_start3A_154 = tpu.memref_squeeze %dma_start3A_153 : memref<1x!tpu.dma_semaphore, #tpu.memory_space<semaphore_mem>> -> memref<!tpu.dma_semaphore, #tpu.memory_space<semaphore_mem>>
        tpu.enqueue_indirect_dma source(%dma_start3A_152 : memref<20000x64xf32, #tpu.memory_space<hbm>>) target(%arg9 : memref<128x64xf32, #tpu.memory_space<vmem>>) offsets(%dma_start3A_149 : memref<128xi32, #tpu.memory_space<vmem>>) semaphore(%dma_start3A_154 : memref<!tpu.dma_semaphore, #tpu.memory_space<semaphore_mem>>)
      } else {
      }
      %scan3A_139 = arith.constant 0 : i32
      scf.yield %scan3A_139 : i32
    }
    %scan3A_46 = arith.constant 80 : i32
    %barrier3A_47 = arith.constant 0 : index
    tpu.barrier barrier_id(%barrier3A_47)
    %mul3A_48 = arith.constant 640 : i32
    %mul3A_49 = arith.muli %arg1, %mul3A_48 : i32
    %mul3A_50 = arith.constant 640 : i32
    %mul3A_51 = arith.muli %arg1, %mul3A_50 : i32
    "tpu.region"() ({
      %run_scoped3A = tpu.sem_alloc : memref<!tpu.dma_semaphore, #tpu.memory_space<semaphore_mem>>
      %dma_start3A_52 = arith.constant 0 : i32
      %dma_start3A_53 = tpu.memref_slice %arg5[%arg0, %mul3A_51, %dma_start3A_52] : memref<2x10240x64xf32, #tpu.memory_space<hbm>> -> memref<1x640x64xf32, #tpu.memory_space<hbm>>
      %dma_start3A_54 = tpu.memref_squeeze %dma_start3A_53 : memref<1x640x64xf32, #tpu.memory_space<hbm>> -> memref<640x64xf32, #tpu.memory_space<hbm>>
      %dma_start3A_55 = arith.constant 0 : i32
      %dma_start3A_56 = tpu.memref_slice %arg10[%mul3A_49, %dma_start3A_55] : memref<10240x64xf32, #tpu.memory_space<vmem_shared>> -> memref<640x64xf32, #tpu.memory_space<vmem_shared>>
      tpu.enqueue_dma source(%dma_start3A_56 : memref<640x64xf32, #tpu.memory_space<vmem_shared>>) target(%dma_start3A_54 : memref<640x64xf32, #tpu.memory_space<hbm>>) target_semaphore(%run_scoped3A : memref<!tpu.dma_semaphore, #tpu.memory_space<semaphore_mem>>)
      %dma_wait3A = arith.constant 0 : i32
      %dma_wait3A_57 = tpu.memref_slice %arg5[%arg0, %mul3A_51, %dma_wait3A] : memref<2x10240x64xf32, #tpu.memory_space<hbm>> -> memref<1x640x64xf32, #tpu.memory_space<hbm>>
      %dma_wait3A_58 = tpu.memref_squeeze %dma_wait3A_57 : memref<1x640x64xf32, #tpu.memory_space<hbm>> -> memref<640x64xf32, #tpu.memory_space<hbm>>
      %dma_wait3A_59 = arith.constant 0 : i32
      %dma_wait3A_60 = tpu.memref_slice %arg10[%mul3A_49, %dma_wait3A_59] : memref<10240x64xf32, #tpu.memory_space<vmem_shared>> -> memref<640x64xf32, #tpu.memory_space<vmem_shared>>
      tpu.wait_dma2 semaphore(%run_scoped3A : memref<!tpu.dma_semaphore, #tpu.memory_space<semaphore_mem>>) src(%dma_wait3A_60 : memref<640x64xf32, #tpu.memory_space<vmem_shared>>) dst(%dma_wait3A_58 : memref<640x64xf32, #tpu.memory_space<hbm>>)
      tpu.yield
    }) : () -> ()
    return
  }
}

</mosaic_0001>

<sc_bundles>
// kernel: _spmm.3.cloned.1.call-start
scs
__scs_entry_jumppad:
0x0: {  	(pc) =	sbr.rel $0x88, $3  }
0x1: {  	(tag) =	ssettag $0x0;
	lr =	simm.s32 $0x1  }
0x2: {  	[smem:$0x3F9E] =	sst lr;
	_ =	strace $0xD0000000  }
0x3: {  	_ = 	snop  }
0x4: {  	_ = 	snop  }
0x5: {  	_ = 	snop  }
0x6: {  	_ = 	snop  }
0x7: {  	_ = 	snop  }
__scs_overlays_trampoline_lowered:
0x8: {  	[smem:$0x3FAD] =	sst s0  }
0x9: {  	[smem:$0x3FAE] =	sst s1  }
0xa: {  	[smem:$0x3FAF] =	sst s2  }
0xb: {  	[smem:$0x3FB0] =	sst s3  }
0xc: {  	[smem:$0x3FB1] =	sst s4  }
0xd: {  	[smem:$0x3FB2] =	sst s5  }
0xe: {  	[smem:$0x3FB3] =	sst s6  }
0xf: {  	[smem:$0x3FB4] =	sst s7  }
0x10: {  	[smem:$0x3FB5] =	sst s8  }
0x11: {  	[smem:$0x3FB6] =	sst s9;
	s0 =	simm.s32 @!p0 $0x0  }
0x12: {  	s1 =	sld [smem:$0x3F9C];
	s0 =	simm.s32 @p0 $0x1  }
0x13: {  	[smem:$0x3FB7] =	sst s0;
	s0 =	simm.s32 @!p1 $0x0  }
0x14: {  	s2 =	sld [smem:$0x3F9B];
	s0 =	simm.s32 @p1 $0x1  }
0x15: {  	[smem:$0x3FB8] =	sst s0;
	s0 =	simm.s32 @!p2 $0x0  }
0x16: {  	s3 =	sld [smem:$0x3FDB];
	s0 =	simm.s32 @p2 $0x1  }
0x17: {  	s4 =	simm.s32 $0x1BF5;
	[smem:$0x3FBA] =	sst s0  }
0x18: {  	s0 =	sld [smem:$0x3F9D];
	_ =	swait.ge [sflag:s4], $0x0  }
0x19: {  	s7 =	sld [smem:$0x3F9E]  }
0x1a: {  	s8 =	sadd.s32 $0xFFFFE003, lr  }
0x1b: {  	s9 =	sadd.s32 $0xFFFFFEF7, lr;
	s5 =	simm.s32 $0xFFFFFFFF;
	p2 =	slt.u32 s8, $0xFFFFF086  }
0x1c: {  	p1 =	slt.u32 s9, $0xF7A;
	s5 =	simm.s32 @!p2 $0x0  }
0x1d: {  	s5 =	simm.s32 @p1 $0x1;
	p0 =	seq.s32 s7, s2  }
0x1e: {  	s7 =	smul.u32 @!p0 $0xF7A, s2;
	p2 =	seq.s32 @!p0 s5, $0x0  }
0x1f: {  	s9 =	smul.u32 $0xF7A, s1;
	s8 =	simm.s32 @!p0 $0x1BF5;
	p2 =	por !p2, p0  }
0x20: {  	[sflag:s8] =	ssyncset.s32 @!p0 $0xFFFFF086;
	s6 =	sadd.s32 @!p0 s3, s7;
	s7 =	simm.s32 @!p0 $0x108  }
0x21: {  	s3 =	sadd.s32 s3, s9;
	s6 =	sadd.s32 @!p0 $0x88, s6;
	s7 =	simm.s32 @p2 $0x1082  }
0x22: {  	[simem:s7], [sflag:s8] =	dma.local @!p0 [hbm:s6], $0xF7A  }
0x23: {  	s9 =	sor.u32 $0xD0000000, s2;
	s6 =	simm.s32 $0x108;
	_ =	swait.ge @!p0 [sflag:s8], $0x0  }
0x24: {  	s3 =	sadd.s32 $0x88, s3;
	s6 =	simm.s32 @!p1 $0x1082;
	[sflag:s4] =	ssyncset.s32 $0xFFFFF086  }
0x25: {  	[simem:s6], [sflag:s4] =	dma.local [hbm:s3], $0xF7A  }
0x26: {  	[smem:$0x3F9E] =	sst s1;
	(tag) =	ssettag s2;
	_ =	strace s9  }
0x27: {  	s1 =	sld [smem:$0x3FAE]  }
0x28: {  	s2 =	sld [smem:$0x3FAF]  }
0x29: {  	s4 =	sld [smem:$0x3FB1]  }
0x2a: {  	p0 =	seq.s32 s5, $0x0;
	s5 =	sld [smem:$0x3FB2]  }
0x2b: {  	s6 =	sld [smem:$0x3FB3]  }
0x2c: {  	s7 =	sld [smem:$0x3FB4]  }
0x2d: {  	s3 =	simm.s32 $0x108;
	s8 =	sld [smem:$0x3FB5]  }
0x2e: {  	s3 =	simm.s32 @!p0 $0x1082;
	s9 =	sld [smem:$0x3FB6]  }
0x2f: {  	lr =	sadd.s32 s0, s3;
	s0 =	sld [smem:$0x3FAD]  }
0x30: {  	s3 =	sld [smem:$0x3FB0]  }
0x31: {  	[smem:$0x3FB9] =	sst s10  }
0x32: {  	s10 =	sld [smem:$0x3FB7];
	_ =	sdelay $0x3  }
0x33: {  	p0 =	seq.s32 s10, $0x1;
	s10 =	sld [smem:$0x3FB9];
	_ =	sdelay $0x3  }
0x34: {  	[smem:$0x3FB9] =	sst s10  }
0x35: {  	s10 =	sld [smem:$0x3FB8];
	_ =	sdelay $0x3  }
0x36: {  	p1 =	seq.s32 s10, $0x1;
	s10 =	sld [smem:$0x3FB9];
	_ =	sdelay $0x3  }
0x37: {  	[smem:$0x3FB9] =	sst s10  }
0x38: {  	s10 =	sld [smem:$0x3FBA]  }
0x39: {  	_ = 	snop;
	(pc) =	sbr.ind lr, $3  }
0x3a: {  	_ = 	snop  }
0x3b: {  	_ = 	snop  }
0x3c: {  	p2 =	seq.s32 s10, $0x1;
	s10 =	sld [smem:$0x3FB9]  }
0x3d: {  	_ =	shalt  }
0x3e: {  	_ =	shalt  }
0x3f: {  	_ =	shalt  }
0x40: {  	_ =	shalt  }
0x41: {  	_ =	shalt  }
0x42: {  	_ =	shalt  }
0x43: {  	_ =	shalt  }
0x44: {  	_ =	shalt  }
0x45: {  	_ =	shalt  }
0x46: {  	_ =	shalt  }
0x47: {  	_ =	shalt  }
0x48: {  	_ =	shalt  }
0x49: {  	_ =	shalt  }
0x4a: {  	_ =	shalt  }
0x4b: {  	_ =	shalt  }
0x4c: {  	_ =	shalt  }
0x4d: {  	_ =	shalt  }
0x4e: {  	_ =	shalt  }
0x4f: {  	_ =	shalt  }
0x50: {  	_ =	shalt  }
0x51: {  	_ =	shalt  }
0x52: {  	_ =	shalt  }
0x53: {  	_ =	shalt  }
0x54: {  	_ =	shalt  }
0x55: {  	_ =	shalt  }
0x56: {  	_ =	shalt  }
0x57: {  	_ =	shalt  }
0x58: {  	_ =	shalt  }
0x59: {  	_ =	shalt  }
0x5a: {  	_ =	shalt  }
0x5b: {  	_ =	shalt  }
0x5c: {  	_ =	shalt  }
0x5d: {  	_ =	shalt  }
0x5e: {  	_ =	shalt  }
0x5f: {  	_ =	shalt  }
0x60: {  	_ =	shalt  }
0x61: {  	_ =	shalt  }
0x62: {  	_ =	shalt  }
0x63: {  	_ =	shalt  }
0x64: {  	_ =	shalt  }
0x65: {  	_ =	shalt  }
0x66: {  	_ =	shalt  }
0x67: {  	_ =	shalt  }
0x68: {  	_ =	shalt  }
0x69: {  	_ =	shalt  }
0x6a: {  	_ =	shalt  }
0x6b: {  	_ =	shalt  }
0x6c: {  	_ =	shalt  }
0x6d: {  	_ =	shalt  }
0x6e: {  	_ =	shalt  }
0x6f: {  	_ =	shalt  }
0x70: {  	_ =	shalt  }
0x71: {  	_ =	shalt  }
0x72: {  	_ =	shalt  }
0x73: {  	_ =	shalt  }
0x74: {  	_ =	shalt  }
0x75: {  	_ =	shalt  }
0x76: {  	_ =	shalt  }
0x77: {  	_ =	shalt  }
0x78: {  	_ =	shalt  }
0x79: {  	_ =	shalt  }
0x7a: {  	_ =	shalt  }
0x7b: {  	_ =	shalt  }
0x7c: {  	_ =	shalt  }
0x7d: {  	_ =	shalt  }
0x7e: {  	_ =	shalt  }
0x7f: {  	_ =	shalt  }
0x80: {  	_ =	shalt  }
0x81: {  	_ =	shalt  }
0x82: {  	_ =	shalt  }
0x83: {  	_ =	shalt  }
0x84: {  	_ =	shalt  }
0x85: {  	_ =	shalt  }
0x86: {  	_ =	shalt  }
0x87: {  	_ =	shalt  }
.Lfunc_end0:
.L_simem_size_0:
called_computation_lowered:
.L_overlay_start_0:
0x88: {  	s2 =	sld [smem:$0x3FD9]  }
0x89: {  	s3 =	sld [smem:$0x3FFE];
	_ =	sdelay $0x1  }
0x8a: {  	s1 =	srdreg.scid  }
0x8b: {  	s0 =	sand.u32 $0x1, s1  }
0x8c: {  	s17 =	sshll.u32 s0, $0xA;
	s2 =	sadd.s32 s3, s2  }
0x8d: {  	s2 =	sadd.s32 s2, s17  }
0x8e: {  	[smem:$0x3FC5] =	sst s2  }
0x8f: {  	_ = 	snop  }
0x90: {  	s2 =	sld [smem:$0x3FC8]  }
0x91: {  	s18 =	sld [smem:$0x3FC7]  }
0x92: {  	s4 =	sld [smem:$0x3FD0];
	(tm) =	ssettm $0x1  }
0x93: {  	s5 =	sld [smem:$0x3FFB];
	_ =	sdelay $0x3  }
0x94: {  	_ =	strace s5  }
0x95: {  	s5 =	sld [smem:$0x3FFC];
	_ =	sdelay $0x3  }
0x96: {  	_ =	strace s5  }
0x97: {  	s5 =	sld [smem:$0x3FFD];
	_ =	sdelay $0x3  }
0x98: {  	_ =	strace s5  }
0x99: {  	_ =	strace $0x8FFFFFFF  }
0x9a: {  	s19 =	sld [smem:$0x3FDB];
	_ =	sdelay $0x1  }
0x9b: {  	s6 =	simm.s32 $_scs_section_size  }
0x9c: {  	s7 =	simm.s32 $_size__tile_overlayer_lowered;
	s8 =	simm.s32 $_tile_overlayer_lowered  }
0x9d: {  	s22 =	simm.s32 $0x1BFF;
	s21 =	sshll.u32 s8, $0x1;
	s5 =	sadd.s32 s6, s19  }
0x9e: {  	s9 =	simm.s32 $0x0;
	s20 =	sshll.u32 s7, $0x1;
	s7 =	sadd.s32 s21, s5  }
0x9f: {  	[timem:s9], [sflag:s22] =	dma.local [hbm:s7], s20  }
0xa0: {  	_ =	swait.ge [sflag:s22], s20  }
0xa1: {  	s6 =	ssub.s32 $0x0, s20;
	[sflag:s22] =	ssyncset.done $0x0  }
0xa2: {  	[sflag:s22] =	ssyncadd.s32 s6;
	_ =	sdelay $0x1  }
0xa3: {  	s23 =	simm.s32 $0x1B8B  }
0xa4: {  	_ =	swait.ge [sflag:s23], $0x1  }
0xa5: {  	[sflag:s23] =	ssyncset.done $0x0  }
0xa6: {  	s25 =	simm.s32 $0x1B8E;
	s24 =	sld [smem:$0x3FFE];
	[sflag:s23] =	ssyncadd.s32 $0xFFFFFFFF  }
0xa7: {  	s26 =	simm.s32 $execute0_lowered;
	[smem:$0x3FD2] =	sst s25  }
0xa8: {  	s7 =	sshll.u32 s26, $0x1;
	_ =	strace $0x80000046;
	[dreg:$0x1] =	wrdreg $0xFFFFFFFF  }
0xa9: {  	s28 =	simm.s32 $_size_execute0_lowered;
	s5 =	sadd.s32 s5, s7;
	[dreg:$0x0] =	wrdreg $0x0  }
0xaa: {  	s7 =	sshll.u32 s28, $0x1;
	[dreg:$0x2] =	wrdreg s5  }
0xab: {  	[dreg:$0x3] =	wrdreg s7  }
0xac: {  	[dreg:$0x4] =	wrdreg $0xC0  }
0xad: {  	_ =	task [dreg:s9], $0x5FFFF  }
0xae: {  	[dreg:$0x1] =	wrdreg $0xFFFFFFFF  }
0xaf: {  	[dreg:$0x0] =	wrdreg $0x60  }
0xb0: {  	[dreg:$0x2] =	wrdreg s24  }
0xb1: {  	[dreg:$0x3] =	wrdreg s2  }
0xb2: {  	[dreg:$0x4] =	wrdreg s18  }
0xb3: {  	[dreg:$0x5] =	wrdreg s4  }
0xb4: {  	[dreg:$0x6] =	wrdreg $0x130000  }
0xb5: {  	[dreg:$0x7] =	wrdreg $0x9  }
0xb6: {  	_ =	task.clear_ibuf [dreg:s9], $0x8FFFF;
	_ =	strace $0x90000046  }
0xb7: {  	s29 =	simm.s32 $0x9;
	_ =	strace $0x80000048  }
0xb8: {  	_ =	swait.ge [sflag:s29], $0x1  }
0xb9: {  	[sflag:s29] =	ssyncadd.s32 $0xFFFFFFFF  }
0xba: {  	_ =	strace $0x90000048  }
0xbb: {  	_ =	sfence  }
0xbc: {  	s30 =	sld [smem:$0x0];
	_ =	sdelay $0x2  }
0xbd: {  	s31 =	sshll.u32 s1, $0xD;
	s1 =	sshrl.u32 s1, $0x2  }
0xbe: {  	s3 =	sand.u32 $0x4000, s31;
	s1 =	sadd.s32 s1, s30  }
0xbf: {  	s0 =	sor.u32 s3, s0;
	s1 =	sshll.u32 s1, $0x11  }
0xc0: {  	s0 =	sor.u32 s1, s0  }
0xc1: {  	s0 =	sadd.s32 $0x8F2B, s0  }
0xc2: {  	[sflag:s0] =	ssyncadd.remote.s32 $0x1  }
0xc3: {  	_ =	sfence.sel $0xFFFF  }
0xc4: {  	[dreg:$0x0] =	wrdreg $0xFFFFFFFF;
	(pc) =	sbr.abs _section_cstart, $3  }
0xc5: {  	[dreg:$0x1] =	wrdreg $0xFFFFFFFF  }
0xc6: {  	_ =	task.clear_ibuf [dreg:s9], $0x2FFFF;
	_ =	strace $0x9FFFFFFF  }
0xc7: {  	(tm) =	ssettm $0x7FFFFFFF  }
tec
execute0_lowered:
.L_overlay_start_1:
0x0: {  	(tag) =	ssettag $0x1  }
0x1: {  	s4 =	rddreg [dreg:$0x0]  }
0x2: {  	s5 =	rddreg [dreg:$0x1]  }
0x3: {  	s6 =	rddreg [dreg:$0x2]  }
0x4: {  	s8 =	rddreg [dreg:$0x3]  }
0x5: {  	s2 =	rddreg [dreg:$0x4]  }
0x6: {  	s1 =	stileid.u32;
	s9 =	srdreg.scid  }
0x7: {  	s3 =	simm.s32 $0x0;
	s16 =	simm.s32 $0xF000;
	s17 =	simm.s32 $0x80  }
0x8: {  	s18 =	simm.s32 $0x11000;
	s19 =	simm.s32 $0x1;
	s7 =	smul.u32 $0x1400, s1  }
0x9: {  	s20 =	simm.s32 $0x2;
	s21 =	simm.s32 $0x3;
	s10 =	smul.u32 $0xA00, s1  }
0xa: {  	s24 =	simm.s32 $0x0;
	s9 =	sand.u32 $0x1, s9;
	s11 =	smul.u32 $0x28000, s1  }
0xb: {  	[smem:$0x7FF] =	sst s3;
	s15 =	smul.u32 $0xA000, s1;
	s4 =	sadd.s32 $0x400, s4  }
0xc: {  	s12 =	ssub.s32 $0x2, s9;
	s13 =	smul.u32 $0xA0000, s9;
	_ =	strace $0x80000047  }
0xd: {  	s22 =	smul.u32 $0x2710, s9;
	s14 =	sshrl.u32 s12, $0x1;
	s5 =	sadd.s32 s5, s7  }
0xe: {  	s6 =	sadd.s32 s6, s10;
	s29 =	sshrl.u32 s11, $0x2;
	s23 =	sadd.s32 s15, s2  }
.Ltmp0:
0xf: {  	s12 =	ssub.s32 s12, s14;
	s30 =	sadd.s32 s15, s13;
	(pc) =	sbr.rel .LBB2_1-.Ltmp0, $4  }
0x10: {  	s7 =	sadd.s32 s29, s2;
	s14 =	simm.s32 $0x5;
	s15 =	simm.s32 $0xA000  }
0x11: {  	v0 =	vmov s22;
	s22 =	simm.s32 $0x4;
	s23 =	sshrl.u32 s23, $0x3;
	s31 =	sshrl.u32 s30, $0x3  }
0x12: {  	s9 =	smax.u32 s12, $0x1;
	s10 =	sadd.s32 $0x2000, s7;
	s11 =	sadd.s32 $0x4000, s7  }
0x13: {  	v1 =	vimm.f32 $0.0e+00;
	s12 =	sadd.s32 $0x6000, s7;
	s13 =	sadd.s32 $0x8000, s7;
	s8 =	sadd.s32 s8, s31  }
.LBB2_12:
0x14: {  	_ =	swait.ge [sflag:s22], $0x2000  }
0x15: {  	s24 =	sadd.s32 $0x1, s24;
	[sflag:s22] =	ssyncset.done $0x0  }
0x16: {  	s0 =	sshll.u32 s1, $0x6;
	p0 =	sne.s32 s24, s9;
	[sflag:s22] =	ssyncadd.s32 $0xFFFFE000  }
.Ltmp1:
0x17: {  	s0 =	sor.u32 $0x1C05, s0;
	[bflag:$0x0] =	sbarrier.arrive $0xFFFF;
	(pc) =	sbr.rel @!p0 .LBB2_13-.Ltmp1, $4  }
0x18: {  	[hbm:s8], [sflag:s0] =	dma.local [spmem:s23], $0x1400  }
0x19: {  	_ =	swait.ge [sflag:s14], $0x1400  }
0x1a: {  	[sflag:s14] =	ssyncset.done $0x0  }
0x1b: {  	[sflag:s14] =	ssyncadd.s32 $0xFFFFEC00  }
.LBB2_1:
0x1c: {  	[tilespmem:s3], [sflag:$0x5] =	stream.linear.gather [hbm4b:s5+s3], $0xA000, $0x38;
	[tilespmem:$0x1D000] =	vst v63  }
0x1d: {  	_ =	swait.ge [sflag:s14], $0xA000  }
0x1e: {  	[sflag:s14] =	ssyncset.done $0x0  }
0x1f: {  	[sflag:s14] =	ssyncadd.s32 $0xFFFF6000  }
0x20: {  	[tilespmem:s15], [sflag:$0x5] =	stream.linear.gather [hbm4b:s6+s3], $0x5000, $0x38;
	[tilespmem:$0x1D000] =	vst v63  }
0x21: {  	_ =	swait.ge [sflag:s14], $0x5000  }
0x22: {  	[sflag:s14] =	ssyncset.done $0x0  }
0x23: {  	s25 =	simm.s32 $0x0;
	[sflag:s14] =	ssyncadd.s32 $0xFFFFB000  }
0x24: {  	v4 =	vld [tilespmem:s25+$0x0]  }
0x25: {  	v6 =	vld [tilespmem:s25+$0x10]  }
0x26: {  	v5 =	vld [tilespmem:s25+$0x20]  }
0x27: {  	v3 =	vld [tilespmem:s25+$0x30]  }
0x28: {  	v2 =	vld [tilespmem:s25+$0x40]  }
0x29: {  	v7 =	vadd.s32 v0, v4;
	v4 =	vld [tilespmem:s25+$0x50]  }
0x2a: {  	s26 =	simm.s32 $0x200;
	[tilespmem:s25+$0x0] =	vst v7;
	v7 =	vadd.s32 v0, v6;
	v6 =	vld [tilespmem:s25+$0x60]  }
.LBB2_2:
0x2b: {  	s28 =	sshra.s32 s26, $0x2;
	p0 =	sne.s32 s26, $0x13E00;
	[tilespmem:s25+$0x10] =	vst v7;
	v5 =	vadd.s32 v0, v5;
	v7 =	vld [tilespmem:s25+$0x70]  }
0x2c: {  	v8 =	vld [tilespmem:s28+$0x0];
	[tilespmem:s25+$0x20] =	vst v5;
	v3 =	vadd.s32 v0, v3  }
0x2d: {  	v9 =	vld [tilespmem:s28+$0x10];
	[tilespmem:s25+$0x30] =	vst v3;
	v2 =	vadd.s32 v0, v2  }
.Ltmp2:
0x2e: {  	v5 =	vld [tilespmem:s28+$0x20];
	[tilespmem:s25+$0x40] =	vst v2;
	v2 =	vadd.s32 v0, v4;
	(pc) =	sbr.rel @p0 .LBB2_2-.Ltmp2, $4  }
0x2f: {  	v3 =	vld [tilespmem:s28+$0x30];
	[tilespmem:s25+$0x50] =	vst v2;
	v4 =	vadd.s32 v0, v6  }
0x30: {  	v2 =	vld [tilespmem:s28+$0x40];
	[tilespmem:s25+$0x60] =	vst v4;
	v6 =	vadd.s32 v0, v7  }
0x31: {  	v7 =	vadd.s32 v0, v8;
	v4 =	vld [tilespmem:s28+$0x50];
	[tilespmem:s25+$0x70] =	vst v6;
	s25 =	smov.u32 s28  }
0x32: {  	s26 =	sadd.s32 $0x200, s26;
	[tilespmem:s25+$0x0] =	vst v7;
	v7 =	vadd.s32 v0, v9;
	v6 =	vld [tilespmem:s25+$0x60]  }
0x33: {  	[tilespmem:s25+$0x10] =	vst v7;
	v5 =	vadd.s32 v0, v5;
	v63 =	vld [tilespmem:s25+$0x70]  }
0x34: {  	[tilespmem:s25+$0x20] =	vst v5;
	v3 =	vadd.s32 v0, v3  }
0x35: {  	[tilespmem:s25+$0x30] =	vst v3;
	v2 =	vadd.s32 v0, v2  }
0x36: {  	[tilespmem:s25+$0x40] =	vst v2;
	v2 =	vadd.s32 v0, v4  }
0x37: {  	[tilespmem:s25+$0x50] =	vst v2;
	v2 =	vadd.s32 v0, v6  }
0x38: {  	[tilespmem:s25+$0x60] =	vst v2;
	v2 =	vadd.s32 v0, v63  }
0x39: {  	s26 =	simm.s32 $0x100;
	[tilespmem:s25+$0x70] =	vst v2;
	s25 =	simm.s32 $0x0  }
.LBB2_4:
0x3a: {  	p0 =	sne.s32 s26, $0x7F00;
	[tilespmem:s25+$0xF030] =	vst v1;
	s28 =	smov.u32 s26;
	s26 =	sadd.s32 $0x100, s26  }
.Ltmp3:
0x3b: {  	[tilespmem:s25+$0xF020] =	vst v1;
	(pc) =	sbr.rel @p0 .LBB2_4-.Ltmp3, $3  }
0x3c: {  	[tilespmem:s25+$0xF000] =	vst v1  }
0x3d: {  	[tilespmem:s25+$0xF010] =	vst v1;
	_ =	sdelay $0x1  }
0x3e: {  	s25 =	sshra.s32 s28, $0x2  }
0x3f: {  	[tilespmem:s25+$0xF030] =	vst v1  }
0x40: {  	[tilespmem:s25+$0xF020] =	vst v1  }
0x41: {  	[tilespmem:s25+$0xF000] =	vst v1  }
0x42: {  	[tilespmem:s25+$0xF010] =	vst v1  }
0x43: {  	[spmem:s7] =	stream.linear.scatter [tilespmem:s16], [sflag:$0x5], $0x2000, $0x38;
	[tilespmem:$0x1D000] =	vst v63  }
0x44: {  	_ =	swait.ge [sflag:s14], $0x2000  }
0x45: {  	[sflag:s14] =	ssyncset.done $0x0  }
0x46: {  	[sflag:s14] =	ssyncadd.s32 $0xFFFFE000  }
0x47: {  	[spmem:s10] =	stream.linear.scatter [tilespmem:s16], [sflag:$0x5], $0x2000, $0x38;
	[tilespmem:$0x1D000] =	vst v63  }
0x48: {  	_ =	swait.ge [sflag:s14], $0x2000  }
0x49: {  	[sflag:s14] =	ssyncset.done $0x0  }
0x4a: {  	[sflag:s14] =	ssyncadd.s32 $0xFFFFE000  }
0x4b: {  	[spmem:s11] =	stream.linear.scatter [tilespmem:s16], [sflag:$0x5], $0x2000, $0x38;
	[tilespmem:$0x1D000] =	vst v63  }
0x4c: {  	_ =	swait.ge [sflag:s14], $0x2000  }
0x4d: {  	[sflag:s14] =	ssyncset.done $0x0  }
0x4e: {  	[sflag:s14] =	ssyncadd.s32 $0xFFFFE000  }
0x4f: {  	[spmem:s12] =	stream.linear.scatter [tilespmem:s16], [sflag:$0x5], $0x2000, $0x38;
	[tilespmem:$0x1D000] =	vst v63  }
0x50: {  	_ =	swait.ge [sflag:s14], $0x2000  }
0x51: {  	[sflag:s14] =	ssyncset.done $0x0  }
0x52: {  	[sflag:s14] =	ssyncadd.s32 $0xFFFFE000  }
0x53: {  	[spmem:s13] =	stream.linear.scatter [tilespmem:s16], [sflag:$0x5], $0x2000, $0x38;
	[tilespmem:$0x1D000] =	vst v63  }
0x54: {  	_ =	swait.ge [sflag:s14], $0x2000  }
0x55: {  	[sflag:s14] =	ssyncset.done $0x0  }
0x56: {  	[sflag:s14] =	ssyncadd.s32 $0xFFFFE000  }
0x57: {  	s25 =	simm.s32 $0x0;
	[bflag:$0x0] =	sbarrier.arrive $0xFFFF  }
0x58: {  	[tilespmem:s16], [sflag:$0x1] =	stream.indirect.gather [hbm4b:s4+s17], $0x40, s25, s17, $0xb8;
	[tilespmem:$0x1D000] =	vst v63  }
0x59: {  	s26 =	simm.s32 $0xA000;
	s28 =	simm.s32 $0xA080  }
0x5a: {  	[tilespmem:s18], [sflag:$0x2] =	stream.indirect.gather [hbm4b:s4+s17], $0x40, s17, s17, $0xb8;
	[tilespmem:$0x1D000] =	vst v63  }
.LBB2_6:
0x5b: {  	v2 =	vmov s26  }
0x5c: {  	_ =	swait.ge [sflag:s19], $0x2000  }
0x5d: {  	s29 =	sshll.u32 s25, $0xA;
	[sflag:s19] =	ssyncset.done $0x0  }
0x5e: {  	s30 =	simm.s32 $0xF200;
	s31 =	simm.s32 $0x0;
	[sflag:s19] =	ssyncadd.s32 $0xFFFFE000  }
.LBB2_7:
0x5f: {  	s0 =	sshra.s32 s31, $0x2  }
0x60: {  	v3 =	vld.idx.msk [tilespmem:v2+s0+$0x0 ss:$0x1], $0xffff;
	_ =	sdelay $0x1  }
0x61: {  	v4 =	vld [tilespmem:s30+$0xFFFFFE00];
	_ =	sdelay $0x1  }
0x62: {  	v43 =	vld [tilespmem:s30+$0xFFFFFE10]  }
0x63: {  	v5 =	vbroadcast v3, $0x0  }
0x64: {  	v44 =	vld [tilespmem:s30+$0xFFFFFE20]  }
0x65: {  	v4 =	vmul.f32 v5, v4  }
0x66: {  	v45 =	vld [tilespmem:s30+$0xFFFFFE30]  }
0x67: {  	[tilespmem:s30+$0xFFFFFE00] =	vst v4;
	v4 =	vmul.f32 v43, v5  }
0x68: {  	v46 =	vld [tilespmem:s30+$0xFFFFFE40]  }
0x69: {  	[tilespmem:s30+$0xFFFFFE10] =	vst v4;
	v4 =	vmul.f32 v44, v5  }
0x6a: {  	v48 =	vld [tilespmem:s30+$0xFFFFFE50]  }
0x6b: {  	v47 =	vbroadcast v3, $0x1;
	[tilespmem:s30+$0xFFFFFE20] =	vst v4;
	v4 =	vmul.f32 v45, v5  }
0x6c: {  	v49 =	vld [tilespmem:s30+$0xFFFFFE60]  }
0x6d: {  	[tilespmem:s30+$0xFFFFFE30] =	vst v4;
	v4 =	vmul.f32 v46, v47  }
0x6e: {  	v50 =	vld [tilespmem:s30+$0xFFFFFE70]  }
0x6f: {  	[tilespmem:s30+$0xFFFFFE40] =	vst v4;
	v4 =	vmul.f32 v48, v47  }
0x70: {  	v51 =	vld [tilespmem:s30+$0xFFFFFE80]  }
0x71: {  	[tilespmem:s30+$0xFFFFFE50] =	vst v4;
	v4 =	vmul.f32 v49, v47  }
0x72: {  	v53 =	vld [tilespmem:s30+$0xFFFFFE90]  }
0x73: {  	v52 =	vbroadcast v3, $0x2;
	[tilespmem:s30+$0xFFFFFE60] =	vst v4;
	v4 =	vmul.f32 v50, v47  }
0x74: {  	v54 =	vld [tilespmem:s30+$0xFFFFFEA0]  }
0x75: {  	[tilespmem:s30+$0xFFFFFE70] =	vst v4;
	v4 =	vmul.f32 v51, v52  }
0x76: {  	v55 =	vld [tilespmem:s30+$0xFFFFFEB0]  }
0x77: {  	[tilespmem:s30+$0xFFFFFE80] =	vst v4;
	v4 =	vmul.f32 v53, v52  }
0x78: {  	v56 =	vld [tilespmem:s30+$0xFFFFFEC0]  }
0x79: {  	[tilespmem:s30+$0xFFFFFE90] =	vst v4;
	v4 =	vmul.f32 v54, v52  }
0x7a: {  	v58 =	vld [tilespmem:s30+$0xFFFFFED0]  }
0x7b: {  	v57 =	vbroadcast v3, $0x3;
	[tilespmem:s30+$0xFFFFFEA0] =	vst v4;
	v4 =	vmul.f32 v55, v52  }
0x7c: {  	v59 =	vld [tilespmem:s30+$0xFFFFFEE0]  }
0x7d: {  	[tilespmem:s30+$0xFFFFFEB0] =	vst v4;
	v4 =	vmul.f32 v56, v57  }
0x7e: {  	v60 =	vld [tilespmem:s30+$0xFFFFFEF0]  }
0x7f: {  	[tilespmem:s30+$0xFFFFFEC0] =	vst v4;
	v4 =	vmul.f32 v58, v57  }
0x80: {  	v61 =	vld [tilespmem:s30+$0xFFFFFF00]  }
0x81: {  	[tilespmem:s30+$0xFFFFFED0] =	vst v4;
	v4 =	vmul.f32 v59, v57  }
0x82: {  	v63 =	vld [tilespmem:s30+$0xFFFFFF10]  }
0x83: {  	v62 =	vbroadcast v3, $0x4;
	[tilespmem:s30+$0xFFFFFEE0] =	vst v4;
	v4 =	vmul.f32 v60, v57  }
0x84: {  	v8 =	vld [tilespmem:s30+$0xFFFFFF20]  }
0x85: {  	[tilespmem:s30+$0xFFFFFEF0] =	vst v4;
	v4 =	vmul.f32 v61, v62  }
0x86: {  	v9 =	vld [tilespmem:s30+$0xFFFFFF30]  }
0x87: {  	[tilespmem:s30+$0xFFFFFF00] =	vst v4;
	v4 =	vmul.f32 v63, v62  }
0x88: {  	v10 =	vld [tilespmem:s30+$0xFFFFFF40]  }
0x89: {  	[tilespmem:s30+$0xFFFFFF10] =	vst v4;
	v4 =	vmul.f32 v8, v62  }
0x8a: {  	v12 =	vld [tilespmem:s30+$0xFFFFFF50]  }
0x8b: {  	v11 =	vbroadcast v3, $0x5;
	[tilespmem:s30+$0xFFFFFF20] =	vst v4;
	v4 =	vmul.f32 v9, v62  }
0x8c: {  	v13 =	vld [tilespmem:s30+$0xFFFFFF60]  }
0x8d: {  	[tilespmem:s30+$0xFFFFFF30] =	vst v4;
	v4 =	vmul.f32 v10, v11  }
0x8e: {  	v14 =	vld [tilespmem:s30+$0xFFFFFF70]  }
0x8f: {  	[tilespmem:s30+$0xFFFFFF40] =	vst v4;
	v4 =	vmul.f32 v12, v11  }
0x90: {  	v15 =	vld [tilespmem:s30+$0xFFFFFF80]  }
0x91: {  	[tilespmem:s30+$0xFFFFFF50] =	vst v4;
	v4 =	vmul.f32 v13, v11  }
0x92: {  	v17 =	vld [tilespmem:s30+$0xFFFFFF90]  }
0x93: {  	v16 =	vbroadcast v3, $0x6;
	[tilespmem:s30+$0xFFFFFF60] =	vst v4;
	v4 =	vmul.f32 v14, v11  }
0x94: {  	v18 =	vld [tilespmem:s30+$0xFFFFFFA0]  }
0x95: {  	[tilespmem:s30+$0xFFFFFF70] =	vst v4;
	v4 =	vmul.f32 v15, v16  }
0x96: {  	v19 =	vld [tilespmem:s30+$0xFFFFFFB0]  }
0x97: {  	[tilespmem:s30+$0xFFFFFF80] =	vst v4;
	v4 =	vmul.f32 v17, v16  }
0x98: {  	v20 =	vld [tilespmem:s30+$0xFFFFFFC0]  }
0x99: {  	[tilespmem:s30+$0xFFFFFF90] =	vst v4;
	v4 =	vmul.f32 v18, v16  }
0x9a: {  	v22 =	vld [tilespmem:s30+$0xFFFFFFD0]  }
0x9b: {  	v21 =	vbroadcast v3, $0x7;
	[tilespmem:s30+$0xFFFFFFA0] =	vst v4;
	v4 =	vmul.f32 v19, v16  }
0x9c: {  	v23 =	vld [tilespmem:s30+$0xFFFFFFE0]  }
0x9d: {  	[tilespmem:s30+$0xFFFFFFB0] =	vst v4;
	v4 =	vmul.f32 v20, v21  }
0x9e: {  	v24 =	vld [tilespmem:s30+$0xFFFFFFF0]  }
0x9f: {  	[tilespmem:s30+$0xFFFFFFC0] =	vst v4;
	v4 =	vmul.f32 v22, v21  }
0xa0: {  	v25 =	vld [tilespmem:s30+$0x0]  }
0xa1: {  	[tilespmem:s30+$0xFFFFFFD0] =	vst v4;
	v4 =	vmul.f32 v23, v21  }
0xa2: {  	v27 =	vld [tilespmem:s30+$0x10]  }
0xa3: {  	v26 =	vbroadcast v3, $0x8;
	[tilespmem:s30+$0xFFFFFFE0] =	vst v4;
	v4 =	vmul.f32 v24, v21  }
0xa4: {  	v28 =	vld [tilespmem:s30+$0x20]  }
0xa5: {  	[tilespmem:s30+$0xFFFFFFF0] =	vst v4;
	v4 =	vmul.f32 v25, v26  }
0xa6: {  	v29 =	vld [tilespmem:s30+$0x30]  }
0xa7: {  	[tilespmem:s30+$0x0] =	vst v4;
	v4 =	vmul.f32 v27, v26  }
0xa8: {  	v30 =	vld [tilespmem:s30+$0x40]  }
0xa9: {  	[tilespmem:s30+$0x10] =	vst v4;
	v4 =	vmul.f32 v28, v26  }
0xaa: {  	v32 =	vld [tilespmem:s30+$0x50]  }
0xab: {  	v31 =	vbroadcast v3, $0x9;
	[tilespmem:s30+$0x20] =	vst v4;
	v4 =	vmul.f32 v29, v26  }
0xac: {  	v33 =	vld [tilespmem:s30+$0x60]  }
0xad: {  	[tilespmem:s30+$0x30] =	vst v4;
	v4 =	vmul.f32 v30, v31  }
0xae: {  	v34 =	vld [tilespmem:s30+$0x70]  }
0xaf: {  	[tilespmem:s30+$0x40] =	vst v4;
	v4 =	vmul.f32 v32, v31  }
0xb0: {  	v35 =	vld [tilespmem:s30+$0x80]  }
0xb1: {  	[tilespmem:s30+$0x50] =	vst v4;
	v4 =	vmul.f32 v33, v31  }
0xb2: {  	v37 =	vld [tilespmem:s30+$0x90]  }
0xb3: {  	v36 =	vbroadcast v3, $0xA;
	[tilespmem:s30+$0x60] =	vst v4;
	v4 =	vmul.f32 v34, v31  }
0xb4: {  	v38 =	vld [tilespmem:s30+$0xA0]  }
0xb5: {  	[tilespmem:s30+$0x70] =	vst v4;
	v4 =	vmul.f32 v35, v36  }
0xb6: {  	v39 =	vld [tilespmem:s30+$0xB0]  }
0xb7: {  	[tilespmem:s30+$0x80] =	vst v4;
	v4 =	vmul.f32 v37, v36  }
0xb8: {  	v40 =	vld [tilespmem:s30+$0xC0]  }
0xb9: {  	[tilespmem:s30+$0x90] =	vst v4;
	v4 =	vmul.f32 v38, v36  }
0xba: {  	v42 =	vld [tilespmem:s30+$0xD0]  }
0xbb: {  	v41 =	vbroadcast v3, $0xB;
	[tilespmem:s30+$0xA0] =	vst v4;
	v4 =	vmul.f32 v39, v36  }
0xbc: {  	v43 =	vld [tilespmem:s30+$0xE0]  }
0xbd: {  	[tilespmem:s30+$0xB0] =	vst v4;
	v4 =	vmul.f32 v40, v41  }
0xbe: {  	v44 =	vld [tilespmem:s30+$0xF0]  }
0xbf: {  	[tilespmem:s30+$0xC0] =	vst v4;
	v4 =	vmul.f32 v42, v41  }
0xc0: {  	v45 =	vld [tilespmem:s30+$0x100]  }
0xc1: {  	[tilespmem:s30+$0xD0] =	vst v4;
	v4 =	vmul.f32 v43, v41  }
0xc2: {  	v47 =	vld [tilespmem:s30+$0x110]  }
0xc3: {  	v46 =	vbroadcast v3, $0xC;
	[tilespmem:s30+$0xE0] =	vst v4;
	v4 =	vmul.f32 v44, v41  }
0xc4: {  	v48 =	vld [tilespmem:s30+$0x120]  }
0xc5: {  	[tilespmem:s30+$0xF0] =	vst v4;
	v4 =	vmul.f32 v45, v46  }
0xc6: {  	v49 =	vld [tilespmem:s30+$0x130]  }
0xc7: {  	[tilespmem:s30+$0x100] =	vst v4;
	v4 =	vmul.f32 v47, v46  }
0xc8: {  	v50 =	vld [tilespmem:s30+$0x140]  }
0xc9: {  	[tilespmem:s30+$0x110] =	vst v4;
	v4 =	vmul.f32 v48, v46  }
0xca: {  	v52 =	vld [tilespmem:s30+$0x150]  }
0xcb: {  	v51 =	vbroadcast v3, $0xD;
	[tilespmem:s30+$0x120] =	vst v4;
	v4 =	vmul.f32 v49, v46  }
0xcc: {  	v53 =	vld [tilespmem:s30+$0x160]  }
0xcd: {  	[tilespmem:s30+$0x130] =	vst v4;
	v4 =	vmul.f32 v50, v51  }
0xce: {  	v54 =	vld [tilespmem:s30+$0x170]  }
0xcf: {  	[tilespmem:s30+$0x140] =	vst v4;
	v4 =	vmul.f32 v52, v51  }
0xd0: {  	v55 =	vld [tilespmem:s30+$0x180]  }
0xd1: {  	[tilespmem:s30+$0x150] =	vst v4;
	v4 =	vmul.f32 v53, v51  }
0xd2: {  	v57 =	vld [tilespmem:s30+$0x190]  }
0xd3: {  	v56 =	vbroadcast v3, $0xE;
	[tilespmem:s30+$0x160] =	vst v4;
	v4 =	vmul.f32 v54, v51  }
0xd4: {  	v58 =	vld [tilespmem:s30+$0x1A0]  }
0xd5: {  	[tilespmem:s30+$0x170] =	vst v4;
	v4 =	vmul.f32 v55, v56  }
0xd6: {  	v59 =	vld [tilespmem:s30+$0x1B0]  }
0xd7: {  	[tilespmem:s30+$0x180] =	vst v4;
	v4 =	vmul.f32 v57, v56  }
0xd8: {  	v60 =	vld [tilespmem:s30+$0x1C0]  }
0xd9: {  	[tilespmem:s30+$0x190] =	vst v4;
	v4 =	vmul.f32 v58, v56  }
0xda: {  	v61 =	vld [tilespmem:s30+$0x1D0]  }
0xdb: {  	v3 =	vbroadcast v3, $0xF;
	[tilespmem:s30+$0x1A0] =	vst v4;
	v4 =	vmul.f32 v59, v56  }
0xdc: {  	v62 =	vld [tilespmem:s30+$0x1E0]  }
0xdd: {  	v63 =	vld [tilespmem:s30+$0x1F0];
	[tilespmem:s30+$0x1B0] =	vst v4;
	v4 =	vmul.f32 v60, v3;
	_ =	sdelay $0x1  }
0xde: {  	p0 =	sne.s32 s31, $0x1C0;
	[tilespmem:s30+$0x1C0] =	vst v4;
	v4 =	vmul.f32 v61, v3  }
.Ltmp4:
0xdf: {  	_ = 	snop;
	(pc) =	sbr.rel @p0 .LBB2_7-.Ltmp4, $4  }
0xe0: {  	[tilespmem:s30+$0x1D0] =	vst v4;
	v4 =	vmul.f32 v62, v3  }
0xe1: {  	v3 =	vmul.f32 v63, v3  }
0xe2: {  	[tilespmem:s30+$0x1E0] =	vst v4  }
0xe3: {  	s31 =	sadd.s32 $0x40, s31;
	[tilespmem:s30+$0x1F0] =	vst v3;
	s30 =	sadd.s32 $0x400, s30  }
0xe4: {  	s29 =	sshrl.u32 s29, $0x2  }
0xe5: {  	s0 =	sadd.s32 $0x5000, s29  }
0xe6: {  	v2 =	vmov s28;
	[spmem:s2] =	stream.indirect.scatter.add.f32 [tilespmem:s16], [sflag:$0x3], $0x40, s0, s17, $0xb8;
	[tilespmem:$0x1D000] =	vst v63  }
0xe7: {  	_ =	swait.ge [sflag:s20], $0x2000  }
0xe8: {  	[sflag:s20] =	ssyncset.done $0x0  }
0xe9: {  	s30 =	simm.s32 $0x0;
	s31 =	simm.s32 $0x11200;
	[sflag:s20] =	ssyncadd.s32 $0xFFFFE000  }
.LBB2_9:
0xea: {  	s0 =	sshra.s32 s30, $0x2  }
0xeb: {  	v3 =	vld.idx.msk [tilespmem:v2+s0+$0x0 ss:$0x1], $0xffff;
	_ =	sdelay $0x1  }
0xec: {  	v4 =	vld [tilespmem:s31+$0xFFFFFE00];
	_ =	sdelay $0x1  }
0xed: {  	v43 =	vld [tilespmem:s31+$0xFFFFFE10]  }
0xee: {  	v5 =	vbroadcast v3, $0x0  }
0xef: {  	v44 =	vld [tilespmem:s31+$0xFFFFFE20]  }
0xf0: {  	v4 =	vmul.f32 v5, v4  }
0xf1: {  	v45 =	vld [tilespmem:s31+$0xFFFFFE30]  }
0xf2: {  	[tilespmem:s31+$0xFFFFFE00] =	vst v4;
	v4 =	vmul.f32 v43, v5  }
0xf3: {  	v46 =	vld [tilespmem:s31+$0xFFFFFE40]  }
0xf4: {  	[tilespmem:s31+$0xFFFFFE10] =	vst v4;
	v4 =	vmul.f32 v44, v5  }
0xf5: {  	v48 =	vld [tilespmem:s31+$0xFFFFFE50]  }
0xf6: {  	v47 =	vbroadcast v3, $0x1;
	[tilespmem:s31+$0xFFFFFE20] =	vst v4;
	v4 =	vmul.f32 v45, v5  }
0xf7: {  	v49 =	vld [tilespmem:s31+$0xFFFFFE60]  }
0xf8: {  	[tilespmem:s31+$0xFFFFFE30] =	vst v4;
	v4 =	vmul.f32 v46, v47  }
0xf9: {  	v50 =	vld [tilespmem:s31+$0xFFFFFE70]  }
0xfa: {  	[tilespmem:s31+$0xFFFFFE40] =	vst v4;
	v4 =	vmul.f32 v48, v47  }
0xfb: {  	v51 =	vld [tilespmem:s31+$0xFFFFFE80]  }
0xfc: {  	[tilespmem:s31+$0xFFFFFE50] =	vst v4;
	v4 =	vmul.f32 v49, v47  }
0xfd: {  	v53 =	vld [tilespmem:s31+$0xFFFFFE90]  }
0xfe: {  	v52 =	vbroadcast v3, $0x2;
	[tilespmem:s31+$0xFFFFFE60] =	vst v4;
	v4 =	vmul.f32 v50, v47  }
0xff: {  	v54 =	vld [tilespmem:s31+$0xFFFFFEA0]  }
0x100: {  	[tilespmem:s31+$0xFFFFFE70] =	vst v4;
	v4 =	vmul.f32 v51, v52  }
0x101: {  	v55 =	vld [tilespmem:s31+$0xFFFFFEB0]  }
0x102: {  	[tilespmem:s31+$0xFFFFFE80] =	vst v4;
	v4 =	vmul.f32 v53, v52  }
0x103: {  	v56 =	vld [tilespmem:s31+$0xFFFFFEC0]  }
0x104: {  	[tilespmem:s31+$0xFFFFFE90] =	vst v4;
	v4 =	vmul.f32 v54, v52  }
0x105: {  	v58 =	vld [tilespmem:s31+$0xFFFFFED0]  }
0x106: {  	v57 =	vbroadcast v3, $0x3;
	[tilespmem:s31+$0xFFFFFEA0] =	vst v4;
	v4 =	vmul.f32 v55, v52  }
0x107: {  	v59 =	vld [tilespmem:s31+$0xFFFFFEE0]  }
0x108: {  	[tilespmem:s31+$0xFFFFFEB0] =	vst v4;
	v4 =	vmul.f32 v56, v57  }
0x109: {  	v60 =	vld [tilespmem:s31+$0xFFFFFEF0]  }
0x10a: {  	[tilespmem:s31+$0xFFFFFEC0] =	vst v4;
	v4 =	vmul.f32 v58, v57  }
0x10b: {  	v61 =	vld [tilespmem:s31+$0xFFFFFF00]  }
0x10c: {  	[tilespmem:s31+$0xFFFFFED0] =	vst v4;
	v4 =	vmul.f32 v59, v57  }
0x10d: {  	v63 =	vld [tilespmem:s31+$0xFFFFFF10]  }
0x10e: {  	v62 =	vbroadcast v3, $0x4;
	[tilespmem:s31+$0xFFFFFEE0] =	vst v4;
	v4 =	vmul.f32 v60, v57  }
0x10f: {  	v8 =	vld [tilespmem:s31+$0xFFFFFF20]  }
0x110: {  	[tilespmem:s31+$0xFFFFFEF0] =	vst v4;
	v4 =	vmul.f32 v61, v62  }
0x111: {  	v9 =	vld [tilespmem:s31+$0xFFFFFF30]  }
0x112: {  	[tilespmem:s31+$0xFFFFFF00] =	vst v4;
	v4 =	vmul.f32 v63, v62  }
0x113: {  	v10 =	vld [tilespmem:s31+$0xFFFFFF40]  }
0x114: {  	[tilespmem:s31+$0xFFFFFF10] =	vst v4;
	v4 =	vmul.f32 v8, v62  }
0x115: {  	v12 =	vld [tilespmem:s31+$0xFFFFFF50]  }
0x116: {  	v11 =	vbroadcast v3, $0x5;
	[tilespmem:s31+$0xFFFFFF20] =	vst v4;
	v4 =	vmul.f32 v9, v62  }
0x117: {  	v13 =	vld [tilespmem:s31+$0xFFFFFF60]  }
0x118: {  	[tilespmem:s31+$0xFFFFFF30] =	vst v4;
	v4 =	vmul.f32 v10, v11  }
0x119: {  	v14 =	vld [tilespmem:s31+$0xFFFFFF70]  }
0x11a: {  	[tilespmem:s31+$0xFFFFFF40] =	vst v4;
	v4 =	vmul.f32 v12, v11  }
0x11b: {  	v15 =	vld [tilespmem:s31+$0xFFFFFF80]  }
0x11c: {  	[tilespmem:s31+$0xFFFFFF50] =	vst v4;
	v4 =	vmul.f32 v13, v11  }
0x11d: {  	v17 =	vld [tilespmem:s31+$0xFFFFFF90]  }
0x11e: {  	v16 =	vbroadcast v3, $0x6;
	[tilespmem:s31+$0xFFFFFF60] =	vst v4;
	v4 =	vmul.f32 v14, v11  }
0x11f: {  	v18 =	vld [tilespmem:s31+$0xFFFFFFA0]  }
0x120: {  	[tilespmem:s31+$0xFFFFFF70] =	vst v4;
	v4 =	vmul.f32 v15, v16  }
0x121: {  	v19 =	vld [tilespmem:s31+$0xFFFFFFB0]  }
0x122: {  	[tilespmem:s31+$0xFFFFFF80] =	vst v4;
	v4 =	vmul.f32 v17, v16  }
0x123: {  	v20 =	vld [tilespmem:s31+$0xFFFFFFC0]  }
0x124: {  	[tilespmem:s31+$0xFFFFFF90] =	vst v4;
	v4 =	vmul.f32 v18, v16  }
0x125: {  	v22 =	vld [tilespmem:s31+$0xFFFFFFD0]  }
0x126: {  	v21 =	vbroadcast v3, $0x7;
	[tilespmem:s31+$0xFFFFFFA0] =	vst v4;
	v4 =	vmul.f32 v19, v16  }
0x127: {  	v23 =	vld [tilespmem:s31+$0xFFFFFFE0]  }
0x128: {  	[tilespmem:s31+$0xFFFFFFB0] =	vst v4;
	v4 =	vmul.f32 v20, v21  }
0x129: {  	v24 =	vld [tilespmem:s31+$0xFFFFFFF0]  }
0x12a: {  	[tilespmem:s31+$0xFFFFFFC0] =	vst v4;
	v4 =	vmul.f32 v22, v21  }
0x12b: {  	v25 =	vld [tilespmem:s31+$0x0]  }
0x12c: {  	[tilespmem:s31+$0xFFFFFFD0] =	vst v4;
	v4 =	vmul.f32 v23, v21  }
0x12d: {  	v27 =	vld [tilespmem:s31+$0x10]  }
0x12e: {  	v26 =	vbroadcast v3, $0x8;
	[tilespmem:s31+$0xFFFFFFE0] =	vst v4;
	v4 =	vmul.f32 v24, v21  }
0x12f: {  	v28 =	vld [tilespmem:s31+$0x20]  }
0x130: {  	[tilespmem:s31+$0xFFFFFFF0] =	vst v4;
	v4 =	vmul.f32 v25, v26  }
0x131: {  	v29 =	vld [tilespmem:s31+$0x30]  }
0x132: {  	[tilespmem:s31+$0x0] =	vst v4;
	v4 =	vmul.f32 v27, v26  }
0x133: {  	v30 =	vld [tilespmem:s31+$0x40]  }
0x134: {  	[tilespmem:s31+$0x10] =	vst v4;
	v4 =	vmul.f32 v28, v26  }
0x135: {  	v32 =	vld [tilespmem:s31+$0x50]  }
0x136: {  	v31 =	vbroadcast v3, $0x9;
	[tilespmem:s31+$0x20] =	vst v4;
	v4 =	vmul.f32 v29, v26  }
0x137: {  	v33 =	vld [tilespmem:s31+$0x60]  }
0x138: {  	[tilespmem:s31+$0x30] =	vst v4;
	v4 =	vmul.f32 v30, v31  }
0x139: {  	v34 =	vld [tilespmem:s31+$0x70]  }
0x13a: {  	[tilespmem:s31+$0x40] =	vst v4;
	v4 =	vmul.f32 v32, v31  }
0x13b: {  	v35 =	vld [tilespmem:s31+$0x80]  }
0x13c: {  	[tilespmem:s31+$0x50] =	vst v4;
	v4 =	vmul.f32 v33, v31  }
0x13d: {  	v37 =	vld [tilespmem:s31+$0x90]  }
0x13e: {  	v36 =	vbroadcast v3, $0xA;
	[tilespmem:s31+$0x60] =	vst v4;
	v4 =	vmul.f32 v34, v31  }
0x13f: {  	v38 =	vld [tilespmem:s31+$0xA0]  }
0x140: {  	[tilespmem:s31+$0x70] =	vst v4;
	v4 =	vmul.f32 v35, v36  }
0x141: {  	v39 =	vld [tilespmem:s31+$0xB0]  }
0x142: {  	[tilespmem:s31+$0x80] =	vst v4;
	v4 =	vmul.f32 v37, v36  }
0x143: {  	v40 =	vld [tilespmem:s31+$0xC0]  }
0x144: {  	[tilespmem:s31+$0x90] =	vst v4;
	v4 =	vmul.f32 v38, v36  }
0x145: {  	v42 =	vld [tilespmem:s31+$0xD0]  }
0x146: {  	v41 =	vbroadcast v3, $0xB;
	[tilespmem:s31+$0xA0] =	vst v4;
	v4 =	vmul.f32 v39, v36  }
0x147: {  	v43 =	vld [tilespmem:s31+$0xE0]  }
0x148: {  	[tilespmem:s31+$0xB0] =	vst v4;
	v4 =	vmul.f32 v40, v41  }
0x149: {  	v44 =	vld [tilespmem:s31+$0xF0]  }
0x14a: {  	[tilespmem:s31+$0xC0] =	vst v4;
	v4 =	vmul.f32 v42, v41  }
0x14b: {  	v45 =	vld [tilespmem:s31+$0x100]  }
0x14c: {  	[tilespmem:s31+$0xD0] =	vst v4;
	v4 =	vmul.f32 v43, v41  }
0x14d: {  	v47 =	vld [tilespmem:s31+$0x110]  }
0x14e: {  	v46 =	vbroadcast v3, $0xC;
	[tilespmem:s31+$0xE0] =	vst v4;
	v4 =	vmul.f32 v44, v41  }
0x14f: {  	v48 =	vld [tilespmem:s31+$0x120]  }
0x150: {  	[tilespmem:s31+$0xF0] =	vst v4;
	v4 =	vmul.f32 v45, v46  }
0x151: {  	v49 =	vld [tilespmem:s31+$0x130]  }
0x152: {  	[tilespmem:s31+$0x100] =	vst v4;
	v4 =	vmul.f32 v47, v46  }
0x153: {  	v50 =	vld [tilespmem:s31+$0x140]  }
0x154: {  	[tilespmem:s31+$0x110] =	vst v4;
	v4 =	vmul.f32 v48, v46  }
0x155: {  	v52 =	vld [tilespmem:s31+$0x150]  }
0x156: {  	v51 =	vbroadcast v3, $0xD;
	[tilespmem:s31+$0x120] =	vst v4;
	v4 =	vmul.f32 v49, v46  }
0x157: {  	v53 =	vld [tilespmem:s31+$0x160]  }
0x158: {  	[tilespmem:s31+$0x130] =	vst v4;
	v4 =	vmul.f32 v50, v51  }
0x159: {  	v54 =	vld [tilespmem:s31+$0x170]  }
0x15a: {  	[tilespmem:s31+$0x140] =	vst v4;
	v4 =	vmul.f32 v52, v51  }
0x15b: {  	v55 =	vld [tilespmem:s31+$0x180]  }
0x15c: {  	[tilespmem:s31+$0x150] =	vst v4;
	v4 =	vmul.f32 v53, v51  }
0x15d: {  	v57 =	vld [tilespmem:s31+$0x190]  }
0x15e: {  	v56 =	vbroadcast v3, $0xE;
	[tilespmem:s31+$0x160] =	vst v4;
	v4 =	vmul.f32 v54, v51  }
0x15f: {  	v58 =	vld [tilespmem:s31+$0x1A0]  }
0x160: {  	[tilespmem:s31+$0x170] =	vst v4;
	v4 =	vmul.f32 v55, v56  }
0x161: {  	v59 =	vld [tilespmem:s31+$0x1B0]  }
0x162: {  	[tilespmem:s31+$0x180] =	vst v4;
	v4 =	vmul.f32 v57, v56  }
0x163: {  	v60 =	vld [tilespmem:s31+$0x1C0]  }
0x164: {  	[tilespmem:s31+$0x190] =	vst v4;
	v4 =	vmul.f32 v58, v56  }
0x165: {  	v61 =	vld [tilespmem:s31+$0x1D0]  }
0x166: {  	v3 =	vbroadcast v3, $0xF;
	[tilespmem:s31+$0x1A0] =	vst v4;
	v4 =	vmul.f32 v59, v56  }
0x167: {  	v62 =	vld [tilespmem:s31+$0x1E0]  }
0x168: {  	v63 =	vld [tilespmem:s31+$0x1F0];
	[tilespmem:s31+$0x1B0] =	vst v4;
	v4 =	vmul.f32 v60, v3;
	_ =	sdelay $0x1  }
0x169: {  	p0 =	sne.s32 s30, $0x1C0;
	[tilespmem:s31+$0x1C0] =	vst v4;
	v4 =	vmul.f32 v61, v3  }
.Ltmp5:
0x16a: {  	_ = 	snop;
	(pc) =	sbr.rel @p0 .LBB2_9-.Ltmp5, $4  }
0x16b: {  	[tilespmem:s31+$0x1D0] =	vst v4;
	v4 =	vmul.f32 v62, v3  }
0x16c: {  	v3 =	vmul.f32 v63, v3  }
0x16d: {  	[tilespmem:s31+$0x1E0] =	vst v4  }
0x16e: {  	s30 =	sadd.s32 $0x40, s30;
	[tilespmem:s31+$0x1F0] =	vst v3;
	s31 =	sadd.s32 $0x400, s31  }
0x16f: {  	p0 =	seq.s32 s25, $0x4F  }
.Ltmp6:
0x170: {  	s0 =	sadd.s32 $0x5080, s29;
	(pc) =	sbr.rel @p0 .LBB2_12-.Ltmp6, $4  }
0x171: {  	[spmem:s2] =	stream.indirect.scatter.add.f32 [tilespmem:s18], [sflag:$0x4], $0x40, s0, s17, $0xb8;
	[tilespmem:$0x1D000] =	vst v63  }
0x172: {  	_ =	swait.ge [sflag:s21], $0x2000  }
0x173: {  	[sflag:s21] =	ssyncset.done $0x0  }
0x174: {  	[sflag:s21] =	ssyncadd.s32 $0xFFFFE000  }
0x175: {  	s0 =	sadd.s32 $0x100, s29  }
0x176: {  	[tilespmem:s16], [sflag:$0x1] =	stream.indirect.gather [hbm4b:s4+s17], $0x40, s0, s17, $0xb8;
	[tilespmem:$0x1D000] =	vst v63  }
.Ltmp7:
0x177: {  	_ = 	snop;
	(pc) =	sbr.rel .LBB2_6-.Ltmp7, $4  }
0x178: {  	_ =	swait.ge [sflag:s22], $0x2000  }
0x179: {  	s31 =	sadd.s32 $0x180, s29;
	s25 =	sadd.s32 $0x1, s25;
	[sflag:s22] =	ssyncset.done $0x0  }
0x17a: {  	s26 =	sadd.s32 $0x100, s26;
	s28 =	sadd.s32 $0x100, s28;
	[sflag:s22] =	ssyncadd.s32 $0xFFFFE000  }
0x17b: {  	[tilespmem:s18], [sflag:$0x2] =	stream.indirect.gather [hbm4b:s4+s17], $0x40, s31, s17, $0xb8;
	[tilespmem:$0x1D000] =	vst v63  }
.LBB2_13:
0x17c: {  	_ =	sfence.sel $0x180000  }
0x17d: {  	[bflag:$0x0] =	sbarrier.arrive $0xFFFF  }
0x17e: {  	_ =	strace $0x90000047  }
0x17f: {  	[bflag:$0x2] =	sbarrier.arrive $0xFFFF  }
0x180: {  	p0 =	sne.s32 s1, $0x0;
	s0 =	rddreg [dreg:$0x5]  }
0x181: {  	s0 =	sadd.s32 @!p0 $0x100000, s0  }
0x182: {  	[sflag:s0] =	ssyncadd.tile.s32 @!p0 $0x1;
	_ =	shalt  }
.Lfunc_end2:
_tile_overlayer_lowered:
.L_overlay_start_2:
0x183: {  	(tag) =	ssettag $0x2  }
0x184: {  	s0 =	rddreg [dreg:$0x0];
	s2 =	stileid.u32  }
0x185: {  	s1 =	rddreg [dreg:$0x1];
	p0 =	sne.s32 s2, $0x0  }
0x186: {  	s3 =	rddreg [dreg:$0x2];
	[bflag:$0x3] =	sbarrier.arrive $0xFFFF;
	s2 =	simm.s32 @!p0 $0x1C05  }
0x187: {  	[timem:s3], [sflag:s2] =	dma.local @!p0 [hbm:s0], s1  }
0x188: {  	s0 =	simm.s32 @!p0 $0x5  }
0x189: {  	_ =	swait.ge @!p0 [sflag:s0], s1  }
0x18a: {  	s1 =	ssub.s32 @!p0 $0x0, s1;
	[sflag:s0] =	ssyncset.done @!p0 $0x0  }
0x18b: {  	[sflag:s0] =	ssyncadd.s32 @!p0 s1  }
0x18c: {  	[bflag:$0x3] =	sbarrier.arrive $0xFFFF  }
0x18d: {  	_ =	shalt  }

</sc_bundles>
